<compile_context>
chip_gen: v7x
topology: tpu7x:2x2x1
jax: 0.10.2.dev20260603
libtpu: 0.0.44.dev20260713+nightly
codegen_flags: <defaults>
</compile_context>

<pallas_src>
import functools

import jax
import jax.numpy as jnp
from jax import lax
from jax.experimental import pallas as pl
from jax.experimental.pallas import tpu as pltpu
from jax.experimental.pallas import tpu_sc as plsc

_ROWS = 8192
_DIM = 4096
_NQ = 4
_QW = _DIM // _NQ
_L = 16
_NC = 2
_NS = 16
_NW = _NC * _NS
_RPT = _ROWS // _NW
_RB = 8
_NSTR = _RPT // _RB
_NPAIR = _NSTR // 2
_QC = _QW // _L

_mesh = plsc.VectorSubcoreMesh(core_axis_name="c", subcore_axis_name="s")


@functools.partial(
    pl.kernel,
    out_type=jax.ShapeDtypeStruct((_ROWS, _DIM), jnp.float32),
    mesh=_mesh,
    scratch_types=[
        pltpu.VMEM((_DIM,), jnp.int32),
        pltpu.VMEM((_RB, _DIM), jnp.float32),
        pltpu.VMEM((_RB, _DIM), jnp.float32),
        pltpu.VMEM((_RB, _QW), jnp.float32),
        pltpu.VMEM((_RB, _QW), jnp.float32),
        pltpu.VMEM((_RB, _QW), jnp.float32),
        pltpu.VMEM((_RB, _QW), jnp.float32),
        pltpu.SemaphoreType.DMA,
        pltpu.SemaphoreType.DMA,
        pltpu.SemaphoreType.DMA,
        pltpu.SemaphoreType.DMA,
        pltpu.SemaphoreType.DMA,
        pltpu.SemaphoreType.DMA,
    ],
    compiler_params=pltpu.CompilerParams(
        needs_layout_passes=False, disable_bounds_checks=True),
)
def _permute_cols(x_hbm, perm_hbm, out_hbm, perm_v, in0, in1,
                  q0, q1, q2, q3, isem0, isem1, os0, os1, os2, os3):
    qbufs = (q0, q1, q2, q3)
    osems = (os0, os1, os2, os3)
    wid = lax.axis_index("s") * _NC + lax.axis_index("c")
    row_base = wid * _RPT

    def start_in(s, buf, sem):
        pltpu.async_copy(x_hbm.at[pl.ds(row_base + s * _RB, _RB)], buf, sem)

    def wait_in(buf, sem):
        pltpu.make_async_copy(x_hbm.at[pl.ds(row_base, _RB)], buf, sem).wait()

    def start_out(s, q, buf, sem):
        dst = out_hbm.at[pl.ds(row_base + s * _RB, _RB), pl.ds(q * _QW, _QW)]
        pltpu.async_copy(buf, dst, sem)

    def wait_out(buf, sem):
        src = x_hbm.at[pl.ds(row_base, _RB), pl.ds(0, _QW)]
        pltpu.make_async_copy(src, buf, sem).wait()

    def gather_quarter(in_buf, out_buf, q):
        @plsc.parallel_loop(0, _QC, step=1, unroll=4)
        def _(jc):
            col = q * _QW + jc * _L
            idx = perm_v[pl.ds(col, _L)]
            for r in range(_RB):
                rv = jnp.full((_L,), r, dtype=jnp.int32)
                vals = plsc.load_gather(in_buf, [rv, idx])
                out_buf[r, pl.ds(jc * _L, _L)] = vals

    start_in(0, in0, isem0)
    start_in(1, in1, isem1)
    pltpu.sync_copy(perm_hbm, perm_v)

    def pair_body(p, carry):
        s0 = 2 * p

        wait_in(in0, isem0)
        for q in range(_NQ):
            @pl.when(p > 0)
            def _(q=q):
                wait_out(qbufs[q], osems[q])

            gather_quarter(in0, qbufs[q], q)
            start_out(s0, q, qbufs[q], osems[q])

        @pl.when(p < _NPAIR - 1)
        def _():
            start_in(s0 + 2, in0, isem0)

        wait_in(in1, isem1)
        for q in range(_NQ):
            wait_out(qbufs[q], osems[q])
            gather_quarter(in1, qbufs[q], q)
            start_out(s0 + 1, q, qbufs[q], osems[q])

        @pl.when(p < _NPAIR - 1)
        def _():
            start_in(s0 + 3, in1, isem1)

        return carry

    lax.fori_loop(0, _NPAIR, pair_body, 0)
    for q in range(_NQ):
        wait_out(qbufs[q], osems[q])


def kernel(x, perm):
    return _permute_cols(x, perm.astype(jnp.int32))

# --- scband reference (transcript-rebuilt; emitter-appended) ---
"""Pipeline reference for scband-invertible-permutation-31722628448863 (READ-ONLY COPY).

The authoritative reference and input builder live on the scoring server;
editing this copy changes nothing except your own understanding.
"""

import jax, jax.numpy as jnp
import numpy as np

DIM = 4096
SEED = 0

def _make_perm():
    rng = np.random.RandomState(SEED)
    perm = rng.permutation(DIM).astype(np.int64)
    return jnp.asarray(perm)

def setup_inputs(seed: int = 0) -> dict:
    key = jax.random.key(seed)
    x = jax.random.normal(key, (8192, DIM), dtype=jnp.float32)
    perm = _make_perm()
    return {"x": x, "perm": perm}

def reference(x, perm):
    # x[:, perm] — gather columns according to the fixed permutation
    return jnp.take(x, perm, axis=1)

if __name__ == "__main__":
    import jax
    _d = setup_inputs()
    print(jax.jit(kernel)(*tuple(_d.values())))

</pallas_src>

<mosaic_0001>
#map = affine_map<(d0, d1) -> (0, 0)>
#map1 = affine_map<(d0, d1) -> (0)>
module attributes {stable_mosaic.version = 14 : i64} {
  func.func @_permute_cols(%arg0: i32, %arg1: i32, %arg2: memref<8192x4096xf32, #tpu.memory_space<hbm>>, %arg3: memref<4096xi32, #tpu.memory_space<hbm>>, %arg4: memref<8192x4096xf32, #tpu.memory_space<hbm>>, %arg5: memref<4096xi32, #tpu.memory_space<vmem>>, %arg6: memref<8x4096xf32, #tpu.memory_space<vmem>>, %arg7: memref<8x4096xf32, #tpu.memory_space<vmem>>, %arg8: memref<8x1024xf32, #tpu.memory_space<vmem>>, %arg9: memref<8x1024xf32, #tpu.memory_space<vmem>>, %arg10: memref<8x1024xf32, #tpu.memory_space<vmem>>, %arg11: memref<8x1024xf32, #tpu.memory_space<vmem>>, %arg12: memref<!tpu.dma_semaphore, #tpu.memory_space<semaphore_mem>>, %arg13: memref<!tpu.dma_semaphore, #tpu.memory_space<semaphore_mem>>, %arg14: memref<!tpu.dma_semaphore, #tpu.memory_space<semaphore_mem>>, %arg15: memref<!tpu.dma_semaphore, #tpu.memory_space<semaphore_mem>>, %arg16: memref<!tpu.dma_semaphore, #tpu.memory_space<semaphore_mem>>, %arg17: memref<!tpu.dma_semaphore, #tpu.memory_space<semaphore_mem>>) attributes {dimension_semantics = [#tpu.dimension_semantics<core_parallel>, #tpu.dimension_semantics<subcore_parallel>], iteration_bounds = array<i64: 2, 16>, scalar_prefetch = 0 : i64, scratch_operands = 13 : i64, tpu.core_type = #tpu.core_type<sc_vector_subcore>, window_params = [{transform_indices = #map}, {transform_indices = #map1}, {transform_indices = #map}]} {
    %mul3A = arith.constant 2 : i32
    %mul3A_0 = arith.muli %arg1, %mul3A : i32
    %add3A = arith.addi %mul3A_0, %arg0 : i32
    %mul3A_1 = arith.constant 256 : i32
    %mul3A_2 = arith.muli %add3A, %mul3A_1 : i32
    %add3A_3 = arith.constant 0 : i32
    %add3A_4 = arith.addi %mul3A_2, %add3A_3 : i32
    %dma_start3A = arith.constant 0 : i32
    %dma_start3A_5 = tpu.memref_slice %arg2[%add3A_4, %dma_start3A] : memref<8192x4096xf32, #tpu.memory_space<hbm>> -> memref<8x4096xf32, #tpu.memory_space<hbm>>
    %dma_start3A_6 = arith.constant 0 : i32
    %dma_start3A_7 = tpu.memref_slice %arg2[%add3A_4, %dma_start3A_6] : memref<8192x4096xf32, #tpu.memory_space<hbm>> -> memref<8x4096xf32, #tpu.memory_space<hbm>>
    tpu.enqueue_dma source(%dma_start3A_7 : memref<8x4096xf32, #tpu.memory_space<hbm>>) target(%arg6 : memref<8x4096xf32, #tpu.memory_space<vmem>>) target_semaphore(%arg12 : memref<!tpu.dma_semaphore, #tpu.memory_space<semaphore_mem>>)
    %add3A_8 = arith.constant 8 : i32
    %add3A_9 = arith.addi %mul3A_2, %add3A_8 : i32
    %dma_start3A_10 = arith.constant 0 : i32
    %dma_start3A_11 = tpu.memref_slice %arg2[%add3A_9, %dma_start3A_10] : memref<8192x4096xf32, #tpu.memory_space<hbm>> -> memref<8x4096xf32, #tpu.memory_space<hbm>>
    %dma_start3A_12 = arith.constant 0 : i32
    %dma_start3A_13 = tpu.memref_slice %arg2[%add3A_9, %dma_start3A_12] : memref<8192x4096xf32, #tpu.memory_space<hbm>> -> memref<8x4096xf32, #tpu.memory_space<hbm>>
    tpu.enqueue_dma source(%dma_start3A_13 : memref<8x4096xf32, #tpu.memory_space<hbm>>) target(%arg7 : memref<8x4096xf32, #tpu.memory_space<vmem>>) target_semaphore(%arg13 : memref<!tpu.dma_semaphore, #tpu.memory_space<semaphore_mem>>)
    "tpu.region"() ({
      %run_scoped3A = tpu.sem_alloc : memref<!tpu.dma_semaphore, #tpu.memory_space<semaphore_mem>>
      tpu.enqueue_dma source(%arg3 : memref<4096xi32, #tpu.memory_space<hbm>>) target(%arg5 : memref<4096xi32, #tpu.memory_space<vmem>>) target_semaphore(%run_scoped3A : memref<!tpu.dma_semaphore, #tpu.memory_space<semaphore_mem>>)
      tpu.wait_dma2 semaphore(%run_scoped3A : memref<!tpu.dma_semaphore, #tpu.memory_space<semaphore_mem>>) src(%arg3 : memref<4096xi32, #tpu.memory_space<hbm>>) dst(%arg5 : memref<4096xi32, #tpu.memory_space<vmem>>)
      tpu.yield
    }) : () -> ()
    %scan3A = arith.constant 0 : i32
    %scan3A_14 = arith.constant 0 : i32
    %scan3A_15 = arith.constant 16 : i32
    %scan3A_16 = arith.addi %scan3A_14, %scan3A_15 : i32
    %scan3A_17 = arith.constant 1 : i32
    scf.for %scan3A_34 = %scan3A_14 to %scan3A_16 step %scan3A_17  : i32 {
      %mul3A_35 = arith.constant 2 : i32
      %mul3A_36 = arith.muli %mul3A_35, %scan3A_34 : i32
      %dma_wait3A_37 = arith.constant 0 : i32
      %dma_wait3A_38 = tpu.memref_slice %arg2[%mul3A_2, %dma_wait3A_37] : memref<8192x4096xf32, #tpu.memory_space<hbm>> -> memref<8x4096xf32, #tpu.memory_space<hbm>>
      %dma_wait3A_39 = arith.constant 0 : i32
      %dma_wait3A_40 = tpu.memref_slice %arg2[%mul3A_2, %dma_wait3A_39] : memref<8192x4096xf32, #tpu.memory_space<hbm>> -> memref<8x4096xf32, #tpu.memory_space<hbm>>
      tpu.wait_dma2 semaphore(%arg12 : memref<!tpu.dma_semaphore, #tpu.memory_space<semaphore_mem>>) src(%dma_wait3A_40 : memref<8x4096xf32, #tpu.memory_space<hbm>>) dst(%arg6 : memref<8x4096xf32, #tpu.memory_space<vmem>>)
      %gt3A = arith.constant 0 : i32
      %gt3A_41 = arith.cmpi sgt, %scan3A_34, %gt3A : i32
      %convert_element_type3A = arith.extui %gt3A_41 : i1 to i32
      %cond3A = arith.constant 0 : i32
      %cond3A_42 = arith.cmpi ne, %convert_element_type3A, %cond3A : i32
      scf.if %cond3A_42 {
        %dma_wait3A_174 = arith.constant 0 : i32
        %dma_wait3A_175 = tpu.memref_slice %arg2[%mul3A_2, %dma_wait3A_174] : memref<8192x4096xf32, #tpu.memory_space<hbm>> -> memref<8x1024xf32, #tpu.memory_space<hbm>>
        %dma_wait3A_176 = arith.constant 0 : i32
        %dma_wait3A_177 = tpu.memref_slice %arg2[%mul3A_2, %dma_wait3A_176] : memref<8192x4096xf32, #tpu.memory_space<hbm>> -> memref<8x1024xf32, #tpu.memory_space<hbm>>
        tpu.wait_dma2 semaphore(%arg14 : memref<!tpu.dma_semaphore, #tpu.memory_space<semaphore_mem>>) src(%dma_wait3A_177 : memref<8x1024xf32, #tpu.memory_space<hbm>>) dst(%arg8 : memref<8x1024xf32, #tpu.memory_space<vmem>>)
      } else {
      }
      %parallel_loop3A = arith.constant 0 : i32
      %parallel_loop3A_43 = arith.constant 64 : i32
      %parallel_loop3A_44 = arith.constant 1 : i32
      scf.for %parallel_loop3A_174 = %parallel_loop3A to %parallel_loop3A_43 step %parallel_loop3A_44  : i32 {
        %parallel_loop3A_175 = arith.constant 16 : i32
        %parallel_loop3A_176 = arith.muli %parallel_loop3A_174, %parallel_loop3A_175 : i32
        %parallel_loop3A_177 = arith.constant 0 : i32
        %parallel_loop3A_178 = arith.addi %parallel_loop3A_177, %parallel_loop3A_176 : i32
        %parallel_loop3A_179 = arith.index_cast %parallel_loop3A_178 : i32 to index
        %parallel_loop3A_180 = tpu.vector_load %arg5[%parallel_loop3A_179] {strides = array<i32>} : memref<4096xi32, #tpu.memory_space<vmem>>, vector<16xi32>,
        %parallel_loop3A_181 = arith.constant 0 : i32
        %parallel_loop3A_182 = vector.broadcast %parallel_loop3A_181 : i32 to vector<16xi32>
        %parallel_loop3A_183 = tpu.vector_load_idx %arg6[%parallel_loop3A_182, %parallel_loop3A_180] : memref<8x4096xf32, #tpu.memory_space<vmem>>[vector<16xi32>, vector<16xi32>], vector<16xf32>,
        %parallel_loop3A_184 = arith.constant 16 : i32
        %parallel_loop3A_185 = arith.muli %parallel_loop3A_174, %parallel_loop3A_184 : i32
        %parallel_loop3A_186 = arith.constant 0 : i32
        %parallel_loop3A_187 = arith.index_cast %parallel_loop3A_186 : i32 to index
        %parallel_loop3A_188 = arith.index_cast %parallel_loop3A_185 : i32 to index
        %parallel_loop3A_189 = tpu.vector_load %arg8[%parallel_loop3A_187, %parallel_loop3A_188] {strides = array<i32>} : memref<8x1024xf32, #tpu.memory_space<vmem>>, vector<16xf32>,
        tpu.vector_store %arg8[%parallel_loop3A_187, %parallel_loop3A_188], %parallel_loop3A_183 {strides = array<i32>} : memref<8x1024xf32, #tpu.memory_space<vmem>>, vector<16xf32>,
        %parallel_loop3A_190 = arith.constant 1 : i32
        %parallel_loop3A_191 = vector.broadcast %parallel_loop3A_190 : i32 to vector<16xi32>
        %parallel_loop3A_192 = tpu.vector_load_idx %arg6[%parallel_loop3A_191, %parallel_loop3A_180] : memref<8x4096xf32, #tpu.memory_space<vmem>>[vector<16xi32>, vector<16xi32>], vector<16xf32>,
        %parallel_loop3A_193 = arith.constant 16 : i32
        %parallel_loop3A_194 = arith.muli %parallel_loop3A_174, %parallel_loop3A_193 : i32
        %parallel_loop3A_195 = arith.constant 1 : i32
        %parallel_loop3A_196 = arith.index_cast %parallel_loop3A_195 : i32 to index
        %parallel_loop3A_197 = arith.index_cast %parallel_loop3A_194 : i32 to index
        %parallel_loop3A_198 = tpu.vector_load %arg8[%parallel_loop3A_196, %parallel_loop3A_197] {strides = array<i32>} : memref<8x1024xf32, #tpu.memory_space<vmem>>, vector<16xf32>,
        tpu.vector_store %arg8[%parallel_loop3A_196, %parallel_loop3A_197], %parallel_loop3A_192 {strides = array<i32>} : memref<8x1024xf32, #tpu.memory_space<vmem>>, vector<16xf32>,
        %parallel_loop3A_199 = arith.constant 2 : i32
        %parallel_loop3A_200 = vector.broadcast %parallel_loop3A_199 : i32 to vector<16xi32>
        %parallel_loop3A_201 = tpu.vector_load_idx %arg6[%parallel_loop3A_200, %parallel_loop3A_180] : memref<8x4096xf32, #tpu.memory_space<vmem>>[vector<16xi32>, vector<16xi32>], vector<16xf32>,
        %parallel_loop3A_202 = arith.constant 16 : i32
        %parallel_loop3A_203 = arith.muli %parallel_loop3A_174, %parallel_loop3A_202 : i32
        %parallel_loop3A_204 = arith.constant 2 : i32
        %parallel_loop3A_205 = arith.index_cast %parallel_loop3A_204 : i32 to index
        %parallel_loop3A_206 = arith.index_cast %parallel_loop3A_203 : i32 to index
        %parallel_loop3A_207 = tpu.vector_load %arg8[%parallel_loop3A_205, %parallel_loop3A_206] {strides = array<i32>} : memref<8x1024xf32, #tpu.memory_space<vmem>>, vector<16xf32>,
        tpu.vector_store %arg8[%parallel_loop3A_205, %parallel_loop3A_206], %parallel_loop3A_201 {strides = array<i32>} : memref<8x1024xf32, #tpu.memory_space<vmem>>, vector<16xf32>,
        %parallel_loop3A_208 = arith.constant 3 : i32
        %parallel_loop3A_209 = vector.broadcast %parallel_loop3A_208 : i32 to vector<16xi32>
        %parallel_loop3A_210 = tpu.vector_load_idx %arg6[%parallel_loop3A_209, %parallel_loop3A_180] : memref<8x4096xf32, #tpu.memory_space<vmem>>[vector<16xi32>, vector<16xi32>], vector<16xf32>,
        %parallel_loop3A_211 = arith.constant 16 : i32
        %parallel_loop3A_212 = arith.muli %parallel_loop3A_174, %parallel_loop3A_211 : i32
        %parallel_loop3A_213 = arith.constant 3 : i32
        %parallel_loop3A_214 = arith.index_cast %parallel_loop3A_213 : i32 to index
        %parallel_loop3A_215 = arith.index_cast %parallel_loop3A_212 : i32 to index
        %parallel_loop3A_216 = tpu.vector_load %arg8[%parallel_loop3A_214, %parallel_loop3A_215] {strides = array<i32>} : memref<8x1024xf32, #tpu.memory_space<vmem>>, vector<16xf32>,
        tpu.vector_store %arg8[%parallel_loop3A_214, %parallel_loop3A_215], %parallel_loop3A_210 {strides = array<i32>} : memref<8x1024xf32, #tpu.memory_space<vmem>>, vector<16xf32>,
        %parallel_loop3A_217 = arith.constant 4 : i32
        %parallel_loop3A_218 = vector.broadcast %parallel_loop3A_217 : i32 to vector<16xi32>
        %parallel_loop3A_219 = tpu.vector_load_idx %arg6[%parallel_loop3A_218, %parallel_loop3A_180] : memref<8x4096xf32, #tpu.memory_space<vmem>>[vector<16xi32>, vector<16xi32>], vector<16xf32>,
        %parallel_loop3A_220 = arith.constant 16 : i32
        %parallel_loop3A_221 = arith.muli %parallel_loop3A_174, %parallel_loop3A_220 : i32
        %parallel_loop3A_222 = arith.constant 4 : i32
        %parallel_loop3A_223 = arith.index_cast %parallel_loop3A_222 : i32 to index
        %parallel_loop3A_224 = arith.index_cast %parallel_loop3A_221 : i32 to index
        %parallel_loop3A_225 = tpu.vector_load %arg8[%parallel_loop3A_223, %parallel_loop3A_224] {strides = array<i32>} : memref<8x1024xf32, #tpu.memory_space<vmem>>, vector<16xf32>,
        tpu.vector_store %arg8[%parallel_loop3A_223, %parallel_loop3A_224], %parallel_loop3A_219 {strides = array<i32>} : memref<8x1024xf32, #tpu.memory_space<vmem>>, vector<16xf32>,
        %parallel_loop3A_226 = arith.constant 5 : i32
        %parallel_loop3A_227 = vector.broadcast %parallel_loop3A_226 : i32 to vector<16xi32>
        %parallel_loop3A_228 = tpu.vector_load_idx %arg6[%parallel_loop3A_227, %parallel_loop3A_180] : memref<8x4096xf32, #tpu.memory_space<vmem>>[vector<16xi32>, vector<16xi32>], vector<16xf32>,
        %parallel_loop3A_229 = arith.constant 16 : i32
        %parallel_loop3A_230 = arith.muli %parallel_loop3A_174, %parallel_loop3A_229 : i32
        %parallel_loop3A_231 = arith.constant 5 : i32
        %parallel_loop3A_232 = arith.index_cast %parallel_loop3A_231 : i32 to index
        %parallel_loop3A_233 = arith.index_cast %parallel_loop3A_230 : i32 to index
        %parallel_loop3A_234 = tpu.vector_load %arg8[%parallel_loop3A_232, %parallel_loop3A_233] {strides = array<i32>} : memref<8x1024xf32, #tpu.memory_space<vmem>>, vector<16xf32>,
        tpu.vector_store %arg8[%parallel_loop3A_232, %parallel_loop3A_233], %parallel_loop3A_228 {strides = array<i32>} : memref<8x1024xf32, #tpu.memory_space<vmem>>, vector<16xf32>,
        %parallel_loop3A_235 = arith.constant 6 : i32
        %parallel_loop3A_236 = vector.broadcast %parallel_loop3A_235 : i32 to vector<16xi32>
        %parallel_loop3A_237 = tpu.vector_load_idx %arg6[%parallel_loop3A_236, %parallel_loop3A_180] : memref<8x4096xf32, #tpu.memory_space<vmem>>[vector<16xi32>, vector<16xi32>], vector<16xf32>,
        %parallel_loop3A_238 = arith.constant 16 : i32
        %parallel_loop3A_239 = arith.muli %parallel_loop3A_174, %parallel_loop3A_238 : i32
        %parallel_loop3A_240 = arith.constant 6 : i32
        %parallel_loop3A_241 = arith.index_cast %parallel_loop3A_240 : i32 to index
        %parallel_loop3A_242 = arith.index_cast %parallel_loop3A_239 : i32 to index
        %parallel_loop3A_243 = tpu.vector_load %arg8[%parallel_loop3A_241, %parallel_loop3A_242] {strides = array<i32>} : memref<8x1024xf32, #tpu.memory_space<vmem>>, vector<16xf32>,
        tpu.vector_store %arg8[%parallel_loop3A_241, %parallel_loop3A_242], %parallel_loop3A_237 {strides = array<i32>} : memref<8x1024xf32, #tpu.memory_space<vmem>>, vector<16xf32>,
        %parallel_loop3A_244 = arith.constant 7 : i32
        %parallel_loop3A_245 = vector.broadcast %parallel_loop3A_244 : i32 to vector<16xi32>
        %parallel_loop3A_246 = tpu.vector_load_idx %arg6[%parallel_loop3A_245, %parallel_loop3A_180] : memref<8x4096xf32, #tpu.memory_space<vmem>>[vector<16xi32>, vector<16xi32>], vector<16xf32>,
        %parallel_loop3A_247 = arith.constant 16 : i32
        %parallel_loop3A_248 = arith.muli %parallel_loop3A_174, %parallel_loop3A_247 : i32
        %parallel_loop3A_249 = arith.constant 7 : i32
        %parallel_loop3A_250 = arith.index_cast %parallel_loop3A_249 : i32 to index
        %parallel_loop3A_251 = arith.index_cast %parallel_loop3A_248 : i32 to index
        %parallel_loop3A_252 = tpu.vector_load %arg8[%parallel_loop3A_250, %parallel_loop3A_251] {strides = array<i32>} : memref<8x1024xf32, #tpu.memory_space<vmem>>, vector<16xf32>,
        tpu.vector_store %arg8[%parallel_loop3A_250, %parallel_loop3A_251], %parallel_loop3A_246 {strides = array<i32>} : memref<8x1024xf32, #tpu.memory_space<vmem>>, vector<16xf32>,
      } {sc.loop_unroll_factor = 4 : i64, sc.parallel_access}
      %mul3A_45 = arith.constant 8 : i32
      %mul3A_46 = arith.muli %mul3A_36, %mul3A_45 : i32
      %add3A_47 = arith.addi %mul3A_2, %mul3A_46 : i32
      %dma_start3A_48 = arith.constant 0 : i32
      %dma_start3A_49 = tpu.memref_slice %arg4[%add3A_47, %dma_start3A_48] : memref<8192x4096xf32, #tpu.memory_space<hbm>> -> memref<8x1024xf32, #tpu.memory_space<hbm>>
      %dma_start3A_50 = arith.constant 0 : i32
      %dma_start3A_51 = tpu.memref_slice %arg4[%add3A_47, %dma_start3A_50] : memref<8192x4096xf32, #tpu.memory_space<hbm>> -> memref<8x1024xf32, #tpu.memory_space<hbm>>
      tpu.enqueue_dma source(%arg8 : memref<8x1024xf32, #tpu.memory_space<vmem>>) target(%dma_start3A_51 : memref<8x1024xf32, #tpu.memory_space<hbm>>) target_semaphore(%arg14 : memref<!tpu.dma_semaphore, #tpu.memory_space<semaphore_mem>>)
      %gt3A_52 = arith.constant 0 : i32
      %gt3A_53 = arith.cmpi sgt, %scan3A_34, %gt3A_52 : i32
      %convert_element_type3A_54 = arith.extui %gt3A_53 : i1 to i32
      %cond3A_55 = arith.constant 0 : i32
      %cond3A_56 = arith.cmpi ne, %convert_element_type3A_54, %cond3A_55 : i32
      scf.if %cond3A_56 {
        %dma_wait3A_174 = arith.constant 0 : i32
        %dma_wait3A_175 = tpu.memref_slice %arg2[%mul3A_2, %dma_wait3A_174] : memref<8192x4096xf32, #tpu.memory_space<hbm>> -> memref<8x1024xf32, #tpu.memory_space<hbm>>
        %dma_wait3A_176 = arith.constant 0 : i32
        %dma_wait3A_177 = tpu.memref_slice %arg2[%mul3A_2, %dma_wait3A_176] : memref<8192x4096xf32, #tpu.memory_space<hbm>> -> memref<8x1024xf32, #tpu.memory_space<hbm>>
        tpu.wait_dma2 semaphore(%arg15 : memref<!tpu.dma_semaphore, #tpu.memory_space<semaphore_mem>>) src(%dma_wait3A_177 : memref<8x1024xf32, #tpu.memory_space<hbm>>) dst(%arg9 : memref<8x1024xf32, #tpu.memory_space<vmem>>)
      } else {
      }
      %parallel_loop3A_57 = arith.constant 0 : i32
      %parallel_loop3A_58 = arith.constant 64 : i32
      %parallel_loop3A_59 = arith.constant 1 : i32
      scf.for %parallel_loop3A_174 = %parallel_loop3A_57 to %parallel_loop3A_58 step %parallel_loop3A_59  : i32 {
        %parallel_loop3A_175 = arith.constant 16 : i32
        %parallel_loop3A_176 = arith.muli %parallel_loop3A_174, %parallel_loop3A_175 : i32
        %parallel_loop3A_177 = arith.constant 1024 : i32
        %parallel_loop3A_178 = arith.addi %parallel_loop3A_177, %parallel_loop3A_176 : i32
        %parallel_loop3A_179 = arith.index_cast %parallel_loop3A_178 : i32 to index
        %parallel_loop3A_180 = tpu.vector_load %arg5[%parallel_loop3A_179] {strides = array<i32>} : memref<4096xi32, #tpu.memory_space<vmem>>, vector<16xi32>,
        %parallel_loop3A_181 = arith.constant 0 : i32
        %parallel_loop3A_182 = vector.broadcast %parallel_loop3A_181 : i32 to vector<16xi32>
        %parallel_loop3A_183 = tpu.vector_load_idx %arg6[%parallel_loop3A_182, %parallel_loop3A_180] : memref<8x4096xf32, #tpu.memory_space<vmem>>[vector<16xi32>, vector<16xi32>], vector<16xf32>,
        %parallel_loop3A_184 = arith.constant 16 : i32
        %parallel_loop3A_185 = arith.muli %parallel_loop3A_174, %parallel_loop3A_184 : i32
        %parallel_loop3A_186 = arith.constant 0 : i32
        %parallel_loop3A_187 = arith.index_cast %parallel_loop3A_186 : i32 to index
        %parallel_loop3A_188 = arith.index_cast %parallel_loop3A_185 : i32 to index
        %parallel_loop3A_189 = tpu.vector_load %arg9[%parallel_loop3A_187, %parallel_loop3A_188] {strides = array<i32>} : memref<8x1024xf32, #tpu.memory_space<vmem>>, vector<16xf32>,
        tpu.vector_store %arg9[%parallel_loop3A_187, %parallel_loop3A_188], %parallel_loop3A_183 {strides = array<i32>} : memref<8x1024xf32, #tpu.memory_space<vmem>>, vector<16xf32>,
        %parallel_loop3A_190 = arith.constant 1 : i32
        %parallel_loop3A_191 = vector.broadcast %parallel_loop3A_190 : i32 to vector<16xi32>
        %parallel_loop3A_192 = tpu.vector_load_idx %arg6[%parallel_loop3A_191, %parallel_loop3A_180] : memref<8x4096xf32, #tpu.memory_space<vmem>>[vector<16xi32>, vector<16xi32>], vector<16xf32>,
        %parallel_loop3A_193 = arith.constant 16 : i32
        %parallel_loop3A_194 = arith.muli %parallel_loop3A_174, %parallel_loop3A_193 : i32
        %parallel_loop3A_195 = arith.constant 1 : i32
        %parallel_loop3A_196 = arith.index_cast %parallel_loop3A_195 : i32 to index
        %parallel_loop3A_197 = arith.index_cast %parallel_loop3A_194 : i32 to index
        %parallel_loop3A_198 = tpu.vector_load %arg9[%parallel_loop3A_196, %parallel_loop3A_197] {strides = array<i32>} : memref<8x1024xf32, #tpu.memory_space<vmem>>, vector<16xf32>,
        tpu.vector_store %arg9[%parallel_loop3A_196, %parallel_loop3A_197], %parallel_loop3A_192 {strides = array<i32>} : memref<8x1024xf32, #tpu.memory_space<vmem>>, vector<16xf32>,
        %parallel_loop3A_199 = arith.constant 2 : i32
        %parallel_loop3A_200 = vector.broadcast %parallel_loop3A_199 : i32 to vector<16xi32>
        %parallel_loop3A_201 = tpu.vector_load_idx %arg6[%parallel_loop3A_200, %parallel_loop3A_180] : memref<8x4096xf32, #tpu.memory_space<vmem>>[vector<16xi32>, vector<16xi32>], vector<16xf32>,
        %parallel_loop3A_202 = arith.constant 16 : i32
        %parallel_loop3A_203 = arith.muli %parallel_loop3A_174, %parallel_loop3A_202 : i32
        %parallel_loop3A_204 = arith.constant 2 : i32
        %parallel_loop3A_205 = arith.index_cast %parallel_loop3A_204 : i32 to index
        %parallel_loop3A_206 = arith.index_cast %parallel_loop3A_203 : i32 to index
        %parallel_loop3A_207 = tpu.vector_load %arg9[%parallel_loop3A_205, %parallel_loop3A_206] {strides = array<i32>} : memref<8x1024xf32, #tpu.memory_space<vmem>>, vector<16xf32>,
        tpu.vector_store %arg9[%parallel_loop3A_205, %parallel_loop3A_206], %parallel_loop3A_201 {strides = array<i32>} : memref<8x1024xf32, #tpu.memory_space<vmem>>, vector<16xf32>,
        %parallel_loop3A_208 = arith.constant 3 : i32
        %parallel_loop3A_209 = vector.broadcast %parallel_loop3A_208 : i32 to vector<16xi32>
        %parallel_loop3A_210 = tpu.vector_load_idx %arg6[%parallel_loop3A_209, %parallel_loop3A_180] : memref<8x4096xf32, #tpu.memory_space<vmem>>[vector<16xi32>, vector<16xi32>], vector<16xf32>,
        %parallel_loop3A_211 = arith.constant 16 : i32
        %parallel_loop3A_212 = arith.muli %parallel_loop3A_174, %parallel_loop3A_211 : i32
        %parallel_loop3A_213 = arith.constant 3 : i32
        %parallel_loop3A_214 = arith.index_cast %parallel_loop3A_213 : i32 to index
        %parallel_loop3A_215 = arith.index_cast %parallel_loop3A_212 : i32 to index
        %parallel_loop3A_216 = tpu.vector_load %arg9[%parallel_loop3A_214, %parallel_loop3A_215] {strides = array<i32>} : memref<8x1024xf32, #tpu.memory_space<vmem>>, vector<16xf32>,
        tpu.vector_store %arg9[%parallel_loop3A_214, %parallel_loop3A_215], %parallel_loop3A_210 {strides = array<i32>} : memref<8x1024xf32, #tpu.memory_space<vmem>>, vector<16xf32>,
        %parallel_loop3A_217 = arith.constant 4 : i32
        %parallel_loop3A_218 = vector.broadcast %parallel_loop3A_217 : i32 to vector<16xi32>
        %parallel_loop3A_219 = tpu.vector_load_idx %arg6[%parallel_loop3A_218, %parallel_loop3A_180] : memref<8x4096xf32, #tpu.memory_space<vmem>>[vector<16xi32>, vector<16xi32>], vector<16xf32>,
        %parallel_loop3A_220 = arith.constant 16 : i32
        %parallel_loop3A_221 = arith.muli %parallel_loop3A_174, %parallel_loop3A_220 : i32
        %parallel_loop3A_222 = arith.constant 4 : i32
        %parallel_loop3A_223 = arith.index_cast %parallel_loop3A_222 : i32 to index
        %parallel_loop3A_224 = arith.index_cast %parallel_loop3A_221 : i32 to index
        %parallel_loop3A_225 = tpu.vector_load %arg9[%parallel_loop3A_223, %parallel_loop3A_224] {strides = array<i32>} : memref<8x1024xf32, #tpu.memory_space<vmem>>, vector<16xf32>,
        tpu.vector_store %arg9[%parallel_loop3A_223, %parallel_loop3A_224], %parallel_loop3A_219 {strides = array<i32>} : memref<8x1024xf32, #tpu.memory_space<vmem>>, vector<16xf32>,
        %parallel_loop3A_226 = arith.constant 5 : i32
        %parallel_loop3A_227 = vector.broadcast %parallel_loop3A_226 : i32 to vector<16xi32>
        %parallel_loop3A_228 = tpu.vector_load_idx %arg6[%parallel_loop3A_227, %parallel_loop3A_180] : memref<8x4096xf32, #tpu.memory_space<vmem>>[vector<16xi32>, vector<16xi32>], vector<16xf32>,
        %parallel_loop3A_229 = arith.constant 16 : i32
        %parallel_loop3A_230 = arith.muli %parallel_loop3A_174, %parallel_loop3A_229 : i32
        %parallel_loop3A_231 = arith.constant 5 : i32
        %parallel_loop3A_232 = arith.index_cast %parallel_loop3A_231 : i32 to index
        %parallel_loop3A_233 = arith.index_cast %parallel_loop3A_230 : i32 to index
        %parallel_loop3A_234 = tpu.vector_load %arg9[%parallel_loop3A_232, %parallel_loop3A_233] {strides = array<i32>} : memref<8x1024xf32, #tpu.memory_space<vmem>>, vector<16xf32>,
        tpu.vector_store %arg9[%parallel_loop3A_232, %parallel_loop3A_233], %parallel_loop3A_228 {strides = array<i32>} : memref<8x1024xf32, #tpu.memory_space<vmem>>, vector<16xf32>,
        %parallel_loop3A_235 = arith.constant 6 : i32
        %parallel_loop3A_236 = vector.broadcast %parallel_loop3A_235 : i32 to vector<16xi32>
        %parallel_loop3A_237 = tpu.vector_load_idx %arg6[%parallel_loop3A_236, %parallel_loop3A_180] : memref<8x4096xf32, #tpu.memory_space<vmem>>[vector<16xi32>, vector<16xi32>], vector<16xf32>,
        %parallel_loop3A_238 = arith.constant 16 : i32
        %parallel_loop3A_239 = arith.muli %parallel_loop3A_174, %parallel_loop3A_238 : i32
        %parallel_loop3A_240 = arith.constant 6 : i32
        %parallel_loop3A_241 = arith.index_cast %parallel_loop3A_240 : i32 to index
        %parallel_loop3A_242 = arith.index_cast %parallel_loop3A_239 : i32 to index
        %parallel_loop3A_243 = tpu.vector_load %arg9[%parallel_loop3A_241, %parallel_loop3A_242] {strides = array<i32>} : memref<8x1024xf32, #tpu.memory_space<vmem>>, vector<16xf32>,
        tpu.vector_store %arg9[%parallel_loop3A_241, %parallel_loop3A_242], %parallel_loop3A_237 {strides = array<i32>} : memref<8x1024xf32, #tpu.memory_space<vmem>>, vector<16xf32>,
        %parallel_loop3A_244 = arith.constant 7 : i32
        %parallel_loop3A_245 = vector.broadcast %parallel_loop3A_244 : i32 to vector<16xi32>
        %parallel_loop3A_246 = tpu.vector_load_idx %arg6[%parallel_loop3A_245, %parallel_loop3A_180] : memref<8x4096xf32, #tpu.memory_space<vmem>>[vector<16xi32>, vector<16xi32>], vector<16xf32>,
        %parallel_loop3A_247 = arith.constant 16 : i32
        %parallel_loop3A_248 = arith.muli %parallel_loop3A_174, %parallel_loop3A_247 : i32
        %parallel_loop3A_249 = arith.constant 7 : i32
        %parallel_loop3A_250 = arith.index_cast %parallel_loop3A_249 : i32 to index
        %parallel_loop3A_251 = arith.index_cast %parallel_loop3A_248 : i32 to index
        %parallel_loop3A_252 = tpu.vector_load %arg9[%parallel_loop3A_250, %parallel_loop3A_251] {strides = array<i32>} : memref<8x1024xf32, #tpu.memory_space<vmem>>, vector<16xf32>,
        tpu.vector_store %arg9[%parallel_loop3A_250, %parallel_loop3A_251], %parallel_loop3A_246 {strides = array<i32>} : memref<8x1024xf32, #tpu.memory_space<vmem>>, vector<16xf32>,
      } {sc.loop_unroll_factor = 4 : i64, sc.parallel_access}
      %mul3A_60 = arith.constant 8 : i32
      %mul3A_61 = arith.muli %mul3A_36, %mul3A_60 : i32
      %add3A_62 = arith.addi %mul3A_2, %mul3A_61 : i32
      %dma_start3A_63 = arith.constant 1024 : i32
      %dma_start3A_64 = tpu.memref_slice %arg4[%add3A_62, %dma_start3A_63] : memref<8192x4096xf32, #tpu.memory_space<hbm>> -> memref<8x1024xf32, #tpu.memory_space<hbm>>
      %dma_start3A_65 = arith.constant 1024 : i32
      %dma_start3A_66 = tpu.memref_slice %arg4[%add3A_62, %dma_start3A_65] : memref<8192x4096xf32, #tpu.memory_space<hbm>> -> memref<8x1024xf32, #tpu.memory_space<hbm>>
      tpu.enqueue_dma source(%arg9 : memref<8x1024xf32, #tpu.memory_space<vmem>>) target(%dma_start3A_66 : memref<8x1024xf32, #tpu.memory_space<hbm>>) target_semaphore(%arg15 : memref<!tpu.dma_semaphore, #tpu.memory_space<semaphore_mem>>)
      %gt3A_67 = arith.constant 0 : i32
      %gt3A_68 = arith.cmpi sgt, %scan3A_34, %gt3A_67 : i32
      %convert_element_type3A_69 = arith.extui %gt3A_68 : i1 to i32
      %cond3A_70 = arith.constant 0 : i32
      %cond3A_71 = arith.cmpi ne, %convert_element_type3A_69, %cond3A_70 : i32
      scf.if %cond3A_71 {
        %dma_wait3A_174 = arith.constant 0 : i32
        %dma_wait3A_175 = tpu.memref_slice %arg2[%mul3A_2, %dma_wait3A_174] : memref<8192x4096xf32, #tpu.memory_space<hbm>> -> memref<8x1024xf32, #tpu.memory_space<hbm>>
        %dma_wait3A_176 = arith.constant 0 : i32
        %dma_wait3A_177 = tpu.memref_slice %arg2[%mul3A_2, %dma_wait3A_176] : memref<8192x4096xf32, #tpu.memory_space<hbm>> -> memref<8x1024xf32, #tpu.memory_space<hbm>>
        tpu.wait_dma2 semaphore(%arg16 : memref<!tpu.dma_semaphore, #tpu.memory_space<semaphore_mem>>) src(%dma_wait3A_177 : memref<8x1024xf32, #tpu.memory_space<hbm>>) dst(%arg10 : memref<8x1024xf32, #tpu.memory_space<vmem>>)
      } else {
      }
      %parallel_loop3A_72 = arith.constant 0 : i32
      %parallel_loop3A_73 = arith.constant 64 : i32
      %parallel_loop3A_74 = arith.constant 1 : i32
      scf.for %parallel_loop3A_174 = %parallel_loop3A_72 to %parallel_loop3A_73 step %parallel_loop3A_74  : i32 {
        %parallel_loop3A_175 = arith.constant 16 : i32
        %parallel_loop3A_176 = arith.muli %parallel_loop3A_174, %parallel_loop3A_175 : i32
        %parallel_loop3A_177 = arith.constant 2048 : i32
        %parallel_loop3A_178 = arith.addi %parallel_loop3A_177, %parallel_loop3A_176 : i32
        %parallel_loop3A_179 = arith.index_cast %parallel_loop3A_178 : i32 to index
        %parallel_loop3A_180 = tpu.vector_load %arg5[%parallel_loop3A_179] {strides = array<i32>} : memref<4096xi32, #tpu.memory_space<vmem>>, vector<16xi32>,
        %parallel_loop3A_181 = arith.constant 0 : i32
        %parallel_loop3A_182 = vector.broadcast %parallel_loop3A_181 : i32 to vector<16xi32>
        %parallel_loop3A_183 = tpu.vector_load_idx %arg6[%parallel_loop3A_182, %parallel_loop3A_180] : memref<8x4096xf32, #tpu.memory_space<vmem>>[vector<16xi32>, vector<16xi32>], vector<16xf32>,
        %parallel_loop3A_184 = arith.constant 16 : i32
        %parallel_loop3A_185 = arith.muli %parallel_loop3A_174, %parallel_loop3A_184 : i32
        %parallel_loop3A_186 = arith.constant 0 : i32
        %parallel_loop3A_187 = arith.index_cast %parallel_loop3A_186 : i32 to index
        %parallel_loop3A_188 = arith.index_cast %parallel_loop3A_185 : i32 to index
        %parallel_loop3A_189 = tpu.vector_load %arg10[%parallel_loop3A_187, %parallel_loop3A_188] {strides = array<i32>} : memref<8x1024xf32, #tpu.memory_space<vmem>>, vector<16xf32>,
        tpu.vector_store %arg10[%parallel_loop3A_187, %parallel_loop3A_188], %parallel_loop3A_183 {strides = array<i32>} : memref<8x1024xf32, #tpu.memory_space<vmem>>, vector<16xf32>,
        %parallel_loop3A_190 = arith.constant 1 : i32
        %parallel_loop3A_191 = vector.broadcast %parallel_loop3A_190 : i32 to vector<16xi32>
        %parallel_loop3A_192 = tpu.vector_load_idx %arg6[%parallel_loop3A_191, %parallel_loop3A_180] : memref<8x4096xf32, #tpu.memory_space<vmem>>[vector<16xi32>, vector<16xi32>], vector<16xf32>,
        %parallel_loop3A_193 = arith.constant 16 : i32
        %parallel_loop3A_194 = arith.muli %parallel_loop3A_174, %parallel_loop3A_193 : i32
        %parallel_loop3A_195 = arith.constant 1 : i32
        %parallel_loop3A_196 = arith.index_cast %parallel_loop3A_195 : i32 to index
        %parallel_loop3A_197 = arith.index_cast %parallel_loop3A_194 : i32 to index
        %parallel_loop3A_198 = tpu.vector_load %arg10[%parallel_loop3A_196, %parallel_loop3A_197] {strides = array<i32>} : memref<8x1024xf32, #tpu.memory_space<vmem>>, vector<16xf32>,
        tpu.vector_store %arg10[%parallel_loop3A_196, %parallel_loop3A_197], %parallel_loop3A_192 {strides = array<i32>} : memref<8x1024xf32, #tpu.memory_space<vmem>>, vector<16xf32>,
        %parallel_loop3A_199 = arith.constant 2 : i32
        %parallel_loop3A_200 = vector.broadcast %parallel_loop3A_199 : i32 to vector<16xi32>
        %parallel_loop3A_201 = tpu.vector_load_idx %arg6[%parallel_loop3A_200, %parallel_loop3A_180] : memref<8x4096xf32, #tpu.memory_space<vmem>>[vector<16xi32>, vector<16xi32>], vector<16xf32>,
        %parallel_loop3A_202 = arith.constant 16 : i32
        %parallel_loop3A_203 = arith.muli %parallel_loop3A_174, %parallel_loop3A_202 : i32
        %parallel_loop3A_204 = arith.constant 2 : i32
        %parallel_loop3A_205 = arith.index_cast %parallel_loop3A_204 : i32 to index
        %parallel_loop3A_206 = arith.index_cast %parallel_loop3A_203 : i32 to index
        %parallel_loop3A_207 = tpu.vector_load %arg10[%parallel_loop3A_205, %parallel_loop3A_206] {strides = array<i32>} : memref<8x1024xf32, #tpu.memory_space<vmem>>, vector<16xf32>,
        tpu.vector_store %arg10[%parallel_loop3A_205, %parallel_loop3A_206], %parallel_loop3A_201 {strides = array<i32>} : memref<8x1024xf32, #tpu.memory_space<vmem>>, vector<16xf32>,
        %parallel_loop3A_208 = arith.constant 3 : i32
        %parallel_loop3A_209 = vector.broadcast %parallel_loop3A_208 : i32 to vector<16xi32>
        %parallel_loop3A_210 = tpu.vector_load_idx %arg6[%parallel_loop3A_209, %parallel_loop3A_180] : memref<8x4096xf32, #tpu.memory_space<vmem>>[vector<16xi32>, vector<16xi32>], vector<16xf32>,
        %parallel_loop3A_211 = arith.constant 16 : i32
        %parallel_loop3A_212 = arith.muli %parallel_loop3A_174, %parallel_loop3A_211 : i32
        %parallel_loop3A_213 = arith.constant 3 : i32
        %parallel_loop3A_214 = arith.index_cast %parallel_loop3A_213 : i32 to index
        %parallel_loop3A_215 = arith.index_cast %parallel_loop3A_212 : i32 to index
        %parallel_loop3A_216 = tpu.vector_load %arg10[%parallel_loop3A_214, %parallel_loop3A_215] {strides = array<i32>} : memref<8x1024xf32, #tpu.memory_space<vmem>>, vector<16xf32>,
        tpu.vector_store %arg10[%parallel_loop3A_214, %parallel_loop3A_215], %parallel_loop3A_210 {strides = array<i32>} : memref<8x1024xf32, #tpu.memory_space<vmem>>, vector<16xf32>,
        %parallel_loop3A_217 = arith.constant 4 : i32
        %parallel_loop3A_218 = vector.broadcast %parallel_loop3A_217 : i32 to vector<16xi32>
        %parallel_loop3A_219 = tpu.vector_load_idx %arg6[%parallel_loop3A_218, %parallel_loop3A_180] : memref<8x4096xf32, #tpu.memory_space<vmem>>[vector<16xi32>, vector<16xi32>], vector<16xf32>,
        %parallel_loop3A_220 = arith.constant 16 : i32
        %parallel_loop3A_221 = arith.muli %parallel_loop3A_174, %parallel_loop3A_220 : i32
        %parallel_loop3A_222 = arith.constant 4 : i32
        %parallel_loop3A_223 = arith.index_cast %parallel_loop3A_222 : i32 to index
        %parallel_loop3A_224 = arith.index_cast %parallel_loop3A_221 : i32 to index
        %parallel_loop3A_225 = tpu.vector_load %arg10[%parallel_loop3A_223, %parallel_loop3A_224] {strides = array<i32>} : memref<8x1024xf32, #tpu.memory_space<vmem>>, vector<16xf32>,
        tpu.vector_store %arg10[%parallel_loop3A_223, %parallel_loop3A_224], %parallel_loop3A_219 {strides = array<i32>} : memref<8x1024xf32, #tpu.memory_space<vmem>>, vector<16xf32>,
        %parallel_loop3A_226 = arith.constant 5 : i32
        %parallel_loop3A_227 = vector.broadcast %parallel_loop3A_226 : i32 to vector<16xi32>
        %parallel_loop3A_228 = tpu.vector_load_idx %arg6[%parallel_loop3A_227, %parallel_loop3A_180] : memref<8x4096xf32, #tpu.memory_space<vmem>>[vector<16xi32>, vector<16xi32>], vector<16xf32>,
        %parallel_loop3A_229 = arith.constant 16 : i32
        %parallel_loop3A_230 = arith.muli %parallel_loop3A_174, %parallel_loop3A_229 : i32
        %parallel_loop3A_231 = arith.constant 5 : i32
        %parallel_loop3A_232 = arith.index_cast %parallel_loop3A_231 : i32 to index
        %parallel_loop3A_233 = arith.index_cast %parallel_loop3A_230 : i32 to index
        %parallel_loop3A_234 = tpu.vector_load %arg10[%parallel_loop3A_232, %parallel_loop3A_233] {strides = array<i32>} : memref<8x1024xf32, #tpu.memory_space<vmem>>, vector<16xf32>,
        tpu.vector_store %arg10[%parallel_loop3A_232, %parallel_loop3A_233], %parallel_loop3A_228 {strides = array<i32>} : memref<8x1024xf32, #tpu.memory_space<vmem>>, vector<16xf32>,
        %parallel_loop3A_235 = arith.constant 6 : i32
        %parallel_loop3A_236 = vector.broadcast %parallel_loop3A_235 : i32 to vector<16xi32>
        %parallel_loop3A_237 = tpu.vector_load_idx %arg6[%parallel_loop3A_236, %parallel_loop3A_180] : memref<8x4096xf32, #tpu.memory_space<vmem>>[vector<16xi32>, vector<16xi32>], vector<16xf32>,
        %parallel_loop3A_238 = arith.constant 16 : i32
        %parallel_loop3A_239 = arith.muli %parallel_loop3A_174, %parallel_loop3A_238 : i32
        %parallel_loop3A_240 = arith.constant 6 : i32
        %parallel_loop3A_241 = arith.index_cast %parallel_loop3A_240 : i32 to index
        %parallel_loop3A_242 = arith.index_cast %parallel_loop3A_239 : i32 to index
        %parallel_loop3A_243 = tpu.vector_load %arg10[%parallel_loop3A_241, %parallel_loop3A_242] {strides = array<i32>} : memref<8x1024xf32, #tpu.memory_space<vmem>>, vector<16xf32>,
        tpu.vector_store %arg10[%parallel_loop3A_241, %parallel_loop3A_242], %parallel_loop3A_237 {strides = array<i32>} : memref<8x1024xf32, #tpu.memory_space<vmem>>, vector<16xf32>,
        %parallel_loop3A_244 = arith.constant 7 : i32
        %parallel_loop3A_245 = vector.broadcast %parallel_loop3A_244 : i32 to vector<16xi32>
        %parallel_loop3A_246 = tpu.vector_load_idx %arg6[%parallel_loop3A_245, %parallel_loop3A_180] : memref<8x4096xf32, #tpu.memory_space<vmem>>[vector<16xi32>, vector<16xi32>], vector<16xf32>,
        %parallel_loop3A_247 = arith.constant 16 : i32
        %parallel_loop3A_248 = arith.muli %parallel_loop3A_174, %parallel_loop3A_247 : i32
        %parallel_loop3A_249 = arith.constant 7 : i32
        %parallel_loop3A_250 = arith.index_cast %parallel_loop3A_249 : i32 to index
        %parallel_loop3A_251 = arith.index_cast %parallel_loop3A_248 : i32 to index
        %parallel_loop3A_252 = tpu.vector_load %arg10[%parallel_loop3A_250, %parallel_loop3A_251] {strides = array<i32>} : memref<8x1024xf32, #tpu.memory_space<vmem>>, vector<16xf32>,
        tpu.vector_store %arg10[%parallel_loop3A_250, %parallel_loop3A_251], %parallel_loop3A_246 {strides = array<i32>} : memref<8x1024xf32, #tpu.memory_space<vmem>>, vector<16xf32>,
      } {sc.loop_unroll_factor = 4 : i64, sc.parallel_access}
      %mul3A_75 = arith.constant 8 : i32
      %mul3A_76 = arith.muli %mul3A_36, %mul3A_75 : i32
      %add3A_77 = arith.addi %mul3A_2, %mul3A_76 : i32
      %dma_start3A_78 = arith.constant 2048 : i32
      %dma_start3A_79 = tpu.memref_slice %arg4[%add3A_77, %dma_start3A_78] : memref<8192x4096xf32, #tpu.memory_space<hbm>> -> memref<8x1024xf32, #tpu.memory_space<hbm>>
      %dma_start3A_80 = arith.constant 2048 : i32
      %dma_start3A_81 = tpu.memref_slice %arg4[%add3A_77, %dma_start3A_80] : memref<8192x4096xf32, #tpu.memory_space<hbm>> -> memref<8x1024xf32, #tpu.memory_space<hbm>>
      tpu.enqueue_dma source(%arg10 : memref<8x1024xf32, #tpu.memory_space<vmem>>) target(%dma_start3A_81 : memref<8x1024xf32, #tpu.memory_space<hbm>>) target_semaphore(%arg16 : memref<!tpu.dma_semaphore, #tpu.memory_space<semaphore_mem>>)
      %gt3A_82 = arith.constant 0 : i32
      %gt3A_83 = arith.cmpi sgt, %scan3A_34, %gt3A_82 : i32
      %convert_element_type3A_84 = arith.extui %gt3A_83 : i1 to i32
      %cond3A_85 = arith.constant 0 : i32
      %cond3A_86 = arith.cmpi ne, %convert_element_type3A_84, %cond3A_85 : i32
      scf.if %cond3A_86 {
        %dma_wait3A_174 = arith.constant 0 : i32
        %dma_wait3A_175 = tpu.memref_slice %arg2[%mul3A_2, %dma_wait3A_174] : memref<8192x4096xf32, #tpu.memory_space<hbm>> -> memref<8x1024xf32, #tpu.memory_space<hbm>>
        %dma_wait3A_176 = arith.constant 0 : i32
        %dma_wait3A_177 = tpu.memref_slice %arg2[%mul3A_2, %dma_wait3A_176] : memref<8192x4096xf32, #tpu.memory_space<hbm>> -> memref<8x1024xf32, #tpu.memory_space<hbm>>
        tpu.wait_dma2 semaphore(%arg17 : memref<!tpu.dma_semaphore, #tpu.memory_space<semaphore_mem>>) src(%dma_wait3A_177 : memref<8x1024xf32, #tpu.memory_space<hbm>>) dst(%arg11 : memref<8x1024xf32, #tpu.memory_space<vmem>>)
      } else {
      }
      %parallel_loop3A_87 = arith.constant 0 : i32
      %parallel_loop3A_88 = arith.constant 64 : i32
      %parallel_loop3A_89 = arith.constant 1 : i32
      scf.for %parallel_loop3A_174 = %parallel_loop3A_87 to %parallel_loop3A_88 step %parallel_loop3A_89  : i32 {
        %parallel_loop3A_175 = arith.constant 16 : i32
        %parallel_loop3A_176 = arith.muli %parallel_loop3A_174, %parallel_loop3A_175 : i32
        %parallel_loop3A_177 = arith.constant 3072 : i32
        %parallel_loop3A_178 = arith.addi %parallel_loop3A_177, %parallel_loop3A_176 : i32
        %parallel_loop3A_179 = arith.index_cast %parallel_loop3A_178 : i32 to index
        %parallel_loop3A_180 = tpu.vector_load %arg5[%parallel_loop3A_179] {strides = array<i32>} : memref<4096xi32, #tpu.memory_space<vmem>>, vector<16xi32>,
        %parallel_loop3A_181 = arith.constant 0 : i32
        %parallel_loop3A_182 = vector.broadcast %parallel_loop3A_181 : i32 to vector<16xi32>
        %parallel_loop3A_183 = tpu.vector_load_idx %arg6[%parallel_loop3A_182, %parallel_loop3A_180] : memref<8x4096xf32, #tpu.memory_space<vmem>>[vector<16xi32>, vector<16xi32>], vector<16xf32>,
        %parallel_loop3A_184 = arith.constant 16 : i32
        %parallel_loop3A_185 = arith.muli %parallel_loop3A_174, %parallel_loop3A_184 : i32
        %parallel_loop3A_186 = arith.constant 0 : i32
        %parallel_loop3A_187 = arith.index_cast %parallel_loop3A_186 : i32 to index
        %parallel_loop3A_188 = arith.index_cast %parallel_loop3A_185 : i32 to index
        %parallel_loop3A_189 = tpu.vector_load %arg11[%parallel_loop3A_187, %parallel_loop3A_188] {strides = array<i32>} : memref<8x1024xf32, #tpu.memory_space<vmem>>, vector<16xf32>,
        tpu.vector_store %arg11[%parallel_loop3A_187, %parallel_loop3A_188], %parallel_loop3A_183 {strides = array<i32>} : memref<8x1024xf32, #tpu.memory_space<vmem>>, vector<16xf32>,
        %parallel_loop3A_190 = arith.constant 1 : i32
        %parallel_loop3A_191 = vector.broadcast %parallel_loop3A_190 : i32 to vector<16xi32>
        %parallel_loop3A_192 = tpu.vector_load_idx %arg6[%parallel_loop3A_191, %parallel_loop3A_180] : memref<8x4096xf32, #tpu.memory_space<vmem>>[vector<16xi32>, vector<16xi32>], vector<16xf32>,
        %parallel_loop3A_193 = arith.constant 16 : i32
        %parallel_loop3A_194 = arith.muli %parallel_loop3A_174, %parallel_loop3A_193 : i32
        %parallel_loop3A_195 = arith.constant 1 : i32
        %parallel_loop3A_196 = arith.index_cast %parallel_loop3A_195 : i32 to index
        %parallel_loop3A_197 = arith.index_cast %parallel_loop3A_194 : i32 to index
        %parallel_loop3A_198 = tpu.vector_load %arg11[%parallel_loop3A_196, %parallel_loop3A_197] {strides = array<i32>} : memref<8x1024xf32, #tpu.memory_space<vmem>>, vector<16xf32>,
        tpu.vector_store %arg11[%parallel_loop3A_196, %parallel_loop3A_197], %parallel_loop3A_192 {strides = array<i32>} : memref<8x1024xf32, #tpu.memory_space<vmem>>, vector<16xf32>,
        %parallel_loop3A_199 = arith.constant 2 : i32
        %parallel_loop3A_200 = vector.broadcast %parallel_loop3A_199 : i32 to vector<16xi32>
        %parallel_loop3A_201 = tpu.vector_load_idx %arg6[%parallel_loop3A_200, %parallel_loop3A_180] : memref<8x4096xf32, #tpu.memory_space<vmem>>[vector<16xi32>, vector<16xi32>], vector<16xf32>,
        %parallel_loop3A_202 = arith.constant 16 : i32
        %parallel_loop3A_203 = arith.muli %parallel_loop3A_174, %parallel_loop3A_202 : i32
        %parallel_loop3A_204 = arith.constant 2 : i32
        %parallel_loop3A_205 = arith.index_cast %parallel_loop3A_204 : i32 to index
        %parallel_loop3A_206 = arith.index_cast %parallel_loop3A_203 : i32 to index
        %parallel_loop3A_207 = tpu.vector_load %arg11[%parallel_loop3A_205, %parallel_loop3A_206] {strides = array<i32>} : memref<8x1024xf32, #tpu.memory_space<vmem>>, vector<16xf32>,
        tpu.vector_store %arg11[%parallel_loop3A_205, %parallel_loop3A_206], %parallel_loop3A_201 {strides = array<i32>} : memref<8x1024xf32, #tpu.memory_space<vmem>>, vector<16xf32>,
        %parallel_loop3A_208 = arith.constant 3 : i32
        %parallel_loop3A_209 = vector.broadcast %parallel_loop3A_208 : i32 to vector<16xi32>
        %parallel_loop3A_210 = tpu.vector_load_idx %arg6[%parallel_loop3A_209, %parallel_loop3A_180] : memref<8x4096xf32, #tpu.memory_space<vmem>>[vector<16xi32>, vector<16xi32>], vector<16xf32>,
        %parallel_loop3A_211 = arith.constant 16 : i32
        %parallel_loop3A_212 = arith.muli %parallel_loop3A_174, %parallel_loop3A_211 : i32
        %parallel_loop3A_213 = arith.constant 3 : i32
        %parallel_loop3A_214 = arith.index_cast %parallel_loop3A_213 : i32 to index
        %parallel_loop3A_215 = arith.index_cast %parallel_loop3A_212 : i32 to index
        %parallel_loop3A_216 = tpu.vector_load %arg11[%parallel_loop3A_214, %parallel_loop3A_215] {strides = array<i32>} : memref<8x1024xf32, #tpu.memory_space<vmem>>, vector<16xf32>,
        tpu.vector_store %arg11[%parallel_loop3A_214, %parallel_loop3A_215], %parallel_loop3A_210 {strides = array<i32>} : memref<8x1024xf32, #tpu.memory_space<vmem>>, vector<16xf32>,
        %parallel_loop3A_217 = arith.constant 4 : i32
        %parallel_loop3A_218 = vector.broadcast %parallel_loop3A_217 : i32 to vector<16xi32>
        %parallel_loop3A_219 = tpu.vector_load_idx %arg6[%parallel_loop3A_218, %parallel_loop3A_180] : memref<8x4096xf32, #tpu.memory_space<vmem>>[vector<16xi32>, vector<16xi32>], vector<16xf32>,
        %parallel_loop3A_220 = arith.constant 16 : i32
        %parallel_loop3A_221 = arith.muli %parallel_loop3A_174, %parallel_loop3A_220 : i32
        %parallel_loop3A_222 = arith.constant 4 : i32
        %parallel_loop3A_223 = arith.index_cast %parallel_loop3A_222 : i32 to index
        %parallel_loop3A_224 = arith.index_cast %parallel_loop3A_221 : i32 to index
        %parallel_loop3A_225 = tpu.vector_load %arg11[%parallel_loop3A_223, %parallel_loop3A_224] {strides = array<i32>} : memref<8x1024xf32, #tpu.memory_space<vmem>>, vector<16xf32>,
        tpu.vector_store %arg11[%parallel_loop3A_223, %parallel_loop3A_224], %parallel_loop3A_219 {strides = array<i32>} : memref<8x1024xf32, #tpu.memory_space<vmem>>, vector<16xf32>,
        %parallel_loop3A_226 = arith.constant 5 : i32
        %parallel_loop3A_227 = vector.broadcast %parallel_loop3A_226 : i32 to vector<16xi32>
        %parallel_loop3A_228 = tpu.vector_load_idx %arg6[%parallel_loop3A_227, %parallel_loop3A_180] : memref<8x4096xf32, #tpu.memory_space<vmem>>[vector<16xi32>, vector<16xi32>], vector<16xf32>,
        %parallel_loop3A_229 = arith.constant 16 : i32
        %parallel_loop3A_230 = arith.muli %parallel_loop3A_174, %parallel_loop3A_229 : i32
        %parallel_loop3A_231 = arith.constant 5 : i32
        %parallel_loop3A_232 = arith.index_cast %parallel_loop3A_231 : i32 to index
        %parallel_loop3A_233 = arith.index_cast %parallel_loop3A_230 : i32 to index
        %parallel_loop3A_234 = tpu.vector_load %arg11[%parallel_loop3A_232, %parallel_loop3A_233] {strides = array<i32>} : memref<8x1024xf32, #tpu.memory_space<vmem>>, vector<16xf32>,
        tpu.vector_store %arg11[%parallel_loop3A_232, %parallel_loop3A_233], %parallel_loop3A_228 {strides = array<i32>} : memref<8x1024xf32, #tpu.memory_space<vmem>>, vector<16xf32>,
        %parallel_loop3A_235 = arith.constant 6 : i32
        %parallel_loop3A_236 = vector.broadcast %parallel_loop3A_235 : i32 to vector<16xi32>
        %parallel_loop3A_237 = tpu.vector_load_idx %arg6[%parallel_loop3A_236, %parallel_loop3A_180] : memref<8x4096xf32, #tpu.memory_space<vmem>>[vector<16xi32>, vector<16xi32>], vector<16xf32>,
        %parallel_loop3A_238 = arith.constant 16 : i32
        %parallel_loop3A_239 = arith.muli %parallel_loop3A_174, %parallel_loop3A_238 : i32
        %parallel_loop3A_240 = arith.constant 6 : i32
        %parallel_loop3A_241 = arith.index_cast %parallel_loop3A_240 : i32 to index
        %parallel_loop3A_242 = arith.index_cast %parallel_loop3A_239 : i32 to index
        %parallel_loop3A_243 = tpu.vector_load %arg11[%parallel_loop3A_241, %parallel_loop3A_242] {strides = array<i32>} : memref<8x1024xf32, #tpu.memory_space<vmem>>, vector<16xf32>,
        tpu.vector_store %arg11[%parallel_loop3A_241, %parallel_loop3A_242], %parallel_loop3A_237 {strides = array<i32>} : memref<8x1024xf32, #tpu.memory_space<vmem>>, vector<16xf32>,
        %parallel_loop3A_244 = arith.constant 7 : i32
        %parallel_loop3A_245 = vector.broadcast %parallel_loop3A_244 : i32 to vector<16xi32>
        %parallel_loop3A_246 = tpu.vector_load_idx %arg6[%parallel_loop3A_245, %parallel_loop3A_180] : memref<8x4096xf32, #tpu.memory_space<vmem>>[vector<16xi32>, vector<16xi32>], vector<16xf32>,
        %parallel_loop3A_247 = arith.constant 16 : i32
        %parallel_loop3A_248 = arith.muli %parallel_loop3A_174, %parallel_loop3A_247 : i32
        %parallel_loop3A_249 = arith.constant 7 : i32
        %parallel_loop3A_250 = arith.index_cast %parallel_loop3A_249 : i32 to index
        %parallel_loop3A_251 = arith.index_cast %parallel_loop3A_248 : i32 to index
        %parallel_loop3A_252 = tpu.vector_load %arg11[%parallel_loop3A_250, %parallel_loop3A_251] {strides = array<i32>} : memref<8x1024xf32, #tpu.memory_space<vmem>>, vector<16xf32>,
        tpu.vector_store %arg11[%parallel_loop3A_250, %parallel_loop3A_251], %parallel_loop3A_246 {strides = array<i32>} : memref<8x1024xf32, #tpu.memory_space<vmem>>, vector<16xf32>,
      } {sc.loop_unroll_factor = 4 : i64, sc.parallel_access}
      %mul3A_90 = arith.constant 8 : i32
      %mul3A_91 = arith.muli %mul3A_36, %mul3A_90 : i32
      %add3A_92 = arith.addi %mul3A_2, %mul3A_91 : i32
      %dma_start3A_93 = arith.constant 3072 : i32
      %dma_start3A_94 = tpu.memref_slice %arg4[%add3A_92, %dma_start3A_93] : memref<8192x4096xf32, #tpu.memory_space<hbm>> -> memref<8x1024xf32, #tpu.memory_space<hbm>>
      %dma_start3A_95 = arith.constant 3072 : i32
      %dma_start3A_96 = tpu.memref_slice %arg4[%add3A_92, %dma_start3A_95] : memref<8192x4096xf32, #tpu.memory_space<hbm>> -> memref<8x1024xf32, #tpu.memory_space<hbm>>
      tpu.enqueue_dma source(%arg11 : memref<8x1024xf32, #tpu.memory_space<vmem>>) target(%dma_start3A_96 : memref<8x1024xf32, #tpu.memory_space<hbm>>) target_semaphore(%arg17 : memref<!tpu.dma_semaphore, #tpu.memory_space<semaphore_mem>>)
      %lt3A = arith.constant 15 : i32
      %lt3A_97 = arith.cmpi slt, %scan3A_34, %lt3A : i32
      %convert_element_type3A_98 = arith.extui %lt3A_97 : i1 to i32
      %cond3A_99 = arith.constant 0 : i32
      %cond3A_100 = arith.cmpi ne, %convert_element_type3A_98, %cond3A_99 : i32
      scf.if %cond3A_100 {
        %add3A_174 = arith.constant 2 : i32
        %add3A_175 = arith.addi %mul3A_36, %add3A_174 : i32
        %mul3A_176 = arith.constant 8 : i32
        %mul3A_177 = arith.muli %add3A_175, %mul3A_176 : i32
        %add3A_178 = arith.addi %mul3A_2, %mul3A_177 : i32
        %dma_start3A_179 = arith.constant 0 : i32
        %dma_start3A_180 = tpu.memref_slice %arg2[%add3A_178, %dma_start3A_179] : memref<8192x4096xf32, #tpu.memory_space<hbm>> -> memref<8x4096xf32, #tpu.memory_space<hbm>>
        %dma_start3A_181 = arith.constant 0 : i32
        %dma_start3A_182 = tpu.memref_slice %arg2[%add3A_178, %dma_start3A_181] : memref<8192x4096xf32, #tpu.memory_space<hbm>> -> memref<8x4096xf32, #tpu.memory_space<hbm>>
        tpu.enqueue_dma source(%dma_start3A_182 : memref<8x4096xf32, #tpu.memory_space<hbm>>) target(%arg6 : memref<8x4096xf32, #tpu.memory_space<vmem>>) target_semaphore(%arg12 : memref<!tpu.dma_semaphore, #tpu.memory_space<semaphore_mem>>)
      } else {
      }
      %dma_wait3A_101 = arith.constant 0 : i32
      %dma_wait3A_102 = tpu.memref_slice %arg2[%mul3A_2, %dma_wait3A_101] : memref<8192x4096xf32, #tpu.memory_space<hbm>> -> memref<8x4096xf32, #tpu.memory_space<hbm>>
      %dma_wait3A_103 = arith.constant 0 : i32
      %dma_wait3A_104 = tpu.memref_slice %arg2[%mul3A_2, %dma_wait3A_103] : memref<8192x4096xf32, #tpu.memory_space<hbm>> -> memref<8x4096xf32, #tpu.memory_space<hbm>>
      tpu.wait_dma2 semaphore(%arg13 : memref<!tpu.dma_semaphore, #tpu.memory_space<semaphore_mem>>) src(%dma_wait3A_104 : memref<8x4096xf32, #tpu.memory_space<hbm>>) dst(%arg7 : memref<8x4096xf32, #tpu.memory_space<vmem>>)
      %dma_wait3A_105 = arith.constant 0 : i32
      %dma_wait3A_106 = tpu.memref_slice %arg2[%mul3A_2, %dma_wait3A_105] : memref<8192x4096xf32, #tpu.memory_space<hbm>> -> memref<8x1024xf32, #tpu.memory_space<hbm>>
      %dma_wait3A_107 = arith.constant 0 : i32
      %dma_wait3A_108 = tpu.memref_slice %arg2[%mul3A_2, %dma_wait3A_107] : memref<8192x4096xf32, #tpu.memory_space<hbm>> -> memref<8x1024xf32, #tpu.memory_space<hbm>>
      tpu.wait_dma2 semaphore(%arg14 : memref<!tpu.dma_semaphore, #tpu.memory_space<semaphore_mem>>) src(%dma_wait3A_108 : memref<8x1024xf32, #tpu.memory_space<hbm>>) dst(%arg8 : memref<8x1024xf32, #tpu.memory_space<vmem>>)
      %parallel_loop3A_109 = arith.constant 0 : i32
      %parallel_loop3A_110 = arith.constant 64 : i32
      %parallel_loop3A_111 = arith.constant 1 : i32
      scf.for %parallel_loop3A_174 = %parallel_loop3A_109 to %parallel_loop3A_110 step %parallel_loop3A_111  : i32 {
        %parallel_loop3A_175 = arith.constant 16 : i32
        %parallel_loop3A_176 = arith.muli %parallel_loop3A_174, %parallel_loop3A_175 : i32
        %parallel_loop3A_177 = arith.constant 0 : i32
        %parallel_loop3A_178 = arith.addi %parallel_loop3A_177, %parallel_loop3A_176 : i32
        %parallel_loop3A_179 = arith.index_cast %parallel_loop3A_178 : i32 to index
        %parallel_loop3A_180 = tpu.vector_load %arg5[%parallel_loop3A_179] {strides = array<i32>} : memref<4096xi32, #tpu.memory_space<vmem>>, vector<16xi32>,
        %parallel_loop3A_181 = arith.constant 0 : i32
        %parallel_loop3A_182 = vector.broadcast %parallel_loop3A_181 : i32 to vector<16xi32>
        %parallel_loop3A_183 = tpu.vector_load_idx %arg7[%parallel_loop3A_182, %parallel_loop3A_180] : memref<8x4096xf32, #tpu.memory_space<vmem>>[vector<16xi32>, vector<16xi32>], vector<16xf32>,
        %parallel_loop3A_184 = arith.constant 16 : i32
        %parallel_loop3A_185 = arith.muli %parallel_loop3A_174, %parallel_loop3A_184 : i32
        %parallel_loop3A_186 = arith.constant 0 : i32
        %parallel_loop3A_187 = arith.index_cast %parallel_loop3A_186 : i32 to index
        %parallel_loop3A_188 = arith.index_cast %parallel_loop3A_185 : i32 to index
        %parallel_loop3A_189 = tpu.vector_load %arg8[%parallel_loop3A_187, %parallel_loop3A_188] {strides = array<i32>} : memref<8x1024xf32, #tpu.memory_space<vmem>>, vector<16xf32>,
        tpu.vector_store %arg8[%parallel_loop3A_187, %parallel_loop3A_188], %parallel_loop3A_183 {strides = array<i32>} : memref<8x1024xf32, #tpu.memory_space<vmem>>, vector<16xf32>,
        %parallel_loop3A_190 = arith.constant 1 : i32
        %parallel_loop3A_191 = vector.broadcast %parallel_loop3A_190 : i32 to vector<16xi32>
        %parallel_loop3A_192 = tpu.vector_load_idx %arg7[%parallel_loop3A_191, %parallel_loop3A_180] : memref<8x4096xf32, #tpu.memory_space<vmem>>[vector<16xi32>, vector<16xi32>], vector<16xf32>,
        %parallel_loop3A_193 = arith.constant 16 : i32
        %parallel_loop3A_194 = arith.muli %parallel_loop3A_174, %parallel_loop3A_193 : i32
        %parallel_loop3A_195 = arith.constant 1 : i32
        %parallel_loop3A_196 = arith.index_cast %parallel_loop3A_195 : i32 to index
        %parallel_loop3A_197 = arith.index_cast %parallel_loop3A_194 : i32 to index
        %parallel_loop3A_198 = tpu.vector_load %arg8[%parallel_loop3A_196, %parallel_loop3A_197] {strides = array<i32>} : memref<8x1024xf32, #tpu.memory_space<vmem>>, vector<16xf32>,
        tpu.vector_store %arg8[%parallel_loop3A_196, %parallel_loop3A_197], %parallel_loop3A_192 {strides = array<i32>} : memref<8x1024xf32, #tpu.memory_space<vmem>>, vector<16xf32>,
        %parallel_loop3A_199 = arith.constant 2 : i32
        %parallel_loop3A_200 = vector.broadcast %parallel_loop3A_199 : i32 to vector<16xi32>
        %parallel_loop3A_201 = tpu.vector_load_idx %arg7[%parallel_loop3A_200, %parallel_loop3A_180] : memref<8x4096xf32, #tpu.memory_space<vmem>>[vector<16xi32>, vector<16xi32>], vector<16xf32>,
        %parallel_loop3A_202 = arith.constant 16 : i32
        %parallel_loop3A_203 = arith.muli %parallel_loop3A_174, %parallel_loop3A_202 : i32
        %parallel_loop3A_204 = arith.constant 2 : i32
        %parallel_loop3A_205 = arith.index_cast %parallel_loop3A_204 : i32 to index
        %parallel_loop3A_206 = arith.index_cast %parallel_loop3A_203 : i32 to index
        %parallel_loop3A_207 = tpu.vector_load %arg8[%parallel_loop3A_205, %parallel_loop3A_206] {strides = array<i32>} : memref<8x1024xf32, #tpu.memory_space<vmem>>, vector<16xf32>,
        tpu.vector_store %arg8[%parallel_loop3A_205, %parallel_loop3A_206], %parallel_loop3A_201 {strides = array<i32>} : memref<8x1024xf32, #tpu.memory_space<vmem>>, vector<16xf32>,
        %parallel_loop3A_208 = arith.constant 3 : i32
        %parallel_loop3A_209 = vector.broadcast %parallel_loop3A_208 : i32 to vector<16xi32>
        %parallel_loop3A_210 = tpu.vector_load_idx %arg7[%parallel_loop3A_209, %parallel_loop3A_180] : memref<8x4096xf32, #tpu.memory_space<vmem>>[vector<16xi32>, vector<16xi32>], vector<16xf32>,
        %parallel_loop3A_211 = arith.constant 16 : i32
        %parallel_loop3A_212 = arith.muli %parallel_loop3A_174, %parallel_loop3A_211 : i32
        %parallel_loop3A_213 = arith.constant 3 : i32
        %parallel_loop3A_214 = arith.index_cast %parallel_loop3A_213 : i32 to index
        %parallel_loop3A_215 = arith.index_cast %parallel_loop3A_212 : i32 to index
        %parallel_loop3A_216 = tpu.vector_load %arg8[%parallel_loop3A_214, %parallel_loop3A_215] {strides = array<i32>} : memref<8x1024xf32, #tpu.memory_space<vmem>>, vector<16xf32>,
        tpu.vector_store %arg8[%parallel_loop3A_214, %parallel_loop3A_215], %parallel_loop3A_210 {strides = array<i32>} : memref<8x1024xf32, #tpu.memory_space<vmem>>, vector<16xf32>,
        %parallel_loop3A_217 = arith.constant 4 : i32
        %parallel_loop3A_218 = vector.broadcast %parallel_loop3A_217 : i32 to vector<16xi32>
        %parallel_loop3A_219 = tpu.vector_load_idx %arg7[%parallel_loop3A_218, %parallel_loop3A_180] : memref<8x4096xf32, #tpu.memory_space<vmem>>[vector<16xi32>, vector<16xi32>], vector<16xf32>,
        %parallel_loop3A_220 = arith.constant 16 : i32
        %parallel_loop3A_221 = arith.muli %parallel_loop3A_174, %parallel_loop3A_220 : i32
        %parallel_loop3A_222 = arith.constant 4 : i32
        %parallel_loop3A_223 = arith.index_cast %parallel_loop3A_222 : i32 to index
        %parallel_loop3A_224 = arith.index_cast %parallel_loop3A_221 : i32 to index
        %parallel_loop3A_225 = tpu.vector_load %arg8[%parallel_loop3A_223, %parallel_loop3A_224] {strides = array<i32>} : memref<8x1024xf32, #tpu.memory_space<vmem>>, vector<16xf32>,
        tpu.vector_store %arg8[%parallel_loop3A_223, %parallel_loop3A_224], %parallel_loop3A_219 {strides = array<i32>} : memref<8x1024xf32, #tpu.memory_space<vmem>>, vector<16xf32>,
        %parallel_loop3A_226 = arith.constant 5 : i32
        %parallel_loop3A_227 = vector.broadcast %parallel_loop3A_226 : i32 to vector<16xi32>
        %parallel_loop3A_228 = tpu.vector_load_idx %arg7[%parallel_loop3A_227, %parallel_loop3A_180] : memref<8x4096xf32, #tpu.memory_space<vmem>>[vector<16xi32>, vector<16xi32>], vector<16xf32>,
        %parallel_loop3A_229 = arith.constant 16 : i32
        %parallel_loop3A_230 = arith.muli %parallel_loop3A_174, %parallel_loop3A_229 : i32
        %parallel_loop3A_231 = arith.constant 5 : i32
        %parallel_loop3A_232 = arith.index_cast %parallel_loop3A_231 : i32 to index
        %parallel_loop3A_233 = arith.index_cast %parallel_loop3A_230 : i32 to index
        %parallel_loop3A_234 = tpu.vector_load %arg8[%parallel_loop3A_232, %parallel_loop3A_233] {strides = array<i32>} : memref<8x1024xf32, #tpu.memory_space<vmem>>, vector<16xf32>,
        tpu.vector_store %arg8[%parallel_loop3A_232, %parallel_loop3A_233], %parallel_loop3A_228 {strides = array<i32>} : memref<8x1024xf32, #tpu.memory_space<vmem>>, vector<16xf32>,
        %parallel_loop3A_235 = arith.constant 6 : i32
        %parallel_loop3A_236 = vector.broadcast %parallel_loop3A_235 : i32 to vector<16xi32>
        %parallel_loop3A_237 = tpu.vector_load_idx %arg7[%parallel_loop3A_236, %parallel_loop3A_180] : memref<8x4096xf32, #tpu.memory_space<vmem>>[vector<16xi32>, vector<16xi32>], vector<16xf32>,
        %parallel_loop3A_238 = arith.constant 16 : i32
        %parallel_loop3A_239 = arith.muli %parallel_loop3A_174, %parallel_loop3A_238 : i32
        %parallel_loop3A_240 = arith.constant 6 : i32
        %parallel_loop3A_241 = arith.index_cast %parallel_loop3A_240 : i32 to index
        %parallel_loop3A_242 = arith.index_cast %parallel_loop3A_239 : i32 to index
        %parallel_loop3A_243 = tpu.vector_load %arg8[%parallel_loop3A_241, %parallel_loop3A_242] {strides = array<i32>} : memref<8x1024xf32, #tpu.memory_space<vmem>>, vector<16xf32>,
        tpu.vector_store %arg8[%parallel_loop3A_241, %parallel_loop3A_242], %parallel_loop3A_237 {strides = array<i32>} : memref<8x1024xf32, #tpu.memory_space<vmem>>, vector<16xf32>,
        %parallel_loop3A_244 = arith.constant 7 : i32
        %parallel_loop3A_245 = vector.broadcast %parallel_loop3A_244 : i32 to vector<16xi32>
        %parallel_loop3A_246 = tpu.vector_load_idx %arg7[%parallel_loop3A_245, %parallel_loop3A_180] : memref<8x4096xf32, #tpu.memory_space<vmem>>[vector<16xi32>, vector<16xi32>], vector<16xf32>,
        %parallel_loop3A_247 = arith.constant 16 : i32
        %parallel_loop3A_248 = arith.muli %parallel_loop3A_174, %parallel_loop3A_247 : i32
        %parallel_loop3A_249 = arith.constant 7 : i32
        %parallel_loop3A_250 = arith.index_cast %parallel_loop3A_249 : i32 to index
        %parallel_loop3A_251 = arith.index_cast %parallel_loop3A_248 : i32 to index
        %parallel_loop3A_252 = tpu.vector_load %arg8[%parallel_loop3A_250, %parallel_loop3A_251] {strides = array<i32>} : memref<8x1024xf32, #tpu.memory_space<vmem>>, vector<16xf32>,
        tpu.vector_store %arg8[%parallel_loop3A_250, %parallel_loop3A_251], %parallel_loop3A_246 {strides = array<i32>} : memref<8x1024xf32, #tpu.memory_space<vmem>>, vector<16xf32>,
      } {sc.loop_unroll_factor = 4 : i64, sc.parallel_access}
      %add3A_112 = arith.constant 1 : i32
      %add3A_113 = arith.addi %mul3A_36, %add3A_112 : i32
      %mul3A_114 = arith.constant 8 : i32
      %mul3A_115 = arith.muli %add3A_113, %mul3A_114 : i32
      %add3A_116 = arith.addi %mul3A_2, %mul3A_115 : i32
      %dma_start3A_117 = arith.constant 0 : i32
      %dma_start3A_118 = tpu.memref_slice %arg4[%add3A_116, %dma_start3A_117] : memref<8192x4096xf32, #tpu.memory_space<hbm>> -> memref<8x1024xf32, #tpu.memory_space<hbm>>
      %dma_start3A_119 = arith.constant 0 : i32
      %dma_start3A_120 = tpu.memref_slice %arg4[%add3A_116, %dma_start3A_119] : memref<8192x4096xf32, #tpu.memory_space<hbm>> -> memref<8x1024xf32, #tpu.memory_space<hbm>>
      tpu.enqueue_dma source(%arg8 : memref<8x1024xf32, #tpu.memory_space<vmem>>) target(%dma_start3A_120 : memref<8x1024xf32, #tpu.memory_space<hbm>>) target_semaphore(%arg14 : memref<!tpu.dma_semaphore, #tpu.memory_space<semaphore_mem>>)
      %dma_wait3A_121 = arith.constant 0 : i32
      %dma_wait3A_122 = tpu.memref_slice %arg2[%mul3A_2, %dma_wait3A_121] : memref<8192x4096xf32, #tpu.memory_space<hbm>> -> memref<8x1024xf32, #tpu.memory_space<hbm>>
      %dma_wait3A_123 = arith.constant 0 : i32
      %dma_wait3A_124 = tpu.memref_slice %arg2[%mul3A_2, %dma_wait3A_123] : memref<8192x4096xf32, #tpu.memory_space<hbm>> -> memref<8x1024xf32, #tpu.memory_space<hbm>>
      tpu.wait_dma2 semaphore(%arg15 : memref<!tpu.dma_semaphore, #tpu.memory_space<semaphore_mem>>) src(%dma_wait3A_124 : memref<8x1024xf32, #tpu.memory_space<hbm>>) dst(%arg9 : memref<8x1024xf32, #tpu.memory_space<vmem>>)
      %parallel_loop3A_125 = arith.constant 0 : i32
      %parallel_loop3A_126 = arith.constant 64 : i32
      %parallel_loop3A_127 = arith.constant 1 : i32
      scf.for %parallel_loop3A_174 = %parallel_loop3A_125 to %parallel_loop3A_126 step %parallel_loop3A_127  : i32 {
        %parallel_loop3A_175 = arith.constant 16 : i32
        %parallel_loop3A_176 = arith.muli %parallel_loop3A_174, %parallel_loop3A_175 : i32
        %parallel_loop3A_177 = arith.constant 1024 : i32
        %parallel_loop3A_178 = arith.addi %parallel_loop3A_177, %parallel_loop3A_176 : i32
        %parallel_loop3A_179 = arith.index_cast %parallel_loop3A_178 : i32 to index
        %parallel_loop3A_180 = tpu.vector_load %arg5[%parallel_loop3A_179] {strides = array<i32>} : memref<4096xi32, #tpu.memory_space<vmem>>, vector<16xi32>,
        %parallel_loop3A_181 = arith.constant 0 : i32
        %parallel_loop3A_182 = vector.broadcast %parallel_loop3A_181 : i32 to vector<16xi32>
        %parallel_loop3A_183 = tpu.vector_load_idx %arg7[%parallel_loop3A_182, %parallel_loop3A_180] : memref<8x4096xf32, #tpu.memory_space<vmem>>[vector<16xi32>, vector<16xi32>], vector<16xf32>,
        %parallel_loop3A_184 = arith.constant 16 : i32
        %parallel_loop3A_185 = arith.muli %parallel_loop3A_174, %parallel_loop3A_184 : i32
        %parallel_loop3A_186 = arith.constant 0 : i32
        %parallel_loop3A_187 = arith.index_cast %parallel_loop3A_186 : i32 to index
        %parallel_loop3A_188 = arith.index_cast %parallel_loop3A_185 : i32 to index
        %parallel_loop3A_189 = tpu.vector_load %arg9[%parallel_loop3A_187, %parallel_loop3A_188] {strides = array<i32>} : memref<8x1024xf32, #tpu.memory_space<vmem>>, vector<16xf32>,
        tpu.vector_store %arg9[%parallel_loop3A_187, %parallel_loop3A_188], %parallel_loop3A_183 {strides = array<i32>} : memref<8x1024xf32, #tpu.memory_space<vmem>>, vector<16xf32>,
        %parallel_loop3A_190 = arith.constant 1 : i32
        %parallel_loop3A_191 = vector.broadcast %parallel_loop3A_190 : i32 to vector<16xi32>
        %parallel_loop3A_192 = tpu.vector_load_idx %arg7[%parallel_loop3A_191, %parallel_loop3A_180] : memref<8x4096xf32, #tpu.memory_space<vmem>>[vector<16xi32>, vector<16xi32>], vector<16xf32>,
        %parallel_loop3A_193 = arith.constant 16 : i32
        %parallel_loop3A_194 = arith.muli %parallel_loop3A_174, %parallel_loop3A_193 : i32
        %parallel_loop3A_195 = arith.constant 1 : i32
        %parallel_loop3A_196 = arith.index_cast %parallel_loop3A_195 : i32 to index
        %parallel_loop3A_197 = arith.index_cast %parallel_loop3A_194 : i32 to index
        %parallel_loop3A_198 = tpu.vector_load %arg9[%parallel_loop3A_196, %parallel_loop3A_197] {strides = array<i32>} : memref<8x1024xf32, #tpu.memory_space<vmem>>, vector<16xf32>,
        tpu.vector_store %arg9[%parallel_loop3A_196, %parallel_loop3A_197], %parallel_loop3A_192 {strides = array<i32>} : memref<8x1024xf32, #tpu.memory_space<vmem>>, vector<16xf32>,
        %parallel_loop3A_199 = arith.constant 2 : i32
        %parallel_loop3A_200 = vector.broadcast %parallel_loop3A_199 : i32 to vector<16xi32>
        %parallel_loop3A_201 = tpu.vector_load_idx %arg7[%parallel_loop3A_200, %parallel_loop3A_180] : memref<8x4096xf32, #tpu.memory_space<vmem>>[vector<16xi32>, vector<16xi32>], vector<16xf32>,
        %parallel_loop3A_202 = arith.constant 16 : i32
        %parallel_loop3A_203 = arith.muli %parallel_loop3A_174, %parallel_loop3A_202 : i32
        %parallel_loop3A_204 = arith.constant 2 : i32
        %parallel_loop3A_205 = arith.index_cast %parallel_loop3A_204 : i32 to index
        %parallel_loop3A_206 = arith.index_cast %parallel_loop3A_203 : i32 to index
        %parallel_loop3A_207 = tpu.vector_load %arg9[%parallel_loop3A_205, %parallel_loop3A_206] {strides = array<i32>} : memref<8x1024xf32, #tpu.memory_space<vmem>>, vector<16xf32>,
        tpu.vector_store %arg9[%parallel_loop3A_205, %parallel_loop3A_206], %parallel_loop3A_201 {strides = array<i32>} : memref<8x1024xf32, #tpu.memory_space<vmem>>, vector<16xf32>,
        %parallel_loop3A_208 = arith.constant 3 : i32
        %parallel_loop3A_209 = vector.broadcast %parallel_loop3A_208 : i32 to vector<16xi32>
        %parallel_loop3A_210 = tpu.vector_load_idx %arg7[%parallel_loop3A_209, %parallel_loop3A_180] : memref<8x4096xf32, #tpu.memory_space<vmem>>[vector<16xi32>, vector<16xi32>], vector<16xf32>,
        %parallel_loop3A_211 = arith.constant 16 : i32
        %parallel_loop3A_212 = arith.muli %parallel_loop3A_174, %parallel_loop3A_211 : i32
        %parallel_loop3A_213 = arith.constant 3 : i32
        %parallel_loop3A_214 = arith.index_cast %parallel_loop3A_213 : i32 to index
        %parallel_loop3A_215 = arith.index_cast %parallel_loop3A_212 : i32 to index
        %parallel_loop3A_216 = tpu.vector_load %arg9[%parallel_loop3A_214, %parallel_loop3A_215] {strides = array<i32>} : memref<8x1024xf32, #tpu.memory_space<vmem>>, vector<16xf32>,
        tpu.vector_store %arg9[%parallel_loop3A_214, %parallel_loop3A_215], %parallel_loop3A_210 {strides = array<i32>} : memref<8x1024xf32, #tpu.memory_space<vmem>>, vector<16xf32>,
        %parallel_loop3A_217 = arith.constant 4 : i32
        %parallel_loop3A_218 = vector.broadcast %parallel_loop3A_217 : i32 to vector<16xi32>
        %parallel_loop3A_219 = tpu.vector_load_idx %arg7[%parallel_loop3A_218, %parallel_loop3A_180] : memref<8x4096xf32, #tpu.memory_space<vmem>>[vector<16xi32>, vector<16xi32>], vector<16xf32>,
        %parallel_loop3A_220 = arith.constant 16 : i32
        %parallel_loop3A_221 = arith.muli %parallel_loop3A_174, %parallel_loop3A_220 : i32
        %parallel_loop3A_222 = arith.constant 4 : i32
        %parallel_loop3A_223 = arith.index_cast %parallel_loop3A_222 : i32 to index
        %parallel_loop3A_224 = arith.index_cast %parallel_loop3A_221 : i32 to index
        %parallel_loop3A_225 = tpu.vector_load %arg9[%parallel_loop3A_223, %parallel_loop3A_224] {strides = array<i32>} : memref<8x1024xf32, #tpu.memory_space<vmem>>, vector<16xf32>,
        tpu.vector_store %arg9[%parallel_loop3A_223, %parallel_loop3A_224], %parallel_loop3A_219 {strides = array<i32>} : memref<8x1024xf32, #tpu.memory_space<vmem>>, vector<16xf32>,
        %parallel_loop3A_226 = arith.constant 5 : i32
        %parallel_loop3A_227 = vector.broadcast %parallel_loop3A_226 : i32 to vector<16xi32>
        %parallel_loop3A_228 = tpu.vector_load_idx %arg7[%parallel_loop3A_227, %parallel_loop3A_180] : memref<8x4096xf32, #tpu.memory_space<vmem>>[vector<16xi32>, vector<16xi32>], vector<16xf32>,
        %parallel_loop3A_229 = arith.constant 16 : i32
        %parallel_loop3A_230 = arith.muli %parallel_loop3A_174, %parallel_loop3A_229 : i32
        %parallel_loop3A_231 = arith.constant 5 : i32
        %parallel_loop3A_232 = arith.index_cast %parallel_loop3A_231 : i32 to index
        %parallel_loop3A_233 = arith.index_cast %parallel_loop3A_230 : i32 to index
        %parallel_loop3A_234 = tpu.vector_load %arg9[%parallel_loop3A_232, %parallel_loop3A_233] {strides = array<i32>} : memref<8x1024xf32, #tpu.memory_space<vmem>>, vector<16xf32>,
        tpu.vector_store %arg9[%parallel_loop3A_232, %parallel_loop3A_233], %parallel_loop3A_228 {strides = array<i32>} : memref<8x1024xf32, #tpu.memory_space<vmem>>, vector<16xf32>,
        %parallel_loop3A_235 = arith.constant 6 : i32
        %parallel_loop3A_236 = vector.broadcast %parallel_loop3A_235 : i32 to vector<16xi32>
        %parallel_loop3A_237 = tpu.vector_load_idx %arg7[%parallel_loop3A_236, %parallel_loop3A_180] : memref<8x4096xf32, #tpu.memory_space<vmem>>[vector<16xi32>, vector<16xi32>], vector<16xf32>,
        %parallel_loop3A_238 = arith.constant 16 : i32
        %parallel_loop3A_239 = arith.muli %parallel_loop3A_174, %parallel_loop3A_238 : i32
        %parallel_loop3A_240 = arith.constant 6 : i32
        %parallel_loop3A_241 = arith.index_cast %parallel_loop3A_240 : i32 to index
        %parallel_loop3A_242 = arith.index_cast %parallel_loop3A_239 : i32 to index
        %parallel_loop3A_243 = tpu.vector_load %arg9[%parallel_loop3A_241, %parallel_loop3A_242] {strides = array<i32>} : memref<8x1024xf32, #tpu.memory_space<vmem>>, vector<16xf32>,
        tpu.vector_store %arg9[%parallel_loop3A_241, %parallel_loop3A_242], %parallel_loop3A_237 {strides = array<i32>} : memref<8x1024xf32, #tpu.memory_space<vmem>>, vector<16xf32>,
        %parallel_loop3A_244 = arith.constant 7 : i32
        %parallel_loop3A_245 = vector.broadcast %parallel_loop3A_244 : i32 to vector<16xi32>
        %parallel_loop3A_246 = tpu.vector_load_idx %arg7[%parallel_loop3A_245, %parallel_loop3A_180] : memref<8x4096xf32, #tpu.memory_space<vmem>>[vector<16xi32>, vector<16xi32>], vector<16xf32>,
        %parallel_loop3A_247 = arith.constant 16 : i32
        %parallel_loop3A_248 = arith.muli %parallel_loop3A_174, %parallel_loop3A_247 : i32
        %parallel_loop3A_249 = arith.constant 7 : i32
        %parallel_loop3A_250 = arith.index_cast %parallel_loop3A_249 : i32 to index
        %parallel_loop3A_251 = arith.index_cast %parallel_loop3A_248 : i32 to index
        %parallel_loop3A_252 = tpu.vector_load %arg9[%parallel_loop3A_250, %parallel_loop3A_251] {strides = array<i32>} : memref<8x1024xf32, #tpu.memory_space<vmem>>, vector<16xf32>,
        tpu.vector_store %arg9[%parallel_loop3A_250, %parallel_loop3A_251], %parallel_loop3A_246 {strides = array<i32>} : memref<8x1024xf32, #tpu.memory_space<vmem>>, vector<16xf32>,
      } {sc.loop_unroll_factor = 4 : i64, sc.parallel_access}
      %add3A_128 = arith.constant 1 : i32
      %add3A_129 = arith.addi %mul3A_36, %add3A_128 : i32
      %mul3A_130 = arith.constant 8 : i32
      %mul3A_131 = arith.muli %add3A_129, %mul3A_130 : i32
      %add3A_132 = arith.addi %mul3A_2, %mul3A_131 : i32
      %dma_start3A_133 = arith.constant 1024 : i32
      %dma_start3A_134 = tpu.memref_slice %arg4[%add3A_132, %dma_start3A_133] : memref<8192x4096xf32, #tpu.memory_space<hbm>> -> memref<8x1024xf32, #tpu.memory_space<hbm>>
      %dma_start3A_135 = arith.constant 1024 : i32
      %dma_start3A_136 = tpu.memref_slice %arg4[%add3A_132, %dma_start3A_135] : memref<8192x4096xf32, #tpu.memory_space<hbm>> -> memref<8x1024xf32, #tpu.memory_space<hbm>>
      tpu.enqueue_dma source(%arg9 : memref<8x1024xf32, #tpu.memory_space<vmem>>) target(%dma_start3A_136 : memref<8x1024xf32, #tpu.memory_space<hbm>>) target_semaphore(%arg15 : memref<!tpu.dma_semaphore, #tpu.memory_space<semaphore_mem>>)
      %dma_wait3A_137 = arith.constant 0 : i32
      %dma_wait3A_138 = tpu.memref_slice %arg2[%mul3A_2, %dma_wait3A_137] : memref<8192x4096xf32, #tpu.memory_space<hbm>> -> memref<8x1024xf32, #tpu.memory_space<hbm>>
      %dma_wait3A_139 = arith.constant 0 : i32
      %dma_wait3A_140 = tpu.memref_slice %arg2[%mul3A_2, %dma_wait3A_139] : memref<8192x4096xf32, #tpu.memory_space<hbm>> -> memref<8x1024xf32, #tpu.memory_space<hbm>>
      tpu.wait_dma2 semaphore(%arg16 : memref<!tpu.dma_semaphore, #tpu.memory_space<semaphore_mem>>) src(%dma_wait3A_140 : memref<8x1024xf32, #tpu.memory_space<hbm>>) dst(%arg10 : memref<8x1024xf32, #tpu.memory_space<vmem>>)
      %parallel_loop3A_141 = arith.constant 0 : i32
      %parallel_loop3A_142 = arith.constant 64 : i32
      %parallel_loop3A_143 = arith.constant 1 : i32
      scf.for %parallel_loop3A_174 = %parallel_loop3A_141 to %parallel_loop3A_142 step %parallel_loop3A_143  : i32 {
        %parallel_loop3A_175 = arith.constant 16 : i32
        %parallel_loop3A_176 = arith.muli %parallel_loop3A_174, %parallel_loop3A_175 : i32
        %parallel_loop3A_177 = arith.constant 2048 : i32
        %parallel_loop3A_178 = arith.addi %parallel_loop3A_177, %parallel_loop3A_176 : i32
        %parallel_loop3A_179 = arith.index_cast %parallel_loop3A_178 : i32 to index
        %parallel_loop3A_180 = tpu.vector_load %arg5[%parallel_loop3A_179] {strides = array<i32>} : memref<4096xi32, #tpu.memory_space<vmem>>, vector<16xi32>,
        %parallel_loop3A_181 = arith.constant 0 : i32
        %parallel_loop3A_182 = vector.broadcast %parallel_loop3A_181 : i32 to vector<16xi32>
        %parallel_loop3A_183 = tpu.vector_load_idx %arg7[%parallel_loop3A_182, %parallel_loop3A_180] : memref<8x4096xf32, #tpu.memory_space<vmem>>[vector<16xi32>, vector<16xi32>], vector<16xf32>,
        %parallel_loop3A_184 = arith.constant 16 : i32
        %parallel_loop3A_185 = arith.muli %parallel_loop3A_174, %parallel_loop3A_184 : i32
        %parallel_loop3A_186 = arith.constant 0 : i32
        %parallel_loop3A_187 = arith.index_cast %parallel_loop3A_186 : i32 to index
        %parallel_loop3A_188 = arith.index_cast %parallel_loop3A_185 : i32 to index
        %parallel_loop3A_189 = tpu.vector_load %arg10[%parallel_loop3A_187, %parallel_loop3A_188] {strides = array<i32>} : memref<8x1024xf32, #tpu.memory_space<vmem>>, vector<16xf32>,
        tpu.vector_store %arg10[%parallel_loop3A_187, %parallel_loop3A_188], %parallel_loop3A_183 {strides = array<i32>} : memref<8x1024xf32, #tpu.memory_space<vmem>>, vector<16xf32>,
        %parallel_loop3A_190 = arith.constant 1 : i32
        %parallel_loop3A_191 = vector.broadcast %parallel_loop3A_190 : i32 to vector<16xi32>
        %parallel_loop3A_192 = tpu.vector_load_idx %arg7[%parallel_loop3A_191, %parallel_loop3A_180] : memref<8x4096xf32, #tpu.memory_space<vmem>>[vector<16xi32>, vector<16xi32>], vector<16xf32>,
        %parallel_loop3A_193 = arith.constant 16 : i32
        %parallel_loop3A_194 = arith.muli %parallel_loop3A_174, %parallel_loop3A_193 : i32
        %parallel_loop3A_195 = arith.constant 1 : i32
        %parallel_loop3A_196 = arith.index_cast %parallel_loop3A_195 : i32 to index
        %parallel_loop3A_197 = arith.index_cast %parallel_loop3A_194 : i32 to index
        %parallel_loop3A_198 = tpu.vector_load %arg10[%parallel_loop3A_196, %parallel_loop3A_197] {strides = array<i32>} : memref<8x1024xf32, #tpu.memory_space<vmem>>, vector<16xf32>,
        tpu.vector_store %arg10[%parallel_loop3A_196, %parallel_loop3A_197], %parallel_loop3A_192 {strides = array<i32>} : memref<8x1024xf32, #tpu.memory_space<vmem>>, vector<16xf32>,
        %parallel_loop3A_199 = arith.constant 2 : i32
        %parallel_loop3A_200 = vector.broadcast %parallel_loop3A_199 : i32 to vector<16xi32>
        %parallel_loop3A_201 = tpu.vector_load_idx %arg7[%parallel_loop3A_200, %parallel_loop3A_180] : memref<8x4096xf32, #tpu.memory_space<vmem>>[vector<16xi32>, vector<16xi32>], vector<16xf32>,
        %parallel_loop3A_202 = arith.constant 16 : i32
        %parallel_loop3A_203 = arith.muli %parallel_loop3A_174, %parallel_loop3A_202 : i32
        %parallel_loop3A_204 = arith.constant 2 : i32
        %parallel_loop3A_205 = arith.index_cast %parallel_loop3A_204 : i32 to index
        %parallel_loop3A_206 = arith.index_cast %parallel_loop3A_203 : i32 to index
        %parallel_loop3A_207 = tpu.vector_load %arg10[%parallel_loop3A_205, %parallel_loop3A_206] {strides = array<i32>} : memref<8x1024xf32, #tpu.memory_space<vmem>>, vector<16xf32>,
        tpu.vector_store %arg10[%parallel_loop3A_205, %parallel_loop3A_206], %parallel_loop3A_201 {strides = array<i32>} : memref<8x1024xf32, #tpu.memory_space<vmem>>, vector<16xf32>,
        %parallel_loop3A_208 = arith.constant 3 : i32
        %parallel_loop3A_209 = vector.broadcast %parallel_loop3A_208 : i32 to vector<16xi32>
        %parallel_loop3A_210 = tpu.vector_load_idx %arg7[%parallel_loop3A_209, %parallel_loop3A_180] : memref<8x4096xf32, #tpu.memory_space<vmem>>[vector<16xi32>, vector<16xi32>], vector<16xf32>,
        %parallel_loop3A_211 = arith.constant 16 : i32
        %parallel_loop3A_212 = arith.muli %parallel_loop3A_174, %parallel_loop3A_211 : i32
        %parallel_loop3A_213 = arith.constant 3 : i32
        %parallel_loop3A_214 = arith.index_cast %parallel_loop3A_213 : i32 to index
        %parallel_loop3A_215 = arith.index_cast %parallel_loop3A_212 : i32 to index
        %parallel_loop3A_216 = tpu.vector_load %arg10[%parallel_loop3A_214, %parallel_loop3A_215] {strides = array<i32>} : memref<8x1024xf32, #tpu.memory_space<vmem>>, vector<16xf32>,
        tpu.vector_store %arg10[%parallel_loop3A_214, %parallel_loop3A_215], %parallel_loop3A_210 {strides = array<i32>} : memref<8x1024xf32, #tpu.memory_space<vmem>>, vector<16xf32>,
        %parallel_loop3A_217 = arith.constant 4 : i32
        %parallel_loop3A_218 = vector.broadcast %parallel_loop3A_217 : i32 to vector<16xi32>
        %parallel_loop3A_219 = tpu.vector_load_idx %arg7[%parallel_loop3A_218, %parallel_loop3A_180] : memref<8x4096xf32, #tpu.memory_space<vmem>>[vector<16xi32>, vector<16xi32>], vector<16xf32>,
        %parallel_loop3A_220 = arith.constant 16 : i32
        %parallel_loop3A_221 = arith.muli %parallel_loop3A_174, %parallel_loop3A_220 : i32
        %parallel_loop3A_222 = arith.constant 4 : i32
        %parallel_loop3A_223 = arith.index_cast %parallel_loop3A_222 : i32 to index
        %parallel_loop3A_224 = arith.index_cast %parallel_loop3A_221 : i32 to index
        %parallel_loop3A_225 = tpu.vector_load %arg10[%parallel_loop3A_223, %parallel_loop3A_224] {strides = array<i32>} : memref<8x1024xf32, #tpu.memory_space<vmem>>, vector<16xf32>,
        tpu.vector_store %arg10[%parallel_loop3A_223, %parallel_loop3A_224], %parallel_loop3A_219 {strides = array<i32>} : memref<8x1024xf32, #tpu.memory_space<vmem>>, vector<16xf32>,
        %parallel_loop3A_226 = arith.constant 5 : i32
        %parallel_loop3A_227 = vector.broadcast %parallel_loop3A_226 : i32 to vector<16xi32>
        %parallel_loop3A_228 = tpu.vector_load_idx %arg7[%parallel_loop3A_227, %parallel_loop3A_180] : memref<8x4096xf32, #tpu.memory_space<vmem>>[vector<16xi32>, vector<16xi32>], vector<16xf32>,
        %parallel_loop3A_229 = arith.constant 16 : i32
        %parallel_loop3A_230 = arith.muli %parallel_loop3A_174, %parallel_loop3A_229 : i32
        %parallel_loop3A_231 = arith.constant 5 : i32
        %parallel_loop3A_232 = arith.index_cast %parallel_loop3A_231 : i32 to index
        %parallel_loop3A_233 = arith.index_cast %parallel_loop3A_230 : i32 to index
        %parallel_loop3A_234 = tpu.vector_load %arg10[%parallel_loop3A_232, %parallel_loop3A_233] {strides = array<i32>} : memref<8x1024xf32, #tpu.memory_space<vmem>>, vector<16xf32>,
        tpu.vector_store %arg10[%parallel_loop3A_232, %parallel_loop3A_233], %parallel_loop3A_228 {strides = array<i32>} : memref<8x1024xf32, #tpu.memory_space<vmem>>, vector<16xf32>,
        %parallel_loop3A_235 = arith.constant 6 : i32
        %parallel_loop3A_236 = vector.broadcast %parallel_loop3A_235 : i32 to vector<16xi32>
        %parallel_loop3A_237 = tpu.vector_load_idx %arg7[%parallel_loop3A_236, %parallel_loop3A_180] : memref<8x4096xf32, #tpu.memory_space<vmem>>[vector<16xi32>, vector<16xi32>], vector<16xf32>,
        %parallel_loop3A_238 = arith.constant 16 : i32
        %parallel_loop3A_239 = arith.muli %parallel_loop3A_174, %parallel_loop3A_238 : i32
        %parallel_loop3A_240 = arith.constant 6 : i32
        %parallel_loop3A_241 = arith.index_cast %parallel_loop3A_240 : i32 to index
        %parallel_loop3A_242 = arith.index_cast %parallel_loop3A_239 : i32 to index
        %parallel_loop3A_243 = tpu.vector_load %arg10[%parallel_loop3A_241, %parallel_loop3A_242] {strides = array<i32>} : memref<8x1024xf32, #tpu.memory_space<vmem>>, vector<16xf32>,
        tpu.vector_store %arg10[%parallel_loop3A_241, %parallel_loop3A_242], %parallel_loop3A_237 {strides = array<i32>} : memref<8x1024xf32, #tpu.memory_space<vmem>>, vector<16xf32>,
        %parallel_loop3A_244 = arith.constant 7 : i32
        %parallel_loop3A_245 = vector.broadcast %parallel_loop3A_244 : i32 to vector<16xi32>
        %parallel_loop3A_246 = tpu.vector_load_idx %arg7[%parallel_loop3A_245, %parallel_loop3A_180] : memref<8x4096xf32, #tpu.memory_space<vmem>>[vector<16xi32>, vector<16xi32>], vector<16xf32>,
        %parallel_loop3A_247 = arith.constant 16 : i32
        %parallel_loop3A_248 = arith.muli %parallel_loop3A_174, %parallel_loop3A_247 : i32
        %parallel_loop3A_249 = arith.constant 7 : i32
        %parallel_loop3A_250 = arith.index_cast %parallel_loop3A_249 : i32 to index
        %parallel_loop3A_251 = arith.index_cast %parallel_loop3A_248 : i32 to index
        %parallel_loop3A_252 = tpu.vector_load %arg10[%parallel_loop3A_250, %parallel_loop3A_251] {strides = array<i32>} : memref<8x1024xf32, #tpu.memory_space<vmem>>, vector<16xf32>,
        tpu.vector_store %arg10[%parallel_loop3A_250, %parallel_loop3A_251], %parallel_loop3A_246 {strides = array<i32>} : memref<8x1024xf32, #tpu.memory_space<vmem>>, vector<16xf32>,
      } {sc.loop_unroll_factor = 4 : i64, sc.parallel_access}
      %add3A_144 = arith.constant 1 : i32
      %add3A_145 = arith.addi %mul3A_36, %add3A_144 : i32
      %mul3A_146 = arith.constant 8 : i32
      %mul3A_147 = arith.muli %add3A_145, %mul3A_146 : i32
      %add3A_148 = arith.addi %mul3A_2, %mul3A_147 : i32
      %dma_start3A_149 = arith.constant 2048 : i32
      %dma_start3A_150 = tpu.memref_slice %arg4[%add3A_148, %dma_start3A_149] : memref<8192x4096xf32, #tpu.memory_space<hbm>> -> memref<8x1024xf32, #tpu.memory_space<hbm>>
      %dma_start3A_151 = arith.constant 2048 : i32
      %dma_start3A_152 = tpu.memref_slice %arg4[%add3A_148, %dma_start3A_151] : memref<8192x4096xf32, #tpu.memory_space<hbm>> -> memref<8x1024xf32, #tpu.memory_space<hbm>>
      tpu.enqueue_dma source(%arg10 : memref<8x1024xf32, #tpu.memory_space<vmem>>) target(%dma_start3A_152 : memref<8x1024xf32, #tpu.memory_space<hbm>>) target_semaphore(%arg16 : memref<!tpu.dma_semaphore, #tpu.memory_space<semaphore_mem>>)
      %dma_wait3A_153 = arith.constant 0 : i32
      %dma_wait3A_154 = tpu.memref_slice %arg2[%mul3A_2, %dma_wait3A_153] : memref<8192x4096xf32, #tpu.memory_space<hbm>> -> memref<8x1024xf32, #tpu.memory_space<hbm>>
      %dma_wait3A_155 = arith.constant 0 : i32
      %dma_wait3A_156 = tpu.memref_slice %arg2[%mul3A_2, %dma_wait3A_155] : memref<8192x4096xf32, #tpu.memory_space<hbm>> -> memref<8x1024xf32, #tpu.memory_space<hbm>>
      tpu.wait_dma2 semaphore(%arg17 : memref<!tpu.dma_semaphore, #tpu.memory_space<semaphore_mem>>) src(%dma_wait3A_156 : memref<8x1024xf32, #tpu.memory_space<hbm>>) dst(%arg11 : memref<8x1024xf32, #tpu.memory_space<vmem>>)
      %parallel_loop3A_157 = arith.constant 0 : i32
      %parallel_loop3A_158 = arith.constant 64 : i32
      %parallel_loop3A_159 = arith.constant 1 : i32
      scf.for %parallel_loop3A_174 = %parallel_loop3A_157 to %parallel_loop3A_158 step %parallel_loop3A_159  : i32 {
        %parallel_loop3A_175 = arith.constant 16 : i32
        %parallel_loop3A_176 = arith.muli %parallel_loop3A_174, %parallel_loop3A_175 : i32
        %parallel_loop3A_177 = arith.constant 3072 : i32
        %parallel_loop3A_178 = arith.addi %parallel_loop3A_177, %parallel_loop3A_176 : i32
        %parallel_loop3A_179 = arith.index_cast %parallel_loop3A_178 : i32 to index
        %parallel_loop3A_180 = tpu.vector_load %arg5[%parallel_loop3A_179] {strides = array<i32>} : memref<4096xi32, #tpu.memory_space<vmem>>, vector<16xi32>,
        %parallel_loop3A_181 = arith.constant 0 : i32
        %parallel_loop3A_182 = vector.broadcast %parallel_loop3A_181 : i32 to vector<16xi32>
        %parallel_loop3A_183 = tpu.vector_load_idx %arg7[%parallel_loop3A_182, %parallel_loop3A_180] : memref<8x4096xf32, #tpu.memory_space<vmem>>[vector<16xi32>, vector<16xi32>], vector<16xf32>,
        %parallel_loop3A_184 = arith.constant 16 : i32
        %parallel_loop3A_185 = arith.muli %parallel_loop3A_174, %parallel_loop3A_184 : i32
        %parallel_loop3A_186 = arith.constant 0 : i32
        %parallel_loop3A_187 = arith.index_cast %parallel_loop3A_186 : i32 to index
        %parallel_loop3A_188 = arith.index_cast %parallel_loop3A_185 : i32 to index
        %parallel_loop3A_189 = tpu.vector_load %arg11[%parallel_loop3A_187, %parallel_loop3A_188] {strides = array<i32>} : memref<8x1024xf32, #tpu.memory_space<vmem>>, vector<16xf32>,
        tpu.vector_store %arg11[%parallel_loop3A_187, %parallel_loop3A_188], %parallel_loop3A_183 {strides = array<i32>} : memref<8x1024xf32, #tpu.memory_space<vmem>>, vector<16xf32>,
        %parallel_loop3A_190 = arith.constant 1 : i32
        %parallel_loop3A_191 = vector.broadcast %parallel_loop3A_190 : i32 to vector<16xi32>
        %parallel_loop3A_192 = tpu.vector_load_idx %arg7[%parallel_loop3A_191, %parallel_loop3A_180] : memref<8x4096xf32, #tpu.memory_space<vmem>>[vector<16xi32>, vector<16xi32>], vector<16xf32>,
        %parallel_loop3A_193 = arith.constant 16 : i32
        %parallel_loop3A_194 = arith.muli %parallel_loop3A_174, %parallel_loop3A_193 : i32
        %parallel_loop3A_195 = arith.constant 1 : i32
        %parallel_loop3A_196 = arith.index_cast %parallel_loop3A_195 : i32 to index
        %parallel_loop3A_197 = arith.index_cast %parallel_loop3A_194 : i32 to index
        %parallel_loop3A_198 = tpu.vector_load %arg11[%parallel_loop3A_196, %parallel_loop3A_197] {strides = array<i32>} : memref<8x1024xf32, #tpu.memory_space<vmem>>, vector<16xf32>,
        tpu.vector_store %arg11[%parallel_loop3A_196, %parallel_loop3A_197], %parallel_loop3A_192 {strides = array<i32>} : memref<8x1024xf32, #tpu.memory_space<vmem>>, vector<16xf32>,
        %parallel_loop3A_199 = arith.constant 2 : i32
        %parallel_loop3A_200 = vector.broadcast %parallel_loop3A_199 : i32 to vector<16xi32>
        %parallel_loop3A_201 = tpu.vector_load_idx %arg7[%parallel_loop3A_200, %parallel_loop3A_180] : memref<8x4096xf32, #tpu.memory_space<vmem>>[vector<16xi32>, vector<16xi32>], vector<16xf32>,
        %parallel_loop3A_202 = arith.constant 16 : i32
        %parallel_loop3A_203 = arith.muli %parallel_loop3A_174, %parallel_loop3A_202 : i32
        %parallel_loop3A_204 = arith.constant 2 : i32
        %parallel_loop3A_205 = arith.index_cast %parallel_loop3A_204 : i32 to index
        %parallel_loop3A_206 = arith.index_cast %parallel_loop3A_203 : i32 to index
        %parallel_loop3A_207 = tpu.vector_load %arg11[%parallel_loop3A_205, %parallel_loop3A_206] {strides = array<i32>} : memref<8x1024xf32, #tpu.memory_space<vmem>>, vector<16xf32>,
        tpu.vector_store %arg11[%parallel_loop3A_205, %parallel_loop3A_206], %parallel_loop3A_201 {strides = array<i32>} : memref<8x1024xf32, #tpu.memory_space<vmem>>, vector<16xf32>,
        %parallel_loop3A_208 = arith.constant 3 : i32
        %parallel_loop3A_209 = vector.broadcast %parallel_loop3A_208 : i32 to vector<16xi32>
        %parallel_loop3A_210 = tpu.vector_load_idx %arg7[%parallel_loop3A_209, %parallel_loop3A_180] : memref<8x4096xf32, #tpu.memory_space<vmem>>[vector<16xi32>, vector<16xi32>], vector<16xf32>,
        %parallel_loop3A_211 = arith.constant 16 : i32
        %parallel_loop3A_212 = arith.muli %parallel_loop3A_174, %parallel_loop3A_211 : i32
        %parallel_loop3A_213 = arith.constant 3 : i32
        %parallel_loop3A_214 = arith.index_cast %parallel_loop3A_213 : i32 to index
        %parallel_loop3A_215 = arith.index_cast %parallel_loop3A_212 : i32 to index
        %parallel_loop3A_216 = tpu.vector_load %arg11[%parallel_loop3A_214, %parallel_loop3A_215] {strides = array<i32>} : memref<8x1024xf32, #tpu.memory_space<vmem>>, vector<16xf32>,
        tpu.vector_store %arg11[%parallel_loop3A_214, %parallel_loop3A_215], %parallel_loop3A_210 {strides = array<i32>} : memref<8x1024xf32, #tpu.memory_space<vmem>>, vector<16xf32>,
        %parallel_loop3A_217 = arith.constant 4 : i32
        %parallel_loop3A_218 = vector.broadcast %parallel_loop3A_217 : i32 to vector<16xi32>
        %parallel_loop3A_219 = tpu.vector_load_idx %arg7[%parallel_loop3A_218, %parallel_loop3A_180] : memref<8x4096xf32, #tpu.memory_space<vmem>>[vector<16xi32>, vector<16xi32>], vector<16xf32>,
        %parallel_loop3A_220 = arith.constant 16 : i32
        %parallel_loop3A_221 = arith.muli %parallel_loop3A_174, %parallel_loop3A_220 : i32
        %parallel_loop3A_222 = arith.constant 4 : i32
        %parallel_loop3A_223 = arith.index_cast %parallel_loop3A_222 : i32 to index
        %parallel_loop3A_224 = arith.index_cast %parallel_loop3A_221 : i32 to index
        %parallel_loop3A_225 = tpu.vector_load %arg11[%parallel_loop3A_223, %parallel_loop3A_224] {strides = array<i32>} : memref<8x1024xf32, #tpu.memory_space<vmem>>, vector<16xf32>,
        tpu.vector_store %arg11[%parallel_loop3A_223, %parallel_loop3A_224], %parallel_loop3A_219 {strides = array<i32>} : memref<8x1024xf32, #tpu.memory_space<vmem>>, vector<16xf32>,
        %parallel_loop3A_226 = arith.constant 5 : i32
        %parallel_loop3A_227 = vector.broadcast %parallel_loop3A_226 : i32 to vector<16xi32>
        %parallel_loop3A_228 = tpu.vector_load_idx %arg7[%parallel_loop3A_227, %parallel_loop3A_180] : memref<8x4096xf32, #tpu.memory_space<vmem>>[vector<16xi32>, vector<16xi32>], vector<16xf32>,
        %parallel_loop3A_229 = arith.constant 16 : i32
        %parallel_loop3A_230 = arith.muli %parallel_loop3A_174, %parallel_loop3A_229 : i32
        %parallel_loop3A_231 = arith.constant 5 : i32
        %parallel_loop3A_232 = arith.index_cast %parallel_loop3A_231 : i32 to index
        %parallel_loop3A_233 = arith.index_cast %parallel_loop3A_230 : i32 to index
        %parallel_loop3A_234 = tpu.vector_load %arg11[%parallel_loop3A_232, %parallel_loop3A_233] {strides = array<i32>} : memref<8x1024xf32, #tpu.memory_space<vmem>>, vector<16xf32>,
        tpu.vector_store %arg11[%parallel_loop3A_232, %parallel_loop3A_233], %parallel_loop3A_228 {strides = array<i32>} : memref<8x1024xf32, #tpu.memory_space<vmem>>, vector<16xf32>,
        %parallel_loop3A_235 = arith.constant 6 : i32
        %parallel_loop3A_236 = vector.broadcast %parallel_loop3A_235 : i32 to vector<16xi32>
        %parallel_loop3A_237 = tpu.vector_load_idx %arg7[%parallel_loop3A_236, %parallel_loop3A_180] : memref<8x4096xf32, #tpu.memory_space<vmem>>[vector<16xi32>, vector<16xi32>], vector<16xf32>,
        %parallel_loop3A_238 = arith.constant 16 : i32
        %parallel_loop3A_239 = arith.muli %parallel_loop3A_174, %parallel_loop3A_238 : i32
        %parallel_loop3A_240 = arith.constant 6 : i32
        %parallel_loop3A_241 = arith.index_cast %parallel_loop3A_240 : i32 to index
        %parallel_loop3A_242 = arith.index_cast %parallel_loop3A_239 : i32 to index
        %parallel_loop3A_243 = tpu.vector_load %arg11[%parallel_loop3A_241, %parallel_loop3A_242] {strides = array<i32>} : memref<8x1024xf32, #tpu.memory_space<vmem>>, vector<16xf32>,
        tpu.vector_store %arg11[%parallel_loop3A_241, %parallel_loop3A_242], %parallel_loop3A_237 {strides = array<i32>} : memref<8x1024xf32, #tpu.memory_space<vmem>>, vector<16xf32>,
        %parallel_loop3A_244 = arith.constant 7 : i32
        %parallel_loop3A_245 = vector.broadcast %parallel_loop3A_244 : i32 to vector<16xi32>
        %parallel_loop3A_246 = tpu.vector_load_idx %arg7[%parallel_loop3A_245, %parallel_loop3A_180] : memref<8x4096xf32, #tpu.memory_space<vmem>>[vector<16xi32>, vector<16xi32>], vector<16xf32>,
        %parallel_loop3A_247 = arith.constant 16 : i32
        %parallel_loop3A_248 = arith.muli %parallel_loop3A_174, %parallel_loop3A_247 : i32
        %parallel_loop3A_249 = arith.constant 7 : i32
        %parallel_loop3A_250 = arith.index_cast %parallel_loop3A_249 : i32 to index
        %parallel_loop3A_251 = arith.index_cast %parallel_loop3A_248 : i32 to index
        %parallel_loop3A_252 = tpu.vector_load %arg11[%parallel_loop3A_250, %parallel_loop3A_251] {strides = array<i32>} : memref<8x1024xf32, #tpu.memory_space<vmem>>, vector<16xf32>,
        tpu.vector_store %arg11[%parallel_loop3A_250, %parallel_loop3A_251], %parallel_loop3A_246 {strides = array<i32>} : memref<8x1024xf32, #tpu.memory_space<vmem>>, vector<16xf32>,
      } {sc.loop_unroll_factor = 4 : i64, sc.parallel_access}
      %add3A_160 = arith.constant 1 : i32
      %add3A_161 = arith.addi %mul3A_36, %add3A_160 : i32
      %mul3A_162 = arith.constant 8 : i32
      %mul3A_163 = arith.muli %add3A_161, %mul3A_162 : i32
      %add3A_164 = arith.addi %mul3A_2, %mul3A_163 : i32
      %dma_start3A_165 = arith.constant 3072 : i32
      %dma_start3A_166 = tpu.memref_slice %arg4[%add3A_164, %dma_start3A_165] : memref<8192x4096xf32, #tpu.memory_space<hbm>> -> memref<8x1024xf32, #tpu.memory_space<hbm>>
      %dma_start3A_167 = arith.constant 3072 : i32
      %dma_start3A_168 = tpu.memref_slice %arg4[%add3A_164, %dma_start3A_167] : memref<8192x4096xf32, #tpu.memory_space<hbm>> -> memref<8x1024xf32, #tpu.memory_space<hbm>>
      tpu.enqueue_dma source(%arg11 : memref<8x1024xf32, #tpu.memory_space<vmem>>) target(%dma_start3A_168 : memref<8x1024xf32, #tpu.memory_space<hbm>>) target_semaphore(%arg17 : memref<!tpu.dma_semaphore, #tpu.memory_space<semaphore_mem>>)
      %lt3A_169 = arith.constant 15 : i32
      %lt3A_170 = arith.cmpi slt, %scan3A_34, %lt3A_169 : i32
      %convert_element_type3A_171 = arith.extui %lt3A_170 : i1 to i32
      %cond3A_172 = arith.constant 0 : i32
      %cond3A_173 = arith.cmpi ne, %convert_element_type3A_171, %cond3A_172 : i32
      scf.if %cond3A_173 {
        %add3A_174 = arith.constant 3 : i32
        %add3A_175 = arith.addi %mul3A_36, %add3A_174 : i32
        %mul3A_176 = arith.constant 8 : i32
        %mul3A_177 = arith.muli %add3A_175, %mul3A_176 : i32
        %add3A_178 = arith.addi %mul3A_2, %mul3A_177 : i32
        %dma_start3A_179 = arith.constant 0 : i32
        %dma_start3A_180 = tpu.memref_slice %arg2[%add3A_178, %dma_start3A_179] : memref<8192x4096xf32, #tpu.memory_space<hbm>> -> memref<8x4096xf32, #tpu.memory_space<hbm>>
        %dma_start3A_181 = arith.constant 0 : i32
        %dma_start3A_182 = tpu.memref_slice %arg2[%add3A_178, %dma_start3A_181] : memref<8192x4096xf32, #tpu.memory_space<hbm>> -> memref<8x4096xf32, #tpu.memory_space<hbm>>
        tpu.enqueue_dma source(%dma_start3A_182 : memref<8x4096xf32, #tpu.memory_space<hbm>>) target(%arg7 : memref<8x4096xf32, #tpu.memory_space<vmem>>) target_semaphore(%arg13 : memref<!tpu.dma_semaphore, #tpu.memory_space<semaphore_mem>>)
      } else {
      }
    }
    %scan3A_18 = arith.constant 16 : i32
    %dma_wait3A = arith.constant 0 : i32
    %dma_wait3A_19 = tpu.memref_slice %arg2[%mul3A_2, %dma_wait3A] : memref<8192x4096xf32, #tpu.memory_space<hbm>> -> memref<8x1024xf32, #tpu.memory_space<hbm>>
    %dma_wait3A_20 = arith.constant 0 : i32
    %dma_wait3A_21 = tpu.memref_slice %arg2[%mul3A_2, %dma_wait3A_20] : memref<8192x4096xf32, #tpu.memory_space<hbm>> -> memref<8x1024xf32, #tpu.memory_space<hbm>>
    tpu.wait_dma2 semaphore(%arg14 : memref<!tpu.dma_semaphore, #tpu.memory_space<semaphore_mem>>) src(%dma_wait3A_21 : memref<8x1024xf32, #tpu.memory_space<hbm>>) dst(%arg8 : memref<8x1024xf32, #tpu.memory_space<vmem>>)
    %dma_wait3A_22 = arith.constant 0 : i32
    %dma_wait3A_23 = tpu.memref_slice %arg2[%mul3A_2, %dma_wait3A_22] : memref<8192x4096xf32, #tpu.memory_space<hbm>> -> memref<8x1024xf32, #tpu.memory_space<hbm>>
    %dma_wait3A_24 = arith.constant 0 : i32
    %dma_wait3A_25 = tpu.memref_slice %arg2[%mul3A_2, %dma_wait3A_24] : memref<8192x4096xf32, #tpu.memory_space<hbm>> -> memref<8x1024xf32, #tpu.memory_space<hbm>>
    tpu.wait_dma2 semaphore(%arg15 : memref<!tpu.dma_semaphore, #tpu.memory_space<semaphore_mem>>) src(%dma_wait3A_25 : memref<8x1024xf32, #tpu.memory_space<hbm>>) dst(%arg9 : memref<8x1024xf32, #tpu.memory_space<vmem>>)
    %dma_wait3A_26 = arith.constant 0 : i32
    %dma_wait3A_27 = tpu.memref_slice %arg2[%mul3A_2, %dma_wait3A_26] : memref<8192x4096xf32, #tpu.memory_space<hbm>> -> memref<8x1024xf32, #tpu.memory_space<hbm>>
    %dma_wait3A_28 = arith.constant 0 : i32
    %dma_wait3A_29 = tpu.memref_slice %arg2[%mul3A_2, %dma_wait3A_28] : memref<8192x4096xf32, #tpu.memory_space<hbm>> -> memref<8x1024xf32, #tpu.memory_space<hbm>>
    tpu.wait_dma2 semaphore(%arg16 : memref<!tpu.dma_semaphore, #tpu.memory_space<semaphore_mem>>) src(%dma_wait3A_29 : memref<8x1024xf32, #tpu.memory_space<hbm>>) dst(%arg10 : memref<8x1024xf32, #tpu.memory_space<vmem>>)
    %dma_wait3A_30 = arith.constant 0 : i32
    %dma_wait3A_31 = tpu.memref_slice %arg2[%mul3A_2, %dma_wait3A_30] : memref<8192x4096xf32, #tpu.memory_space<hbm>> -> memref<8x1024xf32, #tpu.memory_space<hbm>>
    %dma_wait3A_32 = arith.constant 0 : i32
    %dma_wait3A_33 = tpu.memref_slice %arg2[%mul3A_2, %dma_wait3A_32] : memref<8192x4096xf32, #tpu.memory_space<hbm>> -> memref<8x1024xf32, #tpu.memory_space<hbm>>
    tpu.wait_dma2 semaphore(%arg17 : memref<!tpu.dma_semaphore, #tpu.memory_space<semaphore_mem>>) src(%dma_wait3A_33 : memref<8x1024xf32, #tpu.memory_space<hbm>>) dst(%arg11 : memref<8x1024xf32, #tpu.memory_space<vmem>>)
    return
  }
}

</mosaic_0001>

<sc_bundles>
// kernel: kernel.3.cloned.1.call-start
scs
__scs_entry_jumppad:
0x0: {  	(pc) =	sbr.rel $0x88, $3  }
0x1: {  	(tag) =	ssettag $0x0;
	lr =	simm.s32 $0x1  }
0x2: {  	[smem:$0x3F9F] =	sst lr;
	_ =	strace $0xD0000000  }
0x3: {  	_ = 	snop  }
0x4: {  	_ = 	snop  }
0x5: {  	_ = 	snop  }
0x6: {  	_ = 	snop  }
0x7: {  	_ = 	snop  }
__scs_overlays_trampoline_lowered:
0x8: {  	[smem:$0x3FAE] =	sst s0  }
0x9: {  	[smem:$0x3FAF] =	sst s1  }
0xa: {  	[smem:$0x3FB0] =	sst s2  }
0xb: {  	[smem:$0x3FB1] =	sst s3  }
0xc: {  	[smem:$0x3FB2] =	sst s4  }
0xd: {  	[smem:$0x3FB3] =	sst s5  }
0xe: {  	[smem:$0x3FB4] =	sst s6  }
0xf: {  	[smem:$0x3FB5] =	sst s7  }
0x10: {  	[smem:$0x3FB6] =	sst s8  }
0x11: {  	[smem:$0x3FB7] =	sst s9;
	s0 =	simm.s32 @!p0 $0x0  }
0x12: {  	s1 =	sld [smem:$0x3F9D];
	s0 =	simm.s32 @p0 $0x1  }
0x13: {  	[smem:$0x3FB8] =	sst s0;
	s0 =	simm.s32 @!p1 $0x0  }
0x14: {  	s2 =	sld [smem:$0x3F9C];
	s0 =	simm.s32 @p1 $0x1  }
0x15: {  	[smem:$0x3FB9] =	sst s0;
	s0 =	simm.s32 @!p2 $0x0  }
0x16: {  	s3 =	sld [smem:$0x3FDB];
	s0 =	simm.s32 @p2 $0x1  }
0x17: {  	s4 =	simm.s32 $0x1BF5;
	[smem:$0x3FBB] =	sst s0  }
0x18: {  	s0 =	sld [smem:$0x3F9E];
	_ =	swait.ge [sflag:s4], $0x0  }
0x19: {  	s7 =	sld [smem:$0x3F9F]  }
0x1a: {  	s8 =	sadd.s32 $0xFFFFE003, lr  }
0x1b: {  	s9 =	sadd.s32 $0xFFFFFEF7, lr;
	s5 =	simm.s32 $0xFFFFFFFF;
	p2 =	slt.u32 s8, $0xFFFFF086  }
0x1c: {  	p1 =	slt.u32 s9, $0xF7A;
	s5 =	simm.s32 @!p2 $0x0  }
0x1d: {  	s5 =	simm.s32 @p1 $0x1;
	p0 =	seq.s32 s7, s2  }
0x1e: {  	s7 =	smul.u32 @!p0 $0xF7A, s2;
	p2 =	seq.s32 @!p0 s5, $0x0  }
0x1f: {  	s9 =	smul.u32 $0xF7A, s1;
	s8 =	simm.s32 @!p0 $0x1BF5;
	p2 =	por !p2, p0  }
0x20: {  	[sflag:s8] =	ssyncset.s32 @!p0 $0xFFFFF086;
	s6 =	sadd.s32 @!p0 s3, s7;
	s7 =	simm.s32 @!p0 $0x108  }
0x21: {  	s3 =	sadd.s32 s3, s9;
	s6 =	sadd.s32 @!p0 $0x88, s6;
	s7 =	simm.s32 @p2 $0x1082  }
0x22: {  	[simem:s7], [sflag:s8] =	dma.local @!p0 [hbm:s6], $0xF7A  }
0x23: {  	s9 =	sor.u32 $0xD0000000, s2;
	s6 =	simm.s32 $0x108;
	_ =	swait.ge @!p0 [sflag:s8], $0x0  }
0x24: {  	s3 =	sadd.s32 $0x88, s3;
	s6 =	simm.s32 @!p1 $0x1082;
	[sflag:s4] =	ssyncset.s32 $0xFFFFF086  }
0x25: {  	[simem:s6], [sflag:s4] =	dma.local [hbm:s3], $0xF7A  }
0x26: {  	[smem:$0x3F9F] =	sst s1;
	(tag) =	ssettag s2;
	_ =	strace s9  }
0x27: {  	s1 =	sld [smem:$0x3FAF]  }
0x28: {  	s2 =	sld [smem:$0x3FB0]  }
0x29: {  	s4 =	sld [smem:$0x3FB2]  }
0x2a: {  	p0 =	seq.s32 s5, $0x0;
	s5 =	sld [smem:$0x3FB3]  }
0x2b: {  	s6 =	sld [smem:$0x3FB4]  }
0x2c: {  	s7 =	sld [smem:$0x3FB5]  }
0x2d: {  	s3 =	simm.s32 $0x108;
	s8 =	sld [smem:$0x3FB6]  }
0x2e: {  	s3 =	simm.s32 @!p0 $0x1082;
	s9 =	sld [smem:$0x3FB7]  }
0x2f: {  	lr =	sadd.s32 s0, s3;
	s0 =	sld [smem:$0x3FAE]  }
0x30: {  	s3 =	sld [smem:$0x3FB1]  }
0x31: {  	[smem:$0x3FBA] =	sst s10  }
0x32: {  	s10 =	sld [smem:$0x3FB8];
	_ =	sdelay $0x3  }
0x33: {  	p0 =	seq.s32 s10, $0x1;
	s10 =	sld [smem:$0x3FBA];
	_ =	sdelay $0x3  }
0x34: {  	[smem:$0x3FBA] =	sst s10  }
0x35: {  	s10 =	sld [smem:$0x3FB9];
	_ =	sdelay $0x3  }
0x36: {  	p1 =	seq.s32 s10, $0x1;
	s10 =	sld [smem:$0x3FBA];
	_ =	sdelay $0x3  }
0x37: {  	[smem:$0x3FBA] =	sst s10  }
0x38: {  	s10 =	sld [smem:$0x3FBB]  }
0x39: {  	_ = 	snop;
	(pc) =	sbr.ind lr, $3  }
0x3a: {  	_ = 	snop  }
0x3b: {  	_ = 	snop  }
0x3c: {  	p2 =	seq.s32 s10, $0x1;
	s10 =	sld [smem:$0x3FBA]  }
0x3d: {  	_ =	shalt  }
0x3e: {  	_ =	shalt  }
0x3f: {  	_ =	shalt  }
0x40: {  	_ =	shalt  }
0x41: {  	_ =	shalt  }
0x42: {  	_ =	shalt  }
0x43: {  	_ =	shalt  }
0x44: {  	_ =	shalt  }
0x45: {  	_ =	shalt  }
0x46: {  	_ =	shalt  }
0x47: {  	_ =	shalt  }
0x48: {  	_ =	shalt  }
0x49: {  	_ =	shalt  }
0x4a: {  	_ =	shalt  }
0x4b: {  	_ =	shalt  }
0x4c: {  	_ =	shalt  }
0x4d: {  	_ =	shalt  }
0x4e: {  	_ =	shalt  }
0x4f: {  	_ =	shalt  }
0x50: {  	_ =	shalt  }
0x51: {  	_ =	shalt  }
0x52: {  	_ =	shalt  }
0x53: {  	_ =	shalt  }
0x54: {  	_ =	shalt  }
0x55: {  	_ =	shalt  }
0x56: {  	_ =	shalt  }
0x57: {  	_ =	shalt  }
0x58: {  	_ =	shalt  }
0x59: {  	_ =	shalt  }
0x5a: {  	_ =	shalt  }
0x5b: {  	_ =	shalt  }
0x5c: {  	_ =	shalt  }
0x5d: {  	_ =	shalt  }
0x5e: {  	_ =	shalt  }
0x5f: {  	_ =	shalt  }
0x60: {  	_ =	shalt  }
0x61: {  	_ =	shalt  }
0x62: {  	_ =	shalt  }
0x63: {  	_ =	shalt  }
0x64: {  	_ =	shalt  }
0x65: {  	_ =	shalt  }
0x66: {  	_ =	shalt  }
0x67: {  	_ =	shalt  }
0x68: {  	_ =	shalt  }
0x69: {  	_ =	shalt  }
0x6a: {  	_ =	shalt  }
0x6b: {  	_ =	shalt  }
0x6c: {  	_ =	shalt  }
0x6d: {  	_ =	shalt  }
0x6e: {  	_ =	shalt  }
0x6f: {  	_ =	shalt  }
0x70: {  	_ =	shalt  }
0x71: {  	_ =	shalt  }
0x72: {  	_ =	shalt  }
0x73: {  	_ =	shalt  }
0x74: {  	_ =	shalt  }
0x75: {  	_ =	shalt  }
0x76: {  	_ =	shalt  }
0x77: {  	_ =	shalt  }
0x78: {  	_ =	shalt  }
0x79: {  	_ =	shalt  }
0x7a: {  	_ =	shalt  }
0x7b: {  	_ =	shalt  }
0x7c: {  	_ =	shalt  }
0x7d: {  	_ =	shalt  }
0x7e: {  	_ =	shalt  }
0x7f: {  	_ =	shalt  }
0x80: {  	_ =	shalt  }
0x81: {  	_ =	shalt  }
0x82: {  	_ =	shalt  }
0x83: {  	_ =	shalt  }
0x84: {  	_ =	shalt  }
0x85: {  	_ =	shalt  }
0x86: {  	_ =	shalt  }
0x87: {  	_ =	shalt  }
.Lfunc_end0:
.L_simem_size_0:
called_computation_lowered:
.L_overlay_start_0:
0x88: {  	s2 =	sld [smem:$0x3FD9]  }
0x89: {  	s3 =	sld [smem:$0x3FFE];
	_ =	sdelay $0x1  }
0x8a: {  	s1 =	srdreg.scid  }
0x8b: {  	s0 =	sand.u32 $0x1, s1  }
0x8c: {  	s18 =	sshll.u32 s0, $0xA;
	s2 =	sadd.s32 s3, s2  }
0x8d: {  	s2 =	sadd.s32 s2, s18  }
0x8e: {  	[smem:$0x3FC6] =	sst s2  }
0x8f: {  	_ = 	snop  }
0x90: {  	s2 =	sld [smem:$0x3FC9]  }
0x91: {  	s19 =	sld [smem:$0x3FC8]  }
0x92: {  	s4 =	sld [smem:$0x3FD0];
	(tm) =	ssettm $0x1  }
0x93: {  	s5 =	sld [smem:$0x3FFB];
	_ =	sdelay $0x3  }
0x94: {  	_ =	strace s5  }
0x95: {  	s5 =	sld [smem:$0x3FFC];
	_ =	sdelay $0x3  }
0x96: {  	_ =	strace s5  }
0x97: {  	s5 =	sld [smem:$0x3FFD];
	_ =	sdelay $0x3  }
0x98: {  	_ =	strace s5  }
0x99: {  	_ =	strace $0x8FFFFFFF  }
0x9a: {  	s20 =	sld [smem:$0x3FDB];
	_ =	sdelay $0x1  }
0x9b: {  	s6 =	simm.s32 $_scs_section_size  }
0x9c: {  	s7 =	simm.s32 $_size__tile_overlayer_lowered;
	s8 =	simm.s32 $_tile_overlayer_lowered  }
0x9d: {  	s23 =	simm.s32 $0x1BFF;
	s22 =	sshll.u32 s8, $0x1;
	s5 =	sadd.s32 s6, s20  }
0x9e: {  	s9 =	simm.s32 $0x0;
	s21 =	sshll.u32 s7, $0x1;
	s7 =	sadd.s32 s22, s5  }
0x9f: {  	[timem:s9], [sflag:s23] =	dma.local [hbm:s7], s21  }
0xa0: {  	_ =	swait.ge [sflag:s23], s21  }
0xa1: {  	s6 =	ssub.s32 $0x0, s21;
	[sflag:s23] =	ssyncset.done $0x0  }
0xa2: {  	[sflag:s23] =	ssyncadd.s32 s6;
	_ =	sdelay $0x1  }
0xa3: {  	s24 =	simm.s32 $0x1B8B  }
0xa4: {  	_ =	swait.ge [sflag:s24], $0x1  }
0xa5: {  	[sflag:s24] =	ssyncset.done $0x0  }
0xa6: {  	s25 =	simm.s32 $0x1B8E;
	[sflag:s24] =	ssyncadd.s32 $0xFFFFFFFF  }
0xa7: {  	s26 =	simm.s32 $execute0_lowered;
	[smem:$0x3FD2] =	sst s25  }
0xa8: {  	s6 =	sshll.u32 s26, $0x1;
	_ =	strace $0x80000046;
	[dreg:$0x1] =	wrdreg $0xFFFFFFFF  }
0xa9: {  	s28 =	simm.s32 $_size_execute0_lowered;
	s5 =	sadd.s32 s5, s6;
	[dreg:$0x0] =	wrdreg $0x0  }
0xaa: {  	s6 =	sshll.u32 s28, $0x1;
	[dreg:$0x2] =	wrdreg s5  }
0xab: {  	[dreg:$0x3] =	wrdreg s6  }
0xac: {  	[dreg:$0x4] =	wrdreg $0xC0  }
0xad: {  	_ =	task [dreg:s9], $0x5FFFF  }
0xae: {  	[dreg:$0x1] =	wrdreg $0xFFFFFFFF  }
0xaf: {  	[dreg:$0x0] =	wrdreg $0x60  }
0xb0: {  	[dreg:$0x2] =	wrdreg s2  }
0xb1: {  	[dreg:$0x3] =	wrdreg s19  }
0xb2: {  	[dreg:$0x4] =	wrdreg s4  }
0xb3: {  	[dreg:$0x5] =	wrdreg $0x9  }
0xb4: {  	_ =	task.clear_ibuf [dreg:s9], $0x6FFFF;
	_ =	strace $0x90000046  }
0xb5: {  	s29 =	simm.s32 $0x9;
	_ =	strace $0x80000048  }
0xb6: {  	_ =	swait.ge [sflag:s29], $0x1  }
0xb7: {  	[sflag:s29] =	ssyncadd.s32 $0xFFFFFFFF  }
0xb8: {  	_ =	strace $0x90000048  }
0xb9: {  	_ =	sfence  }
0xba: {  	s30 =	sld [smem:$0x0];
	_ =	sdelay $0x2  }
0xbb: {  	s31 =	sshll.u32 s1, $0xD;
	s1 =	sshrl.u32 s1, $0x2  }
0xbc: {  	s3 =	sand.u32 $0x4000, s31;
	s1 =	sadd.s32 s1, s30  }
0xbd: {  	s0 =	sor.u32 s3, s0;
	s1 =	sshll.u32 s1, $0x11  }
0xbe: {  	s0 =	sor.u32 s1, s0  }
0xbf: {  	s0 =	sadd.s32 $0x8F2B, s0  }
0xc0: {  	[sflag:s0] =	ssyncadd.remote.s32 $0x1  }
0xc1: {  	_ =	sfence.sel $0xFFFF  }
0xc2: {  	[dreg:$0x0] =	wrdreg $0xFFFFFFFF;
	(pc) =	sbr.abs _section_cstart, $3  }
0xc3: {  	[dreg:$0x1] =	wrdreg $0xFFFFFFFF  }
0xc4: {  	_ =	task.clear_ibuf [dreg:s9], $0x2FFFF;
	_ =	strace $0x9FFFFFFF  }
0xc5: {  	(tm) =	ssettm $0x7FFFFFFF  }
tec
execute0_lowered:
.L_overlay_start_1:
0x0: {  	(tag) =	ssettag $0x1  }
0x1: {  	s3 =	rddreg [dreg:$0x0];
	s0 =	srdreg.scid  }
0x2: {  	s4 =	rddreg [dreg:$0x2];
	s1 =	stileid.u32;
	s5 =	simm.s32 $0x0  }
0x3: {  	s16 =	simm.s32 $0x1000;
	s0 =	sand.u32 $0x1, s0;
	s1 =	sshll.u32 s1, $0x9  }
0x4: {  	[smem:$0x7FF] =	sst s5;
	s29 =	sadd.s32 $0x400, s4;
	s2 =	sshll.u32 s0, $0x8  }
0x5: {  	_ =	strace $0x80000047;
	[dreg:$0x8] =	wrdreg s29;
	s2 =	sor.u32 s2, s1  }
0x6: {  	s0 =	ssub.s32 $0x2, s0;
	s6 =	sshll.u32 s2, $0x9;
	[dreg:$0x4] =	wrdreg s2  }
0x7: {  	s26 =	sshrl.u32 s0, $0x1;
	s30 =	sor.u32 $0x10, s2;
	[dreg:$0x5] =	wrdreg s6  }
.Ltmp0:
0x8: {  	s31 =	sor.u32 $0x18, s2;
	[dreg:$0x9] =	wrdreg s30;
	(pc) =	sbr.rel .LBB2_1-.Ltmp0, $4  }
0x9: {  	s0 =	ssub.s32 s0, s26;
	s28 =	sadd.s32 s3, s6;
	[dreg:$0xa] =	wrdreg s31  }
0xa: {  	s17 =	simm.s32 $0x9000;
	s0 =	smax.u32 s0, $0x1;
	[dreg:$0x6] =	wrdreg s28  }
0xb: {  	s11 =	sadd.s32 $0x800, s4;
	s1 =	sadd.s32 $0x1000, s28;
	[dreg:$0xb] =	wrdreg s0  }
0xc: {  	s12 =	sadd.s32 $0xC00, s4;
	s2 =	simm.s32 $0x0;
	[dreg:$0x7] =	wrdreg s1  }
.LBB2_20:
0xd: {  	s0 =	simm.s32 $0x3  }
0xe: {  	_ =	swait.ge [sflag:s0], $0x2000  }
0xf: {  	[sflag:s0] =	ssyncset.done $0x0  }
0x10: {  	s29 =	simm.s32 $0x4;
	[sflag:s0] =	ssyncadd.s32 $0xFFFFE000  }
0x11: {  	_ =	swait.ge [sflag:s29], $0x2000  }
0x12: {  	[sflag:s29] =	ssyncset.done $0x0  }
0x13: {  	s30 =	simm.s32 $0x5;
	[sflag:s29] =	ssyncadd.s32 $0xFFFFE000  }
0x14: {  	_ =	swait.ge [sflag:s30], $0x2000  }
0x15: {  	[sflag:s30] =	ssyncset.done $0x0  }
0x16: {  	s1 =	simm.s32 $0x6;
	[sflag:s30] =	ssyncadd.s32 $0xFFFFE000  }
0x17: {  	_ =	swait.ge [sflag:s1], $0x2000  }
0x18: {  	s2 =	rddreg [dreg:$0xc]  }
0x19: {  	s31 =	rddreg [dreg:$0xb];
	s2 =	sadd.s32 $0x1, s2  }
0x1a: {  	p0 =	sne.s32 s2, s31  }
.Ltmp1:
0x1b: {  	_ = 	snop;
	(pc) =	sbr.rel @!p0 .LBB2_21-.Ltmp1, $3  }
0x1c: {  	_ =	sdelay $0x1  }
0x1d: {  	[sflag:s1] =	ssyncset.done $0x0  }
0x1e: {  	[sflag:s1] =	ssyncadd.s32 $0xFFFFE000  }
.LBB2_1:
0x1f: {  	[dreg:$0xc] =	wrdreg s2  }
0x20: {  	s0 =	rddreg [dreg:$0x6]  }
0x21: {  	[tilespmem:s16], [sflag:$0x1] =	stream.linear.gather [hbm4b:s0+s5], $0x8000, $0x38;
	[tilespmem:$0x19000] =	vst v63  }
0x22: {  	s28 =	rddreg [dreg:$0x7]  }
0x23: {  	[tilespmem:s17], [sflag:$0x2] =	stream.linear.gather [hbm4b:s28+s5], $0x8000, $0x38;
	[tilespmem:$0x19000] =	vst v63  }
0x24: {  	s29 =	rddreg [dreg:$0x1];
	s30 =	simm.s32 $0x7  }
0x25: {  	[tilespmem:s5], [sflag:$0x7] =	stream.linear.gather [hbm4b:s29+s5], $0x1000, $0x38;
	[tilespmem:$0x19000] =	vst v63  }
0x26: {  	_ =	swait.ge [sflag:s30], $0x1000  }
0x27: {  	[sflag:s30] =	ssyncset.done $0x0  }
0x28: {  	s31 =	simm.s32 $0x0;
	[sflag:s30] =	ssyncadd.s32 $0xFFFFF000  }
.LBB2_2:
0x29: {  	s0 =	simm.s32 $0x1  }
0x2a: {  	_ =	swait.ge [sflag:s0], $0x8000  }
0x2b: {  	p0 =	seq.s32 s31, $0x0;
	[sflag:s0] =	ssyncset.done $0x0  }
0x2c: {  	s2 =	simm.s32 $0x0;
	[sflag:s0] =	ssyncadd.s32 $0xFFFF8000;
	s0 =	simm.s32 @!p0 $0x3  }
0x2d: {  	s1 =	sand.u32 $0x40, s2;
	_ =	swait.ge @!p0 [sflag:s0], $0x2000  }
0x2e: {  	s3 =	sand.u32 $0x380, s2;
	s4 =	sor.u32 $0x30, s1;
	[sflag:s0] =	ssyncset.done @!p0 $0x0  }
0x2f: {  	s13 =	sor.u32 s4, s3;
	[sflag:s0] =	ssyncadd.s32 @!p0 $0xFFFFE000  }
0x30: {  	v0 =	vld [tilespmem:s13+$0x0]  }
0x31: {  	s14 =	sor.u32 $0x10, s1;
	v1 =	vld [tilespmem:s2+$0x0]  }
0x32: {  	s6 =	sor.u32 $0x20, s1;
	s7 =	sor.u32 s14, s3  }
0x33: {  	s3 =	sor.u32 s6, s3;
	v2 =	vld [tilespmem:s7+$0x0]  }
0x34: {  	v3 =	vld [tilespmem:s3+$0x0]  }
0x35: {  	v4 =	vshll.u32 v0, $0x3  }
0x36: {  	v5 =	vshll.u32 v1, $0x3;
	v0 =	vand.u32 $0x7F, v0;
	v4 =	vand.u32 $0xFFFFFC00, v4  }
0x37: {  	v1 =	vand.u32 $0x7F, v1;
	v6 =	vand.u32 $0xFFFFFC00, v5;
	v5 =	vor.u32 v0, v4  }
0x38: {  	v0 =	vor.u32 v1, v6;
	v1 =	vshll.u32 v2, $0x3  }
0x39: {  	v4 =	vshll.u32 v3, $0x3;
	v2 =	vand.u32 $0x7F, v2;
	v1 =	vand.u32 $0xFFFFFC00, v1  }
0x3a: {  	v6 =	vand.u32 $0xFFFFFC00, v4;
	v4 =	vor.u32 v2, v1;
	v1 =	vand.u32 $0x7F, v3  }
0x3b: {  	v3 =	vor.u32 v1, v6  }
0x3c: {  	v1 =	vld.idx.msk [tilespmem:v5+s16+$0x0], $0xffff  }
0x3d: {  	v6 =	vor.u32 $0x80, v5;
	v2 =	vld.idx.msk [tilespmem:v0+s16+$0x0], $0xffff  }
0x3e: {  	s15 =	sand.u32 $0x1C00, s2;
	v7 =	vor.u32 $0x80, v0  }
0x3f: {  	s3 =	sadd.s32 $0x11000, s15;
	v8 =	vld.idx.msk [tilespmem:v4+s16+$0x0], $0xffff  }
0x40: {  	s9 =	sor.u32 s4, s3;
	v9 =	vor.u32 $0x80, v4;
	v10 =	vld.idx.msk [tilespmem:v3+s16+$0x0], $0xffff  }
0x41: {  	s18 =	sor.u32 s1, s3;
	v11 =	vor.u32 $0x80, v3;
	[tilespmem:s9+$0x0] =	vst v1  }
0x42: {  	[tilespmem:s18+$0x0] =	vst v2;
	v1 =	vld.idx.msk [tilespmem:v6+s16+$0x0], $0xffff  }
0x43: {  	s13 =	sor.u32 s14, s3;
	v2 =	vld.idx.msk [tilespmem:v7+s16+$0x0], $0xffff;
	v6 =	vor.u32 $0x100, v5  }
0x44: {  	s8 =	sor.u32 s6, s3;
	v7 =	vor.u32 $0x100, v0;
	[tilespmem:s13+$0x0] =	vst v8  }
0x45: {  	v8 =	vld.idx.msk [tilespmem:v9+s16+$0x0], $0xffff;
	[tilespmem:s8+$0x0] =	vst v10  }
0x46: {  	v9 =	vor.u32 $0x100, v4;
	v10 =	vld.idx.msk [tilespmem:v11+s16+$0x0], $0xffff  }
0x47: {  	v11 =	vor.u32 $0x100, v3;
	[tilespmem:s9+$0x80] =	vst v1  }
0x48: {  	[tilespmem:s18+$0x80] =	vst v2;
	v1 =	vld.idx.msk [tilespmem:v6+s16+$0x0], $0xffff  }
0x49: {  	v2 =	vld.idx.msk [tilespmem:v7+s16+$0x0], $0xffff;
	v6 =	vor.u32 $0x180, v5  }
0x4a: {  	v7 =	vor.u32 $0x180, v0;
	[tilespmem:s13+$0x80] =	vst v8  }
0x4b: {  	v8 =	vld.idx.msk [tilespmem:v9+s16+$0x0], $0xffff;
	[tilespmem:s8+$0x80] =	vst v10  }
0x4c: {  	s1 =	simm.s32 $0x40;
	v9 =	vor.u32 $0x180, v4;
	v10 =	vld.idx.msk [tilespmem:v11+s16+$0x0], $0xffff  }
0x4d: {  	s19 =	sand.u32 $0x40, s1;
	v11 =	vld [tilespmem:s1+$0x0];
	[tilespmem:s9+$0x100] =	vst v1  }
0x4e: {  	s14 =	sand.u32 $0x380, s1;
	s20 =	sor.u32 $0x30, s19;
	[tilespmem:s18+$0x100] =	vst v2;
	v1 =	vld.idx.msk [tilespmem:v6+s16+$0x0], $0xffff  }
0x4f: {  	s23 =	sor.u32 s20, s14;
	v2 =	vor.u32 $0x180, v3;
	v6 =	vld.idx.msk [tilespmem:v7+s16+$0x0], $0xffff  }
0x50: {  	s24 =	sor.u32 $0x10, s19;
	v7 =	vor.u32 $0x200, v5;
	[tilespmem:s13+$0x100] =	vst v8;
	v8 =	vld [tilespmem:s23+$0x0]  }
0x51: {  	s25 =	sor.u32 $0x20, s19;
	s15 =	sor.u32 s24, s14;
	v9 =	vld.idx.msk [tilespmem:v9+s16+$0x0], $0xffff  }
0x52: {  	s14 =	sor.u32 s25, s14;
	v13 =	vld [tilespmem:s15+$0x0];
	v12 =	vor.u32 $0x200, v4;
	v14 =	vshll.u32 v11, $0x3  }
0x53: {  	v15 =	vld [tilespmem:s14+$0x0];
	[tilespmem:s8+$0x100] =	vst v10;
	v10 =	vor.u32 $0x200, v0;
	v11 =	vand.u32 $0x7F, v11;
	v14 =	vand.u32 $0xFFFFFC00, v14  }
0x54: {  	p1 =	por $0x0, $0x0;
	v16 =	vld.idx.msk [tilespmem:v2+s16+$0x0], $0xffff;
	[tilespmem:s9+$0x180] =	vst v1;
	v1 =	vor.u32 v11, v14;
	s9 =	simm.s32 $0x1  }
0x55: {  	v11 =	vor.u32 $0x200, v3;
	v7 =	vld.idx.msk [tilespmem:v7+s16+$0x0], $0xffff;
	v2 =	vshll.u32 v8, $0x3;
	s9 =	simm.s32 @!p1 $0x0  }
0x56: {  	v8 =	vand.u32 $0x7F, v8;
	[tilespmem:s13+$0x180] =	vst v9;
	v2 =	vand.u32 $0xFFFFFC00, v2;
	s9 =	sshll.u32 s9, $0x6;
	v9 =	vor.u32 $0x280, v5  }
0x57: {  	v14 =	vor.u32 $0x280, v4;
	[tilespmem:s18+$0x180] =	vst v6;
	v6 =	vld.idx.msk [tilespmem:v12+s16+$0x0], $0xffff;
	v12 =	vshll.u32 v13, $0x3;
	v2 =	vor.u32 v8, v2;
	s9 =	sadd.s32 $0x0, s9  }
0x58: {  	v8 =	vld.idx.msk [tilespmem:v10+s16+$0x0], $0xffff;
	v10 =	vshll.u32 v15, $0x3;
	v13 =	vand.u32 $0x7F, v13;
	v12 =	vand.u32 $0xFFFFFC00, v12;
	s15 =	sadd.s32 $0x30, s9  }
0x59: {  	v10 =	vand.u32 $0xFFFFFC00, v10;
	[tilespmem:s8+$0x180] =	vst v16;
	v17 =	vld.idx.msk [tilespmem:v1+s16+$0x0], $0xffff;
	v21 =	vor.u32 v13, v12;
	v12 =	vand.u32 $0x7F, v15;
	s26 =	sor.u32 $0x200, s15  }
0x5a: {  	s28 =	sadd.s32 $0x10, s9;
	v11 =	vld.idx.msk [tilespmem:v11+s16+$0x0], $0xffff;
	v10 =	vor.u32 v12, v10;
	[tilespmem:s26+$0x11000] =	vst v7  }
0x5b: {  	s29 =	sor.u32 $0x200, s28;
	v7 =	vor.u32 $0x280, v0;
	v9 =	vld.idx.msk [tilespmem:v9+s16+$0x0], $0xffff  }
0x5c: {  	s21 =	sor.u32 $0x200, s9;
	s8 =	simm.s32 $0x200;
	v12 =	vor.u32 $0x280, v3;
	v13 =	vld.idx.msk [tilespmem:v2+s16+$0x0], $0xffff;
	[tilespmem:s29+$0x11000] =	vst v6  }
0x5d: {  	s10 =	sadd.s32 $0x20, s9;
	s22 =	sand.u32 $0x1C00, s8;
	[tilespmem:s21+$0x11000] =	vst v8;
	v8 =	vor.u32 $0x80, v1;
	v6 =	vld.idx.msk [tilespmem:v14+s16+$0x0], $0xffff  }
0x5e: {  	s18 =	sor.u32 $0x200, s10;
	s13 =	sadd.s32 $0x11000, s22;
	v14 =	vor.u32 $0x300, v5;
	v15 =	vld.idx.msk [tilespmem:v21+s16+$0x0], $0xffff  }
0x5f: {  	v16 =	vor.u32 $0x80, v2;
	[tilespmem:s18+$0x11000] =	vst v11;
	s18 =	sor.u32 s19, s13;
	v18 =	vld.idx.msk [tilespmem:v10+s16+$0x0], $0xffff  }
0x60: {  	s23 =	sor.u32 $0x280, s15;
	v19 =	vor.u32 $0x80, v21;
	v22 =	vld.idx.msk [tilespmem:v7+s16+$0x0], $0xffff;
	[tilespmem:s18+$0x0] =	vst v17  }
0x61: {  	s20 =	sor.u32 s20, s13;
	v7 =	vor.u32 $0x80, v10;
	v11 =	vld.idx.msk [tilespmem:v12+s16+$0x0], $0xffff;
	[tilespmem:s23+$0x11000] =	vst v9  }
0x62: {  	s30 =	sor.u32 s24, s13;
	s24 =	sor.u32 $0x280, s28;
	v9 =	vor.u32 $0x300, v4;
	[tilespmem:s20+$0x0] =	vst v13;
	v8 =	vld.idx.msk [tilespmem:v8+s16+$0x0], $0xffff  }
0x63: {  	v13 =	vor.u32 $0x300, v3;
	v12 =	vld.idx.msk [tilespmem:v14+s16+$0x0], $0xffff;
	[tilespmem:s24+$0x11000] =	vst v6  }
0x64: {  	s4 =	sor.u32 s25, s13;
	v5 =	vor.u32 $0x380, v5;
	v16 =	vld.idx.msk [tilespmem:v16+s16+$0x0], $0xffff;
	[tilespmem:s30+$0x0] =	vst v15  }
0x65: {  	s25 =	sor.u32 $0x280, s10;
	v17 =	vor.u32 $0x100, v2;
	v15 =	vld.idx.msk [tilespmem:v19+s16+$0x0], $0xffff;
	[tilespmem:s4+$0x0] =	vst v18  }
0x66: {  	s19 =	sor.u32 $0x280, s9;
	v19 =	vor.u32 $0x100, v1;
	[tilespmem:s25+$0x11000] =	vst v11;
	v7 =	vld.idx.msk [tilespmem:v7+s16+$0x0], $0xffff  }
0x67: {  	s26 =	sor.u32 $0x300, s15;
	v6 =	vor.u32 $0x100, v21;
	[tilespmem:s19+$0x11000] =	vst v22;
	v23 =	vld.idx.msk [tilespmem:v9+s16+$0x0], $0xffff  }
0x68: {  	v20 =	vor.u32 $0x100, v10;
	v14 =	vld.idx.msk [tilespmem:v13+s16+$0x0], $0xffff;
	[tilespmem:s26+$0x11000] =	vst v12  }
0x69: {  	[tilespmem:s20+$0x80] =	vst v16;
	v16 =	vor.u32 $0x300, v0;
	v24 =	vld.idx.msk [tilespmem:v5+s16+$0x0], $0xffff  }
0x6a: {  	v25 =	vor.u32 $0x380, v4;
	[tilespmem:s18+$0x80] =	vst v8;
	v18 =	vld.idx.msk [tilespmem:v17+s16+$0x0], $0xffff  }
0x6b: {  	s2 =	sor.u32 s2, s2;
	v4 =	vor.u32 $0x380, v21;
	v17 =	vld.idx.msk [tilespmem:v19+s16+$0x0], $0xffff;
	[tilespmem:s30+$0x80] =	vst v15  }
0x6c: {  	s0 =	sshll.u32 s31, $0x4;
	s7 =	simm.s32 $0x80;
	s3 =	sor.u32 $0x380, s2;
	v11 =	vor.u32 $0x200, v21;
	v22 =	vor.u32 $0x180, v2;
	v13 =	vor.u32 $0x180, v21;
	v19 =	vld.idx.msk [tilespmem:v6+s16+$0x0], $0xffff;
	[tilespmem:s4+$0x80] =	vst v7  }
0x6d: {  	s2 =	simm.s32 $0x4;
	s6 =	sor.u32 $0x300, s10;
	s21 =	sor.u32 $0x300, s28;
	v8 =	vor.u32 $0x280, v21;
	v6 =	vor.u32 $0x300, v21;
	v21 =	vor.u32 $0x180, v1;
	v20 =	vld.idx.msk [tilespmem:v20+s16+$0x0], $0xffff  }
0x6e: {  	s14 =	sor.u32 $0x380, s28;
	s28 =	sor.u32 s8, s1;
	s29 =	sor.u32 $0x380, s15;
	v3 =	vor.u32 $0x380, v3;
	v9 =	vor.u32 $0x200, v10;
	v12 =	vor.u32 $0x180, v10;
	[tilespmem:s21+$0x11000] =	vst v23;
	v15 =	vld.idx.msk [tilespmem:v16+s16+$0x0], $0xffff  }
0x6f: {  	s15 =	sor.u32 $0x380, s28;
	s13 =	sor.u32 $0x300, s9;
	s9 =	sor.u32 $0x380, s10;
	v5 =	vor.u32 $0x300, v10;
	v7 =	vor.u32 $0x280, v10;
	v10 =	vor.u32 $0x380, v10;
	v16 =	vld.idx.msk [tilespmem:v25+s16+$0x0], $0xffff;
	[tilespmem:s29+$0x11000] =	vst v24  }
.LBB2_3:
0x70: {  	v23 =	vld [tilespmem:s7+$0x0];
	[tilespmem:s20+$0x100] =	vst v18;
	s1 =	sadd.s32 $0x40, s1  }
0x71: {  	s2 =	sadd.s32 $0x4, s2;
	s19 =	sand.u32 $0x40, s1;
	[tilespmem:s18+$0x100] =	vst v17;
	v17 =	vld.idx.msk [tilespmem:v22+s16+$0x0], $0xffff  }
0x72: {  	s24 =	sand.u32 $0x380, s1;
	p2 =	slt.u32 s2, $0x3C;
	s21 =	sor.u32 $0x30, s19;
	v18 =	vld.idx.msk [tilespmem:v21+s16+$0x0], $0xffff;
	[tilespmem:s30+$0x100] =	vst v19  }
0x73: {  	s23 =	sor.u32 $0x10, s19;
	s22 =	sor.u32 $0x20, s19;
	v19 =	vor.u32 $0x200, v2;
	s25 =	sor.u32 s21, s24;
	v13 =	vld.idx.msk [tilespmem:v13+s16+$0x0], $0xffff;
	[tilespmem:s4+$0x100] =	vst v20  }
0x74: {  	v21 =	vor.u32 $0x200, v1;
	s26 =	sor.u32 s23, s24;
	s24 =	sor.u32 s22, s24;
	v20 =	vld [tilespmem:s25+$0x0];
	[tilespmem:s6+$0x11000] =	vst v14  }
0x75: {  	v14 =	vld [tilespmem:s26+$0x0];
	[tilespmem:s13+$0x11000] =	vst v15  }
0x76: {  	v15 =	vshll.u32 v23, $0x3;
	v22 =	vld [tilespmem:s24+$0x0];
	[tilespmem:s14+$0x11000] =	vst v16  }
0x77: {  	v16 =	vand.u32 $0x7F, v23;
	v15 =	vand.u32 $0xFFFFFC00, v15;
	v12 =	vld.idx.msk [tilespmem:v12+s16+$0x0], $0xffff;
	[tilespmem:s20+$0x180] =	vst v17;
	v17 =	vor.u32 $0x380, v0;
	v0 =	vmovc v1  }
0x78: {  	p1 =	por !p1, !p1;
	s6 =	simm.s32 $0x1;
	v1 =	vor.u32 v16, v15;
	[tilespmem:s18+$0x180] =	vst v18;
	v15 =	vld.idx.msk [tilespmem:v19+s16+$0x0], $0xffff  }
0x79: {  	s6 =	simm.s32 @!p1 $0x0;
	v16 =	vshll.u32 v20, $0x3;
	v18 =	vld.idx.msk [tilespmem:v21+s16+$0x0], $0xffff;
	[tilespmem:s30+$0x180] =	vst v13  }
0x7a: {  	s6 =	sshll.u32 s6, $0x6;
	v13 =	vand.u32 $0x7F, v20;
	v16 =	vand.u32 $0xFFFFFC00, v16;
	v19 =	vld.idx.msk [tilespmem:v11+s16+$0x0], $0xffff;
	v11 =	vor.u32 $0x280, v2  }
0x7b: {  	s13 =	sadd.s32 s6, s8;
	v20 =	vshll.u32 v14, $0x3;
	v21 =	vshll.u32 v22, $0x3;
	v16 =	vor.u32 v13, v16;
	v23 =	vld.idx.msk [tilespmem:v3+s16+$0x0], $0xffff;
	v3 =	vmovc v10  }
0x7c: {  	s14 =	sadd.s32 $0x10, s13;
	s18 =	sadd.s32 $0x20, s13;
	s24 =	sadd.s32 $0x30, s13;
	v10 =	vand.u32 $0x7F, v14;
	v13 =	vand.u32 $0xFFFFFC00, v20;
	v14 =	vand.u32 $0xFFFFFC00, v21;
	v17 =	vld.idx.msk [tilespmem:v17+s16+$0x0], $0xffff  }
0x7d: {  	s20 =	sor.u32 $0x200, s14;
	s6 =	sor.u32 $0x200, s24;
	v10 =	vor.u32 v10, v13;
	v13 =	vand.u32 $0x7F, v22;
	v21 =	vor.u32 $0x280, v0;
	v20 =	vld.idx.msk [tilespmem:v1+s16+$0x0], $0xffff;
	[tilespmem:s4+$0x180] =	vst v12;
	s4 =	sor.u32 $0x200, s18  }
0x7e: {  	s25 =	sor.u32 $0x200, s13;
	s29 =	sor.u32 $0x280, s14;
	s28 =	sor.u32 $0x280, s18;
	v22 =	vor.u32 $0x80, v10;
	v24 =	vor.u32 $0x100, v10;
	v14 =	vor.u32 v13, v14;
	v25 =	vld.idx.msk [tilespmem:v9+s16+$0x0], $0xffff;
	[tilespmem:s6+$0x11000] =	vst v15  }
0x7f: {  	s26 =	sor.u32 $0x280, s13;
	v13 =	vor.u32 $0x180, v10;
	v15 =	vor.u32 $0x80, v14;
	v26 =	vor.u32 $0x100, v14;
	s6 =	sor.u32 $0x300, s18;
	[tilespmem:s25+$0x11000] =	vst v18;
	s25 =	sor.u32 $0x300, s14;
	v18 =	vld.idx.msk [tilespmem:v11+s16+$0x0], $0xffff  }
0x80: {  	s13 =	sor.u32 $0x300, s13;
	v12 =	vor.u32 $0x180, v14;
	v9 =	vor.u32 $0x200, v14;
	s18 =	sor.u32 $0x380, s18;
	v11 =	vor.u32 $0x200, v10;
	s14 =	sor.u32 $0x380, s14;
	v27 =	vld.idx.msk [tilespmem:v16+s16+$0x0], $0xffff;
	[tilespmem:s20+$0x11000] =	vst v19  }
0x81: {  	v29 =	vor.u32 $0x300, v2;
	v19 =	vor.u32 $0x280, v14;
	v28 =	vld.idx.msk [tilespmem:v8+s16+$0x0], $0xffff;
	v8 =	vor.u32 $0x280, v10;
	[tilespmem:s9+$0x11000] =	vst v23;
	s9 =	smov.u32 s18  }
0x82: {  	s8 =	sadd.s32 $0x200, s8;
	v32 =	vor.u32 $0x80, v16;
	v30 =	vor.u32 $0x300, v10;
	v31 =	vor.u32 $0x300, v14;
	v23 =	vld.idx.msk [tilespmem:v10+s16+$0x0], $0xffff;
	[tilespmem:s3+$0x11000] =	vst v17;
	s3 =	smov.u32 s15  }
0x83: {  	v33 =	vor.u32 $0x380, v10;
	s18 =	sor.u32 s8, s1;
	s15 =	sand.u32 $0x1C00, s8;
	v17 =	vor.u32 $0x80, v1;
	v10 =	vor.u32 $0x380, v14;
	v34 =	vld.idx.msk [tilespmem:v14+s16+$0x0], $0xffff  }
0x84: {  	s10 =	sadd.s32 $0x11000, s15;
	s15 =	sor.u32 $0x380, s18;
	v35 =	vld.idx.msk [tilespmem:v21+s16+$0x0], $0xffff;
	[tilespmem:s4+$0x11000] =	vst v25;
	s4 =	sor.u32 $0x280, s24  }
0x85: {  	s18 =	sor.u32 s19, s10;
	s30 =	sor.u32 s23, s10;
	s20 =	sor.u32 s21, s10;
	v14 =	vld.idx.msk [tilespmem:v7+s16+$0x0], $0xffff;
	[tilespmem:s4+$0x11000] =	vst v18;
	v7 =	vmov v19  }
0x86: {  	s4 =	sor.u32 s22, s10;
	[tilespmem:s20+$0x0] =	vst v27;
	v18 =	vld.idx.msk [tilespmem:v29+s16+$0x0], $0xffff  }
0x87: {  	[tilespmem:s18+$0x0] =	vst v20;
	v19 =	vld.idx.msk [tilespmem:v32+s16+$0x0], $0xffff  }
0x88: {  	v20 =	vor.u32 $0x380, v2;
	v2 =	vmov v16;
	v17 =	vld.idx.msk [tilespmem:v17+s16+$0x0], $0xffff;
	[tilespmem:s30+$0x0] =	vst v23  }
0x89: {  	v21 =	vor.u32 $0x100, v2;
	v16 =	vld.idx.msk [tilespmem:v22+s16+$0x0], $0xffff;
	[tilespmem:s4+$0x0] =	vst v34  }
0x8a: {  	v22 =	vor.u32 $0x100, v1;
	v15 =	vld.idx.msk [tilespmem:v15+s16+$0x0], $0xffff;
	[tilespmem:s29+$0x11000] =	vst v28  }
0x8b: {  	s10 =	sor.u32 $0x300, s24;
	v23 =	vld.idx.msk [tilespmem:v6+s16+$0x0], $0xffff;
	[tilespmem:s28+$0x11000] =	vst v14;
	v6 =	vmov v30  }
0x8c: {  	v14 =	vld.idx.msk [tilespmem:v5+s16+$0x0], $0xffff;
	[tilespmem:s10+$0x11000] =	vst v18;
	v5 =	vmov v31  }
0x8d: {  	v25 =	vor.u32 $0x300, v0;
	[tilespmem:s20+$0x80] =	vst v19;
	v27 =	vld.idx.msk [tilespmem:v20+s16+$0x0], $0xffff  }
0x8e: {  	[tilespmem:s18+$0x80] =	vst v17;
	v18 =	vld.idx.msk [tilespmem:v21+s16+$0x0], $0xffff  }
.Ltmp2:
0x8f: {  	v17 =	vld.idx.msk [tilespmem:v22+s16+$0x0], $0xffff;
	[tilespmem:s30+$0x80] =	vst v16;
	(pc) =	sbr.rel @p2 .LBB2_3-.Ltmp2, $4  }
0x90: {  	v22 =	vor.u32 $0x180, v2;
	v19 =	vld.idx.msk [tilespmem:v24+s16+$0x0], $0xffff;
	[tilespmem:s4+$0x80] =	vst v15  }
0x91: {  	v21 =	vor.u32 $0x180, v1;
	v20 =	vld.idx.msk [tilespmem:v26+s16+$0x0], $0xffff;
	[tilespmem:s26+$0x11000] =	vst v35  }
0x92: {  	s10 =	sor.u32 $0x380, s24;
	v15 =	vld.idx.msk [tilespmem:v25+s16+$0x0], $0xffff;
	[tilespmem:s25+$0x11000] =	vst v23  }
0x93: {  	s7 =	sadd.s32 $0x40, s7;
	v16 =	vld.idx.msk [tilespmem:v4+s16+$0x0], $0xffff;
	[tilespmem:s10+$0x11000] =	vst v27;
	v4 =	vmov v33  }
0x94: {  	_ =	sdelay $0x2  }
0x95: {  	[tilespmem:s20+$0x100] =	vst v18  }
0x96: {  	v18 =	vld.idx.msk [tilespmem:v22+s16+$0x0], $0xffff;
	[tilespmem:s30+$0x100] =	vst v19  }
0x97: {  	v19 =	vor.u32 $0x200, v2;
	v13 =	vld.idx.msk [tilespmem:v13+s16+$0x0], $0xffff;
	[tilespmem:s4+$0x100] =	vst v20  }
0x98: {  	v12 =	vld.idx.msk [tilespmem:v12+s16+$0x0], $0xffff;
	_ =	sdelay $0x1  }
0x99: {  	[tilespmem:s18+$0x100] =	vst v17  }
0x9a: {  	p1 =	por !p1, !p1;
	s1 =	simm.s32 $0x1;
	v17 =	vld.idx.msk [tilespmem:v21+s16+$0x0], $0xffff;
	[tilespmem:s20+$0x180] =	vst v18  }
0x9b: {  	v61 =	vor.u32 $0x200, v1;
	s1 =	simm.s32 @!p1 $0x0;
	v18 =	vld.idx.msk [tilespmem:v19+s16+$0x0], $0xffff;
	[tilespmem:s30+$0x180] =	vst v13  }
0x9c: {  	s1 =	sshll.u32 s1, $0x6;
	v13 =	vor.u32 $0x280, v2;
	v11 =	vld.idx.msk [tilespmem:v11+s16+$0x0], $0xffff;
	[tilespmem:s4+$0x180] =	vst v12  }
0x9d: {  	s1 =	sadd.s32 s1, s8;
	v9 =	vld.idx.msk [tilespmem:v9+s16+$0x0], $0xffff  }
0x9e: {  	s2 =	sadd.s32 $0x30, s1  }
0x9f: {  	s24 =	sadd.s32 $0x10, s1;
	s7 =	sor.u32 $0x200, s2;
	[tilespmem:s18+$0x180] =	vst v17  }
0xa0: {  	s8 =	sadd.s32 $0x20, s1;
	s10 =	sor.u32 $0x200, s24;
	v12 =	vld.idx.msk [tilespmem:v61+s16+$0x0], $0xffff;
	[tilespmem:s7+$0x11000] =	vst v18  }
0xa1: {  	s25 =	sor.u32 $0x200, s8;
	v17 =	vor.u32 $0x280, v1;
	v13 =	vld.idx.msk [tilespmem:v13+s16+$0x0], $0xffff;
	[tilespmem:s10+$0x11000] =	vst v11  }
0xa2: {  	v11 =	vor.u32 $0x300, v2;
	v8 =	vld.idx.msk [tilespmem:v8+s16+$0x0], $0xffff;
	[tilespmem:s25+$0x11000] =	vst v9  }
0xa3: {  	v7 =	vld.idx.msk [tilespmem:v7+s16+$0x0], $0xffff  }
0xa4: {  	[tilespmem:s6+$0x11000] =	vst v14;
	s26 =	sor.u32 $0x200, s1  }
0xa5: {  	s28 =	sor.u32 $0x280, s2;
	[tilespmem:s26+$0x11000] =	vst v12  }
0xa6: {  	v0 =	vor.u32 $0x380, v0;
	s29 =	sor.u32 $0x280, s24;
	v9 =	vld.idx.msk [tilespmem:v17+s16+$0x0], $0xffff;
	[tilespmem:s28+$0x11000] =	vst v13  }
0xa7: {  	v12 =	vor.u32 $0x300, v1;
	s10 =	sor.u32 $0x280, s8;
	v11 =	vld.idx.msk [tilespmem:v11+s16+$0x0], $0xffff;
	[tilespmem:s29+$0x11000] =	vst v8  }
0xa8: {  	v2 =	vor.u32 $0x380, v2;
	v6 =	vld.idx.msk [tilespmem:v6+s16+$0x0], $0xffff;
	[tilespmem:s10+$0x11000] =	vst v7  }
0xa9: {  	[tilespmem:s13+$0x11000] =	vst v15;
	v5 =	vld.idx.msk [tilespmem:v5+s16+$0x0], $0xffff  }
0xaa: {  	v3 =	vld.idx.msk [tilespmem:v3+s16+$0x0], $0xffff;
	[tilespmem:s14+$0x11000] =	vst v16;
	s18 =	sor.u32 $0x280, s1  }
0xab: {  	s19 =	sor.u32 $0x300, s2;
	v0 =	vld.idx.msk [tilespmem:v0+s16+$0x0], $0xffff;
	[tilespmem:s18+$0x11000] =	vst v9  }
0xac: {  	s20 =	sor.u32 $0x300, s24;
	v7 =	vld.idx.msk [tilespmem:v12+s16+$0x0], $0xffff;
	[tilespmem:s19+$0x11000] =	vst v11  }
0xad: {  	s21 =	sor.u32 $0x300, s8;
	v1 =	vor.u32 $0x380, v1;
	v2 =	vld.idx.msk [tilespmem:v2+s16+$0x0], $0xffff;
	[tilespmem:s20+$0x11000] =	vst v6  }
0xae: {  	v4 =	vld.idx.msk [tilespmem:v4+s16+$0x0], $0xffff;
	[tilespmem:s21+$0x11000] =	vst v5  }
0xaf: {  	[tilespmem:s9+$0x11000] =	vst v3;
	v5 =	vld.idx.msk [tilespmem:v10+s16+$0x0], $0xffff  }
0xb0: {  	s1 =	sor.u32 $0x300, s1;
	[tilespmem:s3+$0x11000] =	vst v0  }
0xb1: {  	s22 =	sor.u32 $0x380, s2;
	[tilespmem:s1+$0x11000] =	vst v7  }
0xb2: {  	s23 =	sor.u32 $0x380, s24;
	v1 =	vld.idx.msk [tilespmem:v1+s16+$0x0], $0xffff;
	[tilespmem:s22+$0x11000] =	vst v2  }
0xb3: {  	s24 =	sor.u32 $0x380, s8;
	[tilespmem:s23+$0x11000] =	vst v4  }
0xb4: {  	[tilespmem:s24+$0x11000] =	vst v5  }
0xb5: {  	s25 =	sshll.u32 s31, $0xD;
	s1 =	rddreg [dreg:$0x5]  }
0xb6: {  	s26 =	rddreg [dreg:$0x2];
	s1 =	sadd.s32 s1, s25  }
0xb7: {  	s28 =	simm.s32 $0x11000;
	[tilespmem:s15+$0x11000] =	vst v1;
	s2 =	sadd.s32 s26, s1  }
0xb8: {  	[hbm4b:s2+s5] =	stream.linear.scatter [tilespmem:s28], [sflag:$0x3], $0x2000, $0x38;
	[tilespmem:$0x19000] =	vst v63  }
0xb9: {  	s2 =	simm.s32 @!p0 $0x4  }
0xba: {  	_ =	swait.ge @!p0 [sflag:s2], $0x2000  }
0xbb: {  	s9 =	simm.s32 $0x0;
	[sflag:s2] =	ssyncset.done @!p0 $0x0  }
0xbc: {  	s29 =	sand.u32 $0x3C0, s9;
	[sflag:s2] =	ssyncadd.s32 @!p0 $0xFFFFE000  }
0xbd: {  	v0 =	vld [tilespmem:s29+$0x400];
	_ =	sdelay $0x4  }
0xbe: {  	s3 =	simm.s32 $0x430;
	v1 =	vshll.u32 v0, $0x3  }
0xbf: {  	v2 =	vld [tilespmem:s3+$0xFFFFFFE0];
	v0 =	vand.u32 $0x7F, v0;
	v1 =	vand.u32 $0xFFFFFC00, v1  }
0xc0: {  	v8 =	vor.u32 v0, v1  }
0xc1: {  	v0 =	vld [tilespmem:s3+$0xFFFFFFF0]  }
0xc2: {  	v3 =	vld [tilespmem:s3+$0x0];
	_ =	sdelay $0x1  }
0xc3: {  	v1 =	vshll.u32 v2, $0x3  }
0xc4: {  	v2 =	vand.u32 $0x7F, v2;
	v1 =	vand.u32 $0xFFFFFC00, v1;
	v4 =	vld.idx.msk [tilespmem:v8+s16+$0x0], $0xffff  }
0xc5: {  	v5 =	vor.u32 $0x80, v8;
	v2 =	vor.u32 v2, v1;
	v1 =	vshll.u32 v0, $0x3  }
0xc6: {  	v6 =	vshll.u32 v3, $0x3;
	v0 =	vand.u32 $0x7F, v0;
	v1 =	vand.u32 $0xFFFFFC00, v1  }
0xc7: {  	s6 =	sand.u32 $0x1C00, s9;
	s4 =	sand.u32 $0x40, s9;
	v1 =	vor.u32 v0, v1;
	v0 =	vand.u32 $0x7F, v3;
	v3 =	vand.u32 $0xFFFFFC00, v6  }
0xc8: {  	s2 =	sor.u32 s4, s6;
	v0 =	vor.u32 v0, v3  }
0xc9: {  	[tilespmem:s2+$0x13000] =	vst v4  }
0xca: {  	v3 =	vld.idx.msk [tilespmem:v5+s16+$0x0], $0xffff  }
0xcb: {  	v4 =	vor.u32 $0x100, v8;
	v5 =	vld.idx.msk [tilespmem:v2+s16+$0x0], $0xffff  }
0xcc: {  	v7 =	vor.u32 $0x80, v2;
	v6 =	vld.idx.msk [tilespmem:v1+s16+$0x0], $0xffff  }
0xcd: {  	v10 =	vor.u32 $0x80, v1;
	v9 =	vld.idx.msk [tilespmem:v0+s16+$0x0], $0xffff  }
0xce: {  	v11 =	vor.u32 $0x80, v0;
	s2 =	sadd.s32 $0x13000, s2  }
0xcf: {  	[tilespmem:s2+$0x80] =	vst v3  }
0xd0: {  	[tilespmem:s2+$0x10] =	vst v5;
	v3 =	vld.idx.msk [tilespmem:v4+s16+$0x0], $0xffff  }
0xd1: {  	v5 =	vor.u32 $0x180, v8;
	v7 =	vld.idx.msk [tilespmem:v7+s16+$0x0], $0xffff;
	[tilespmem:s2+$0x20] =	vst v6  }
0xd2: {  	v6 =	vld.idx.msk [tilespmem:v10+s16+$0x0], $0xffff;
	[tilespmem:s2+$0x30] =	vst v9;
	v9 =	vor.u32 $0x100, v2  }
0xd3: {  	s7 =	simm.s32 $0x470;
	v10 =	vld.idx.msk [tilespmem:v11+s16+$0x0], $0xffff  }
0xd4: {  	v12 =	vld [tilespmem:s7+$0xFFFFFFF0];
	v11 =	vor.u32 $0x100, v1  }
0xd5: {  	v4 =	vld [tilespmem:s7+$0xFFFFFFE0];
	[tilespmem:s2+$0x100] =	vst v3;
	v3 =	vor.u32 $0x100, v0  }
0xd6: {  	s3 =	simm.s32 $0x40;
	[tilespmem:s2+$0x90] =	vst v7;
	v5 =	vld.idx.msk [tilespmem:v5+s16+$0x0], $0xffff  }
0xd7: {  	s8 =	sand.u32 $0x3C0, s3;
	v7 =	vor.u32 $0x200, v8;
	v9 =	vld.idx.msk [tilespmem:v9+s16+$0x0], $0xffff;
	[tilespmem:s2+$0xA0] =	vst v6  }
0xd8: {  	v13 =	vld [tilespmem:s8+$0x400];
	[tilespmem:s2+$0xB0] =	vst v10;
	v10 =	vor.u32 $0x180, v2  }
0xd9: {  	v6 =	vld.idx.msk [tilespmem:v11+s16+$0x0], $0xffff  }
0xda: {  	v11 =	vor.u32 $0x180, v1;
	v14 =	vld.idx.msk [tilespmem:v3+s16+$0x0], $0xffff;
	v3 =	vshll.u32 v4, $0x3  }
0xdb: {  	v15 =	vld [tilespmem:s7+$0x0];
	v4 =	vand.u32 $0x7F, v4;
	[tilespmem:s2+$0x180] =	vst v5;
	v5 =	vor.u32 $0x180, v0;
	v3 =	vand.u32 $0xFFFFFC00, v3  }
0xdc: {  	p1 =	por $0x0, $0x0;
	s4 =	simm.s32 $0x1;
	[tilespmem:s2+$0x110] =	vst v9;
	v16 =	vld.idx.msk [tilespmem:v7+s16+$0x0], $0xffff;
	v4 =	vor.u32 v4, v3  }
0xdd: {  	s4 =	simm.s32 @!p1 $0x0;
	v9 =	vor.u32 $0x280, v8;
	v7 =	vshll.u32 v13, $0x3;
	v10 =	vld.idx.msk [tilespmem:v10+s16+$0x0], $0xffff  }
0xde: {  	s4 =	sshll.u32 s4, $0x6;
	v3 =	vand.u32 $0x7F, v13;
	[tilespmem:s2+$0x120] =	vst v6;
	v13 =	vor.u32 $0x200, v2;
	v7 =	vand.u32 $0xFFFFFC00, v7  }
0xdf: {  	s21 =	sadd.s32 $0x0, s4;
	v11 =	vld.idx.msk [tilespmem:v11+s16+$0x0], $0xffff;
	v3 =	vor.u32 v3, v7;
	[tilespmem:s2+$0x130] =	vst v14  }
0xe0: {  	s4 =	sor.u32 $0x200, s21;
	v6 =	vshll.u32 v12, $0x3;
	v14 =	vld.idx.msk [tilespmem:v5+s16+$0x0], $0xffff;
	v5 =	vand.u32 $0x7F, v12;
	v12 =	vor.u32 $0x200, v1  }
0xe1: {  	v17 =	vshll.u32 v15, $0x3;
	v6 =	vand.u32 $0xFFFFFC00, v6;
	v7 =	vld.idx.msk [tilespmem:v4+s16+$0x0], $0xffff;
	[tilespmem:s4+$0x13000] =	vst v16;
	v16 =	vor.u32 $0x200, v0  }
0xe2: {  	v6 =	vor.u32 v5, v6;
	v5 =	vand.u32 $0x7F, v15;
	v15 =	vand.u32 $0xFFFFFC00, v17;
	[tilespmem:s2+$0x190] =	vst v10;
	v9 =	vld.idx.msk [tilespmem:v9+s16+$0x0], $0xffff  }
0xe3: {  	v5 =	vor.u32 v5, v15;
	v17 =	vld.idx.msk [tilespmem:v13+s16+$0x0], $0xffff  }
0xe4: {  	[tilespmem:s2+$0x1A0] =	vst v11;
	v15 =	vor.u32 $0x300, v8;
	v10 =	vld.idx.msk [tilespmem:v3+s16+$0x0], $0xffff  }
0xe5: {  	s15 =	simm.s32 $0x200;
	v18 =	vor.u32 $0x80, v3;
	v19 =	vld.idx.msk [tilespmem:v12+s16+$0x0], $0xffff;
	[tilespmem:s2+$0x1B0] =	vst v14  }
0xe6: {  	s13 =	sand.u32 $0x1C00, s15;
	v14 =	vor.u32 $0x280, v2;
	v16 =	vld.idx.msk [tilespmem:v16+s16+$0x0], $0xffff  }
0xe7: {  	s6 =	simm.s32 $0x4B0;
	s14 =	sor.u32 $0x280, s21;
	s10 =	sand.u32 $0x40, s3;
	v62 =	vor.u32 $0x280, v1;
	v11 =	vld.idx.msk [tilespmem:v6+s16+$0x0], $0xffff  }
0xe8: {  	s18 =	sadd.s32 $0x10, s21;
	s25 =	sadd.s32 $0x20, s21;
	s19 =	sor.u32 s10, s13;
	v63 =	vor.u32 $0x280, v0;
	v12 =	vld.idx.msk [tilespmem:v5+s16+$0x0], $0xffff;
	[tilespmem:s14+$0x13000] =	vst v9  }
0xe9: {  	s29 =	sadd.s32 $0x30, s21;
	s26 =	sor.u32 $0x200, s18;
	s28 =	sor.u32 $0x200, s25;
	[tilespmem:s19+$0x13000] =	vst v10;
	v13 =	vld.idx.msk [tilespmem:v15+s16+$0x0], $0xffff  }
0xea: {  	s23 =	sor.u32 $0x280, s18;
	s22 =	sor.u32 $0x280, s25;
	s24 =	sor.u32 $0x200, s29;
	[tilespmem:s26+$0x13000] =	vst v17;
	v15 =	vld.idx.msk [tilespmem:v18+s16+$0x0], $0xffff  }
0xeb: {  	s20 =	sor.u32 $0x280, s29;
	s30 =	sor.u32 $0x380, s18;
	s13 =	sor.u32 $0x300, s18;
	v10 =	vld.idx.msk [tilespmem:v14+s16+$0x0], $0xffff;
	[tilespmem:s28+$0x13000] =	vst v19;
	v14 =	vor.u32 $0x380, v8  }
0xec: {  	s8 =	sor.u32 $0x380, s25;
	s18 =	sor.u32 $0x380, s29;
	s7 =	sor.u32 $0x300, s25;
	v9 =	vld.idx.msk [tilespmem:v62+s16+$0x0], $0xffff;
	[tilespmem:s24+$0x13000] =	vst v16;
	v16 =	vor.u32 $0x100, v3  }
0xed: {  	s4 =	simm.s32 $0x4;
	s2 =	simm.s32 $0x0;
	s14 =	sor.u32 $0x300, s29;
	v17 =	vor.u32 $0x80, v4;
	v8 =	vld.idx.msk [tilespmem:v63+s16+$0x0], $0xffff  }
.LBB2_5:
0xee: {  	v18 =	vld [tilespmem:s6+$0xFFFFFFE0];
	v19 =	vor.u32 $0x80, v6;
	s10 =	sor.u32 $0x300, s21  }
0xef: {  	s19 =	sadd.s32 $0x13000, s19;
	v21 =	vor.u32 $0x80, v5;
	v20 =	vld [tilespmem:s6+$0xFFFFFFF0];
	[tilespmem:s10+$0x13000] =	vst v13  }
0xf0: {  	[tilespmem:s19+$0x80] =	vst v15;
	v13 =	vld.idx.msk [tilespmem:v14+s16+$0x0], $0xffff;
	v14 =	vor.u32 $0x300, v2  }
0xf1: {  	v15 =	vld.idx.msk [tilespmem:v16+s16+$0x0], $0xffff;
	[tilespmem:s19+$0x10] =	vst v7;
	v7 =	vor.u32 $0x300, v1  }
0xf2: {  	v16 =	vld.idx.msk [tilespmem:v17+s16+$0x0], $0xffff;
	[tilespmem:s19+$0x20] =	vst v11  }
0xf3: {  	v11 =	vor.u32 $0x180, v3;
	v17 =	vld.idx.msk [tilespmem:v19+s16+$0x0], $0xffff;
	[tilespmem:s19+$0x30] =	vst v12  }
0xf4: {  	s10 =	sor.u32 s2, s9;
	s9 =	smov.u32 s3;
	s2 =	smov.u32 s15;
	v12 =	vor.u32 $0x100, v4;
	v19 =	vld.idx.msk [tilespmem:v21+s16+$0x0], $0xffff;
	[tilespmem:s23+$0x13000] =	vst v10  }
0xf5: {  	s10 =	sor.u32 $0x380, s10;
	v10 =	vor.u32 $0x100, v6;
	v14 =	vld.idx.msk [tilespmem:v14+s16+$0x0], $0xffff;
	[tilespmem:s22+$0x13000] =	vst v9  }
0xf6: {  	[tilespmem:s10+$0x13000] =	vst v13;
	v7 =	vld.idx.msk [tilespmem:v7+s16+$0x0], $0xffff  }
0xf7: {  	v13 =	vor.u32 $0x100, v5;
	v9 =	vld [tilespmem:s6+$0x0];
	[tilespmem:s19+$0x100] =	vst v15  }
0xf8: {  	v15 =	vor.u32 $0x300, v0;
	v11 =	vld.idx.msk [tilespmem:v11+s16+$0x0], $0xffff;
	[tilespmem:s19+$0x90] =	vst v16  }
0xf9: {  	s3 =	sadd.s32 $0x40, s3;
	v16 =	vor.u32 $0x380, v2;
	v2 =	vmov v4;
	v12 =	vld.idx.msk [tilespmem:v12+s16+$0x0], $0xffff;
	[tilespmem:s19+$0xA0] =	vst v17  }
0xfa: {  	s4 =	sadd.s32 $0x4, s4;
	s10 =	sand.u32 $0x3C0, s3;
	v4 =	vor.u32 $0x200, v3;
	v10 =	vld.idx.msk [tilespmem:v10+s16+$0x0], $0xffff;
	[tilespmem:s19+$0xB0] =	vst v19  }
0xfb: {  	p2 =	slt.u32 s4, $0x3C;
	v19 =	vor.u32 $0x180, v2;
	v17 =	vld [tilespmem:s10+$0x400];
	[tilespmem:s20+$0x13000] =	vst v8  }
0xfc: {  	v8 =	vor.u32 $0x180, v6;
	v13 =	vld.idx.msk [tilespmem:v13+s16+$0x0], $0xffff;
	[tilespmem:s13+$0x13000] =	vst v14  }
0xfd: {  	[tilespmem:s7+$0x13000] =	vst v7;
	v7 =	vor.u32 $0x380, v1;
	v14 =	vld.idx.msk [tilespmem:v15+s16+$0x0], $0xffff;
	v1 =	vmov v6  }
0xfe: {  	v6 =	vshll.u32 v18, $0x3;
	[tilespmem:s19+$0x180] =	vst v11;
	v11 =	vor.u32 $0x180, v5;
	v15 =	vld.idx.msk [tilespmem:v16+s16+$0x0], $0xffff  }
0xff: {  	v16 =	vand.u32 $0x7F, v18;
	v6 =	vand.u32 $0xFFFFFC00, v6;
	v18 =	vld.idx.msk [tilespmem:v4+s16+$0x0], $0xffff;
	[tilespmem:s19+$0x110] =	vst v12;
	v12 =	vor.u32 $0x380, v0;
	v0 =	vmovc v5  }
0x100: {  	p1 =	por !p1, !p1;
	s7 =	simm.s32 $0x1;
	v4 =	vor.u32 v16, v6;
	v5 =	vshll.u32 v17, $0x3;
	v16 =	vld.idx.msk [tilespmem:v19+s16+$0x0], $0xffff;
	[tilespmem:s19+$0x120] =	vst v10  }
0x101: {  	s7 =	simm.s32 @!p1 $0x0;
	v6 =	vand.u32 $0x7F, v17;
	v10 =	vor.u32 $0x280, v3;
	v5 =	vand.u32 $0xFFFFFC00, v5;
	v8 =	vld.idx.msk [tilespmem:v8+s16+$0x0], $0xffff  }
0x102: {  	s7 =	sshll.u32 s7, $0x6;
	v17 =	vor.u32 v6, v5;
	[tilespmem:s19+$0x130] =	vst v13;
	v13 =	vld.idx.msk [tilespmem:v7+s16+$0x0], $0xffff  }
0x103: {  	s21 =	sadd.s32 s7, s15;
	v19 =	vor.u32 $0x200, v2;
	v11 =	vld.idx.msk [tilespmem:v11+s16+$0x0], $0xffff;
	[tilespmem:s14+$0x13000] =	vst v14  }
0x104: {  	s7 =	sor.u32 $0x200, s21;
	s10 =	sadd.s32 $0x10, s21;
	s24 =	sadd.s32 $0x20, s21;
	v5 =	vand.u32 $0x7F, v20;
	v6 =	vshll.u32 v20, $0x3;
	v14 =	vor.u32 $0x200, v1;
	[tilespmem:s30+$0x13000] =	vst v15;
	v12 =	vld.idx.msk [tilespmem:v12+s16+$0x0], $0xffff  }
0x105: {  	s28 =	sadd.s32 $0x30, s21;
	s25 =	sor.u32 $0x200, s10;
	s26 =	sor.u32 $0x200, s24;
	v6 =	vand.u32 $0xFFFFFC00, v6;
	v15 =	vshll.u32 v9, $0x3;
	v7 =	vld.idx.msk [tilespmem:v4+s16+$0x0], $0xffff;
	[tilespmem:s7+$0x13000] =	vst v18;
	v18 =	vor.u32 $0x200, v0  }
0x106: {  	s23 =	sor.u32 $0x280, s10;
	s22 =	sor.u32 $0x280, s24;
	s29 =	sor.u32 $0x200, s28;
	v6 =	vor.u32 v5, v6;
	v5 =	vand.u32 $0x7F, v9;
	v9 =	vand.u32 $0xFFFFFC00, v15;
	v10 =	vld.idx.msk [tilespmem:v10+s16+$0x0], $0xffff;
	[tilespmem:s19+$0x190] =	vst v16  }
0x107: {  	s13 =	sor.u32 $0x300, s10;
	s20 =	sor.u32 $0x280, s28;
	s7 =	sor.u32 $0x300, s24;
	v5 =	vor.u32 v5, v9;
	v15 =	vld.idx.msk [tilespmem:v17+s16+$0x0], $0xffff;
	[tilespmem:s19+$0x1A0] =	vst v8  }
0x108: {  	s14 =	sor.u32 $0x300, s28;
	s30 =	sor.u32 $0x380, s10;
	v8 =	vor.u32 $0x300, v3;
	v9 =	vld.idx.msk [tilespmem:v19+s16+$0x0], $0xffff;
	[tilespmem:s8+$0x13000] =	vst v13;
	s8 =	sor.u32 $0x380, s24  }
0x109: {  	s10 =	sor.u32 $0x380, s28;
	v16 =	vor.u32 $0x80, v17;
	v19 =	vld.idx.msk [tilespmem:v14+s16+$0x0], $0xffff;
	[tilespmem:s19+$0x1B0] =	vst v11  }
0x10a: {  	s15 =	sadd.s32 $0x200, s15;
	v20 =	vor.u32 $0x280, v2;
	v18 =	vld.idx.msk [tilespmem:v18+s16+$0x0], $0xffff;
	[tilespmem:s18+$0x13000] =	vst v12;
	s18 =	smov.u32 s10  }
0x10b: {  	v21 =	vor.u32 $0x280, v1;
	s24 =	sor.u32 $0x280, s21;
	s19 =	sand.u32 $0x1C00, s15;
	s10 =	sand.u32 $0x40, s3;
	v11 =	vld.idx.msk [tilespmem:v6+s16+$0x0], $0xffff  }
0x10c: {  	v22 =	vor.u32 $0x280, v0;
	s19 =	sor.u32 s10, s19;
	v12 =	vld.idx.msk [tilespmem:v5+s16+$0x0], $0xffff;
	[tilespmem:s24+$0x13000] =	vst v10  }
.Ltmp3:
0x10d: {  	[tilespmem:s19+$0x13000] =	vst v15;
	v13 =	vld.idx.msk [tilespmem:v8+s16+$0x0], $0xffff;
	(pc) =	sbr.rel @p2 .LBB2_5-.Ltmp3, $4  }
0x10e: {  	v15 =	vld.idx.msk [tilespmem:v16+s16+$0x0], $0xffff;
	[tilespmem:s25+$0x13000] =	vst v9  }
0x10f: {  	v14 =	vor.u32 $0x380, v3;
	v3 =	vmov v17;
	v10 =	vld.idx.msk [tilespmem:v20+s16+$0x0], $0xffff;
	[tilespmem:s26+$0x13000] =	vst v19  }
0x110: {  	v16 =	vor.u32 $0x100, v3;
	v9 =	vld.idx.msk [tilespmem:v21+s16+$0x0], $0xffff;
	[tilespmem:s29+$0x13000] =	vst v18  }
0x111: {  	s6 =	sadd.s32 $0x40, s6;
	v17 =	vor.u32 $0x80, v4;
	v8 =	vld.idx.msk [tilespmem:v22+s16+$0x0], $0xffff  }
0x112: {  	v18 =	vor.u32 $0x80, v6  }
0x113: {  	v19 =	vor.u32 $0x80, v5  }
0x114: {  	s4 =	sadd.s32 $0x13000, s19  }
0x115: {  	[tilespmem:s4+$0x10] =	vst v7  }
0x116: {  	[tilespmem:s4+$0x20] =	vst v11;
	v7 =	vld.idx.msk [tilespmem:v17+s16+$0x0], $0xffff  }
0x117: {  	[tilespmem:s4+$0x30] =	vst v12;
	v12 =	vor.u32 $0x100, v4;
	v11 =	vld.idx.msk [tilespmem:v18+s16+$0x0], $0xffff  }
0x118: {  	v17 =	vld.idx.msk [tilespmem:v19+s16+$0x0], $0xffff;
	v18 =	vor.u32 $0x100, v6  }
0x119: {  	v19 =	vor.u32 $0x100, v5  }
0x11a: {  	[tilespmem:s4+$0x80] =	vst v15  }
0x11b: {  	v15 =	vld.idx.msk [tilespmem:v16+s16+$0x0], $0xffff;
	[tilespmem:s4+$0x90] =	vst v7  }
0x11c: {  	v7 =	vor.u32 $0x180, v3;
	v12 =	vld.idx.msk [tilespmem:v12+s16+$0x0], $0xffff;
	[tilespmem:s4+$0xA0] =	vst v11  }
0x11d: {  	v16 =	vor.u32 $0x180, v4;
	[tilespmem:s4+$0xB0] =	vst v17;
	v11 =	vld.idx.msk [tilespmem:v18+s16+$0x0], $0xffff  }
0x11e: {  	s6 =	sor.u32 $0x300, s21;
	v17 =	vor.u32 $0x180, v6;
	v18 =	vld.idx.msk [tilespmem:v19+s16+$0x0], $0xffff  }
0x11f: {  	[tilespmem:s6+$0x13000] =	vst v13;
	v13 =	vor.u32 $0x180, v5  }
0x120: {  	[tilespmem:s4+$0x100] =	vst v15  }
0x121: {  	v7 =	vld.idx.msk [tilespmem:v7+s16+$0x0], $0xffff;
	[tilespmem:s4+$0x110] =	vst v12  }
0x122: {  	v12 =	vor.u32 $0x200, v3;
	v15 =	vld.idx.msk [tilespmem:v16+s16+$0x0], $0xffff;
	[tilespmem:s4+$0x120] =	vst v11  }
0x123: {  	v16 =	vor.u32 $0x200, v4;
	[tilespmem:s4+$0x130] =	vst v18;
	v11 =	vld.idx.msk [tilespmem:v17+s16+$0x0], $0xffff  }
0x124: {  	[tilespmem:s23+$0x13000] =	vst v10;
	v10 =	vld.idx.msk [tilespmem:v13+s16+$0x0], $0xffff;
	v13 =	vor.u32 $0x200, v6  }
0x125: {  	v14 =	vld.idx.msk [tilespmem:v14+s16+$0x0], $0xffff;
	[tilespmem:s22+$0x13000] =	vst v9;
	v9 =	vor.u32 $0x200, v5  }
0x126: {  	v17 =	vor.u32 $0x300, v2;
	[tilespmem:s4+$0x180] =	vst v7  }
0x127: {  	p1 =	por !p1, !p1;
	s6 =	simm.s32 $0x1;
	v7 =	vor.u32 $0x300, v1;
	v12 =	vld.idx.msk [tilespmem:v12+s16+$0x0], $0xffff;
	[tilespmem:s4+$0x190] =	vst v15  }
0x128: {  	s2 =	sor.u32 s2, s9;
	s6 =	simm.s32 @!p1 $0x0;
	v15 =	vor.u32 $0x280, v3;
	[tilespmem:s4+$0x1A0] =	vst v11;
	v11 =	vld.idx.msk [tilespmem:v16+s16+$0x0], $0xffff  }
0x129: {  	s2 =	sor.u32 $0x380, s2;
	s6 =	sshll.u32 s6, $0x6;
	[tilespmem:s4+$0x1B0] =	vst v10;
	v10 =	vor.u32 $0x280, v4;
	v13 =	vld.idx.msk [tilespmem:v13+s16+$0x0], $0xffff  }
0x12a: {  	s9 =	sadd.s32 s6, s15;
	[tilespmem:s2+$0x13000] =	vst v14;
	v14 =	vor.u32 $0x280, v6;
	v9 =	vld.idx.msk [tilespmem:v9+s16+$0x0], $0xffff  }
0x12b: {  	[tilespmem:s20+$0x13000] =	vst v8;
	v8 =	vor.u32 $0x280, v5;
	s6 =	sor.u32 $0x200, s9;
	s19 =	sadd.s32 $0x10, s9;
	v16 =	vld.idx.msk [tilespmem:v17+s16+$0x0], $0xffff  }
0x12c: {  	s25 =	sadd.s32 $0x20, s9;
	s26 =	sor.u32 $0x200, s19;
	v7 =	vld.idx.msk [tilespmem:v7+s16+$0x0], $0xffff;
	v17 =	vor.u32 $0x300, v0;
	[tilespmem:s6+$0x13000] =	vst v12  }
0x12d: {  	s28 =	sadd.s32 $0x30, s9;
	s10 =	sor.u32 $0x200, s25;
	v2 =	vor.u32 $0x380, v2;
	v12 =	vld.idx.msk [tilespmem:v15+s16+$0x0], $0xffff;
	[tilespmem:s26+$0x13000] =	vst v11  }
0x12e: {  	s29 =	sor.u32 $0x200, s28;
	v11 =	vor.u32 $0x300, v3;
	v10 =	vld.idx.msk [tilespmem:v10+s16+$0x0], $0xffff;
	[tilespmem:s10+$0x13000] =	vst v13  }
0x12f: {  	[tilespmem:s29+$0x13000] =	vst v9;
	v9 =	vor.u32 $0x300, v4;
	v13 =	vld.idx.msk [tilespmem:v14+s16+$0x0], $0xffff  }
0x130: {  	[tilespmem:s13+$0x13000] =	vst v16;
	v8 =	vld.idx.msk [tilespmem:v8+s16+$0x0], $0xffff;
	v14 =	vor.u32 $0x300, v6  }
0x131: {  	v15 =	vor.u32 $0x300, v5;
	[tilespmem:s7+$0x13000] =	vst v7;
	v7 =	vld.idx.msk [tilespmem:v17+s16+$0x0], $0xffff;
	s10 =	sor.u32 $0x280, s9  }
0x132: {  	v1 =	vor.u32 $0x380, v1;
	s13 =	sor.u32 $0x280, s19;
	v2 =	vld.idx.msk [tilespmem:v2+s16+$0x0], $0xffff;
	[tilespmem:s10+$0x13000] =	vst v12  }
0x133: {  	s20 =	sor.u32 $0x280, s25;
	v0 =	vor.u32 $0x380, v0;
	v11 =	vld.idx.msk [tilespmem:v11+s16+$0x0], $0xffff;
	[tilespmem:s13+$0x13000] =	vst v10  }
0x134: {  	s21 =	sor.u32 $0x280, s28;
	v3 =	vor.u32 $0x380, v3;
	v9 =	vld.idx.msk [tilespmem:v9+s16+$0x0], $0xffff;
	[tilespmem:s20+$0x13000] =	vst v13  }
0x135: {  	v4 =	vor.u32 $0x380, v4;
	[tilespmem:s21+$0x13000] =	vst v8;
	v10 =	vld.idx.msk [tilespmem:v14+s16+$0x0], $0xffff  }
0x136: {  	v6 =	vor.u32 $0x380, v6;
	[tilespmem:s14+$0x13000] =	vst v7;
	v7 =	vld.idx.msk [tilespmem:v15+s16+$0x0], $0xffff  }
0x137: {  	s4 =	sor.u32 $0x300, s9;
	v1 =	vld.idx.msk [tilespmem:v1+s16+$0x0], $0xffff;
	[tilespmem:s30+$0x13000] =	vst v2;
	v2 =	vor.u32 $0x380, v5  }
0x138: {  	s22 =	sor.u32 $0x300, s19;
	v0 =	vld.idx.msk [tilespmem:v0+s16+$0x0], $0xffff;
	[tilespmem:s4+$0x13000] =	vst v11  }
0x139: {  	s23 =	sor.u32 $0x300, s25;
	v3 =	vld.idx.msk [tilespmem:v3+s16+$0x0], $0xffff;
	[tilespmem:s22+$0x13000] =	vst v9  }
0x13a: {  	s24 =	sor.u32 $0x300, s28;
	[tilespmem:s23+$0x13000] =	vst v10;
	v4 =	vld.idx.msk [tilespmem:v4+s16+$0x0], $0xffff  }
0x13b: {  	[tilespmem:s24+$0x13000] =	vst v7;
	v5 =	vld.idx.msk [tilespmem:v6+s16+$0x0], $0xffff  }
0x13c: {  	s3 =	sor.u32 s15, s3;
	[tilespmem:s8+$0x13000] =	vst v1;
	v1 =	vld.idx.msk [tilespmem:v2+s16+$0x0], $0xffff  }
0x13d: {  	s3 =	sor.u32 $0x380, s3;
	[tilespmem:s18+$0x13000] =	vst v0  }
0x13e: {  	s2 =	sor.u32 $0x380, s19;
	[tilespmem:s3+$0x13000] =	vst v3  }
0x13f: {  	s25 =	sor.u32 $0x380, s25;
	[tilespmem:s2+$0x13000] =	vst v4  }
0x140: {  	s26 =	sor.u32 $0x380, s28;
	[tilespmem:s25+$0x13000] =	vst v5  }
0x141: {  	[tilespmem:s26+$0x13000] =	vst v1  }
0x142: {  	s2 =	rddreg [dreg:$0x8]  }
0x143: {  	s28 =	simm.s32 $0x13000;
	s2 =	sadd.s32 s1, s2  }
0x144: {  	[hbm4b:s2+s5] =	stream.linear.scatter [tilespmem:s28], [sflag:$0x4], $0x2000, $0x38;
	[tilespmem:$0x19000] =	vst v63  }
0x145: {  	s2 =	simm.s32 @!p0 $0x5  }
0x146: {  	_ =	swait.ge @!p0 [sflag:s2], $0x2000  }
0x147: {  	s9 =	simm.s32 $0x0;
	[sflag:s2] =	ssyncset.done @!p0 $0x0  }
0x148: {  	s29 =	sand.u32 $0x3C0, s9;
	[sflag:s2] =	ssyncadd.s32 @!p0 $0xFFFFE000  }
0x149: {  	v0 =	vld [tilespmem:s29+$0x800];
	_ =	sdelay $0x4  }
0x14a: {  	s3 =	simm.s32 $0x830;
	v1 =	vshll.u32 v0, $0x3  }
0x14b: {  	v2 =	vld [tilespmem:s3+$0xFFFFFFE0];
	v0 =	vand.u32 $0x7F, v0;
	v1 =	vand.u32 $0xFFFFFC00, v1  }
0x14c: {  	v8 =	vor.u32 v0, v1  }
0x14d: {  	v0 =	vld [tilespmem:s3+$0xFFFFFFF0]  }
0x14e: {  	v3 =	vld [tilespmem:s3+$0x0];
	_ =	sdelay $0x1  }
0x14f: {  	v1 =	vshll.u32 v2, $0x3  }
0x150: {  	v2 =	vand.u32 $0x7F, v2;
	v1 =	vand.u32 $0xFFFFFC00, v1;
	v4 =	vld.idx.msk [tilespmem:v8+s16+$0x0], $0xffff  }
0x151: {  	v5 =	vor.u32 $0x80, v8;
	v2 =	vor.u32 v2, v1;
	v1 =	vshll.u32 v0, $0x3  }
0x152: {  	v6 =	vshll.u32 v3, $0x3;
	v0 =	vand.u32 $0x7F, v0;
	v1 =	vand.u32 $0xFFFFFC00, v1  }
0x153: {  	s6 =	sand.u32 $0x1C00, s9;
	s4 =	sand.u32 $0x40, s9;
	v1 =	vor.u32 v0, v1;
	v0 =	vand.u32 $0x7F, v3;
	v3 =	vand.u32 $0xFFFFFC00, v6  }
0x154: {  	s2 =	sor.u32 s4, s6;
	v0 =	vor.u32 v0, v3  }
0x155: {  	[tilespmem:s2+$0x15000] =	vst v4  }
0x156: {  	v3 =	vld.idx.msk [tilespmem:v5+s16+$0x0], $0xffff  }
0x157: {  	v4 =	vor.u32 $0x100, v8;
	v5 =	vld.idx.msk [tilespmem:v2+s16+$0x0], $0xffff  }
0x158: {  	v7 =	vor.u32 $0x80, v2;
	v6 =	vld.idx.msk [tilespmem:v1+s16+$0x0], $0xffff  }
0x159: {  	v10 =	vor.u32 $0x80, v1;
	v9 =	vld.idx.msk [tilespmem:v0+s16+$0x0], $0xffff  }
0x15a: {  	v11 =	vor.u32 $0x80, v0;
	s2 =	sadd.s32 $0x15000, s2  }
0x15b: {  	[tilespmem:s2+$0x80] =	vst v3  }
0x15c: {  	[tilespmem:s2+$0x10] =	vst v5;
	v3 =	vld.idx.msk [tilespmem:v4+s16+$0x0], $0xffff  }
0x15d: {  	v5 =	vor.u32 $0x180, v8;
	v7 =	vld.idx.msk [tilespmem:v7+s16+$0x0], $0xffff;
	[tilespmem:s2+$0x20] =	vst v6  }
0x15e: {  	v6 =	vld.idx.msk [tilespmem:v10+s16+$0x0], $0xffff;
	[tilespmem:s2+$0x30] =	vst v9;
	v9 =	vor.u32 $0x100, v2  }
0x15f: {  	s7 =	simm.s32 $0x870;
	v10 =	vld.idx.msk [tilespmem:v11+s16+$0x0], $0xffff  }
0x160: {  	v12 =	vld [tilespmem:s7+$0xFFFFFFF0];
	v11 =	vor.u32 $0x100, v1  }
0x161: {  	v4 =	vld [tilespmem:s7+$0xFFFFFFE0];
	[tilespmem:s2+$0x100] =	vst v3;
	v3 =	vor.u32 $0x100, v0  }
0x162: {  	s3 =	simm.s32 $0x40;
	[tilespmem:s2+$0x90] =	vst v7;
	v5 =	vld.idx.msk [tilespmem:v5+s16+$0x0], $0xffff  }
0x163: {  	s8 =	sand.u32 $0x3C0, s3;
	v7 =	vor.u32 $0x200, v8;
	v9 =	vld.idx.msk [tilespmem:v9+s16+$0x0], $0xffff;
	[tilespmem:s2+$0xA0] =	vst v6  }
0x164: {  	v13 =	vld [tilespmem:s8+$0x800];
	[tilespmem:s2+$0xB0] =	vst v10;
	v10 =	vor.u32 $0x180, v2  }
0x165: {  	v6 =	vld.idx.msk [tilespmem:v11+s16+$0x0], $0xffff  }
0x166: {  	v11 =	vor.u32 $0x180, v1;
	v14 =	vld.idx.msk [tilespmem:v3+s16+$0x0], $0xffff;
	v3 =	vshll.u32 v4, $0x3  }
0x167: {  	v15 =	vld [tilespmem:s7+$0x0];
	v4 =	vand.u32 $0x7F, v4;
	[tilespmem:s2+$0x180] =	vst v5;
	v5 =	vor.u32 $0x180, v0;
	v3 =	vand.u32 $0xFFFFFC00, v3  }
0x168: {  	p1 =	por $0x0, $0x0;
	s4 =	simm.s32 $0x1;
	[tilespmem:s2+$0x110] =	vst v9;
	v16 =	vld.idx.msk [tilespmem:v7+s16+$0x0], $0xffff;
	v4 =	vor.u32 v4, v3  }
0x169: {  	s4 =	simm.s32 @!p1 $0x0;
	v9 =	vor.u32 $0x280, v8;
	v7 =	vshll.u32 v13, $0x3;
	v10 =	vld.idx.msk [tilespmem:v10+s16+$0x0], $0xffff  }
0x16a: {  	s4 =	sshll.u32 s4, $0x6;
	v3 =	vand.u32 $0x7F, v13;
	[tilespmem:s2+$0x120] =	vst v6;
	v13 =	vor.u32 $0x200, v2;
	v7 =	vand.u32 $0xFFFFFC00, v7  }
0x16b: {  	s21 =	sadd.s32 $0x0, s4;
	v11 =	vld.idx.msk [tilespmem:v11+s16+$0x0], $0xffff;
	v3 =	vor.u32 v3, v7;
	[tilespmem:s2+$0x130] =	vst v14  }
0x16c: {  	s4 =	sor.u32 $0x200, s21;
	v6 =	vshll.u32 v12, $0x3;
	v14 =	vld.idx.msk [tilespmem:v5+s16+$0x0], $0xffff;
	v5 =	vand.u32 $0x7F, v12;
	v12 =	vor.u32 $0x200, v1  }
0x16d: {  	v17 =	vshll.u32 v15, $0x3;
	v6 =	vand.u32 $0xFFFFFC00, v6;
	v7 =	vld.idx.msk [tilespmem:v4+s16+$0x0], $0xffff;
	[tilespmem:s4+$0x15000] =	vst v16;
	v16 =	vor.u32 $0x200, v0  }
0x16e: {  	v6 =	vor.u32 v5, v6;
	v5 =	vand.u32 $0x7F, v15;
	v15 =	vand.u32 $0xFFFFFC00, v17;
	[tilespmem:s2+$0x190] =	vst v10;
	v9 =	vld.idx.msk [tilespmem:v9+s16+$0x0], $0xffff  }
0x16f: {  	v5 =	vor.u32 v5, v15;
	v17 =	vld.idx.msk [tilespmem:v13+s16+$0x0], $0xffff  }
0x170: {  	[tilespmem:s2+$0x1A0] =	vst v11;
	v15 =	vor.u32 $0x300, v8;
	v10 =	vld.idx.msk [tilespmem:v3+s16+$0x0], $0xffff  }
0x171: {  	s15 =	simm.s32 $0x200;
	v18 =	vor.u32 $0x80, v3;
	v19 =	vld.idx.msk [tilespmem:v12+s16+$0x0], $0xffff;
	[tilespmem:s2+$0x1B0] =	vst v14  }
0x172: {  	s13 =	sand.u32 $0x1C00, s15;
	v14 =	vor.u32 $0x280, v2;
	v16 =	vld.idx.msk [tilespmem:v16+s16+$0x0], $0xffff  }
0x173: {  	s6 =	simm.s32 $0x8B0;
	s14 =	sor.u32 $0x280, s21;
	s10 =	sand.u32 $0x40, s3;
	v20 =	vor.u32 $0x280, v1;
	v11 =	vld.idx.msk [tilespmem:v6+s16+$0x0], $0xffff  }
0x174: {  	s18 =	sadd.s32 $0x10, s21;
	s25 =	sadd.s32 $0x20, s21;
	s19 =	sor.u32 s10, s13;
	v21 =	vor.u32 $0x280, v0;
	v12 =	vld.idx.msk [tilespmem:v5+s16+$0x0], $0xffff;
	[tilespmem:s14+$0x15000] =	vst v9  }
0x175: {  	s29 =	sadd.s32 $0x30, s21;
	s26 =	sor.u32 $0x200, s18;
	s28 =	sor.u32 $0x200, s25;
	[tilespmem:s19+$0x15000] =	vst v10;
	v13 =	vld.idx.msk [tilespmem:v15+s16+$0x0], $0xffff  }
0x176: {  	s23 =	sor.u32 $0x280, s18;
	s22 =	sor.u32 $0x280, s25;
	s24 =	sor.u32 $0x200, s29;
	[tilespmem:s26+$0x15000] =	vst v17;
	v15 =	vld.idx.msk [tilespmem:v18+s16+$0x0], $0xffff  }
0x177: {  	s20 =	sor.u32 $0x280, s29;
	s30 =	sor.u32 $0x380, s18;
	s13 =	sor.u32 $0x300, s18;
	v10 =	vld.idx.msk [tilespmem:v14+s16+$0x0], $0xffff;
	[tilespmem:s28+$0x15000] =	vst v19;
	v14 =	vor.u32 $0x380, v8  }
0x178: {  	s8 =	sor.u32 $0x380, s25;
	s18 =	sor.u32 $0x380, s29;
	s7 =	sor.u32 $0x300, s25;
	v9 =	vld.idx.msk [tilespmem:v20+s16+$0x0], $0xffff;
	[tilespmem:s24+$0x15000] =	vst v16;
	v16 =	vor.u32 $0x100, v3  }
0x179: {  	s4 =	simm.s32 $0x4;
	s2 =	simm.s32 $0x0;
	s14 =	sor.u32 $0x300, s29;
	v17 =	vor.u32 $0x80, v4;
	v8 =	vld.idx.msk [tilespmem:v21+s16+$0x0], $0xffff  }
.LBB2_7:
0x17a: {  	v18 =	vld [tilespmem:s6+$0xFFFFFFE0];
	v19 =	vor.u32 $0x80, v6;
	s10 =	sor.u32 $0x300, s21  }
0x17b: {  	s19 =	sadd.s32 $0x15000, s19;
	v21 =	vor.u32 $0x80, v5;
	v20 =	vld [tilespmem:s6+$0xFFFFFFF0];
	[tilespmem:s10+$0x15000] =	vst v13  }
0x17c: {  	[tilespmem:s19+$0x80] =	vst v15;
	v13 =	vld.idx.msk [tilespmem:v14+s16+$0x0], $0xffff;
	v14 =	vor.u32 $0x300, v2  }
0x17d: {  	v15 =	vld.idx.msk [tilespmem:v16+s16+$0x0], $0xffff;
	[tilespmem:s19+$0x10] =	vst v7;
	v7 =	vor.u32 $0x300, v1  }
0x17e: {  	v16 =	vld.idx.msk [tilespmem:v17+s16+$0x0], $0xffff;
	[tilespmem:s19+$0x20] =	vst v11  }
0x17f: {  	v11 =	vor.u32 $0x180, v3;
	v17 =	vld.idx.msk [tilespmem:v19+s16+$0x0], $0xffff;
	[tilespmem:s19+$0x30] =	vst v12  }
0x180: {  	s10 =	sor.u32 s2, s9;
	s9 =	smov.u32 s3;
	s2 =	smov.u32 s15;
	v12 =	vor.u32 $0x100, v4;
	v19 =	vld.idx.msk [tilespmem:v21+s16+$0x0], $0xffff;
	[tilespmem:s23+$0x15000] =	vst v10  }
0x181: {  	s10 =	sor.u32 $0x380, s10;
	v10 =	vor.u32 $0x100, v6;
	v14 =	vld.idx.msk [tilespmem:v14+s16+$0x0], $0xffff;
	[tilespmem:s22+$0x15000] =	vst v9  }
0x182: {  	[tilespmem:s10+$0x15000] =	vst v13;
	v7 =	vld.idx.msk [tilespmem:v7+s16+$0x0], $0xffff  }
0x183: {  	v13 =	vor.u32 $0x100, v5;
	v9 =	vld [tilespmem:s6+$0x0];
	[tilespmem:s19+$0x100] =	vst v15  }
0x184: {  	v15 =	vor.u32 $0x300, v0;
	v11 =	vld.idx.msk [tilespmem:v11+s16+$0x0], $0xffff;
	[tilespmem:s19+$0x90] =	vst v16  }
0x185: {  	s3 =	sadd.s32 $0x40, s3;
	v16 =	vor.u32 $0x380, v2;
	v2 =	vmov v4;
	v12 =	vld.idx.msk [tilespmem:v12+s16+$0x0], $0xffff;
	[tilespmem:s19+$0xA0] =	vst v17  }
0x186: {  	s4 =	sadd.s32 $0x4, s4;
	s10 =	sand.u32 $0x3C0, s3;
	v4 =	vor.u32 $0x200, v3;
	v10 =	vld.idx.msk [tilespmem:v10+s16+$0x0], $0xffff;
	[tilespmem:s19+$0xB0] =	vst v19  }
0x187: {  	p2 =	slt.u32 s4, $0x3C;
	v19 =	vor.u32 $0x180, v2;
	v17 =	vld [tilespmem:s10+$0x800];
	[tilespmem:s20+$0x15000] =	vst v8  }
0x188: {  	v8 =	vor.u32 $0x180, v6;
	v13 =	vld.idx.msk [tilespmem:v13+s16+$0x0], $0xffff;
	[tilespmem:s13+$0x15000] =	vst v14  }
0x189: {  	[tilespmem:s7+$0x15000] =	vst v7;
	v7 =	vor.u32 $0x380, v1;
	v14 =	vld.idx.msk [tilespmem:v15+s16+$0x0], $0xffff;
	v1 =	vmov v6  }
0x18a: {  	v6 =	vshll.u32 v18, $0x3;
	[tilespmem:s19+$0x180] =	vst v11;
	v11 =	vor.u32 $0x180, v5;
	v15 =	vld.idx.msk [tilespmem:v16+s16+$0x0], $0xffff  }
0x18b: {  	v16 =	vand.u32 $0x7F, v18;
	v6 =	vand.u32 $0xFFFFFC00, v6;
	v18 =	vld.idx.msk [tilespmem:v4+s16+$0x0], $0xffff;
	[tilespmem:s19+$0x110] =	vst v12;
	v12 =	vor.u32 $0x380, v0;
	v0 =	vmovc v5  }
0x18c: {  	p1 =	por !p1, !p1;
	s7 =	simm.s32 $0x1;
	v4 =	vor.u32 v16, v6;
	v5 =	vshll.u32 v17, $0x3;
	v16 =	vld.idx.msk [tilespmem:v19+s16+$0x0], $0xffff;
	[tilespmem:s19+$0x120] =	vst v10  }
0x18d: {  	s7 =	simm.s32 @!p1 $0x0;
	v6 =	vand.u32 $0x7F, v17;
	v10 =	vor.u32 $0x280, v3;
	v5 =	vand.u32 $0xFFFFFC00, v5;
	v8 =	vld.idx.msk [tilespmem:v8+s16+$0x0], $0xffff  }
0x18e: {  	s7 =	sshll.u32 s7, $0x6;
	v17 =	vor.u32 v6, v5;
	[tilespmem:s19+$0x130] =	vst v13;
	v13 =	vld.idx.msk [tilespmem:v7+s16+$0x0], $0xffff  }
0x18f: {  	s21 =	sadd.s32 s7, s15;
	v19 =	vor.u32 $0x200, v2;
	v11 =	vld.idx.msk [tilespmem:v11+s16+$0x0], $0xffff;
	[tilespmem:s14+$0x15000] =	vst v14  }
0x190: {  	s7 =	sor.u32 $0x200, s21;
	s10 =	sadd.s32 $0x10, s21;
	s24 =	sadd.s32 $0x20, s21;
	v5 =	vand.u32 $0x7F, v20;
	v6 =	vshll.u32 v20, $0x3;
	v14 =	vor.u32 $0x200, v1;
	[tilespmem:s30+$0x15000] =	vst v15;
	v12 =	vld.idx.msk [tilespmem:v12+s16+$0x0], $0xffff  }
0x191: {  	s28 =	sadd.s32 $0x30, s21;
	s25 =	sor.u32 $0x200, s10;
	s26 =	sor.u32 $0x200, s24;
	v6 =	vand.u32 $0xFFFFFC00, v6;
	v15 =	vshll.u32 v9, $0x3;
	v7 =	vld.idx.msk [tilespmem:v4+s16+$0x0], $0xffff;
	[tilespmem:s7+$0x15000] =	vst v18;
	v18 =	vor.u32 $0x200, v0  }
0x192: {  	s23 =	sor.u32 $0x280, s10;
	s22 =	sor.u32 $0x280, s24;
	s29 =	sor.u32 $0x200, s28;
	v6 =	vor.u32 v5, v6;
	v5 =	vand.u32 $0x7F, v9;
	v9 =	vand.u32 $0xFFFFFC00, v15;
	v10 =	vld.idx.msk [tilespmem:v10+s16+$0x0], $0xffff;
	[tilespmem:s19+$0x190] =	vst v16  }
0x193: {  	s13 =	sor.u32 $0x300, s10;
	s20 =	sor.u32 $0x280, s28;
	s7 =	sor.u32 $0x300, s24;
	v5 =	vor.u32 v5, v9;
	v15 =	vld.idx.msk [tilespmem:v17+s16+$0x0], $0xffff;
	[tilespmem:s19+$0x1A0] =	vst v8  }
0x194: {  	s14 =	sor.u32 $0x300, s28;
	s30 =	sor.u32 $0x380, s10;
	v8 =	vor.u32 $0x300, v3;
	v9 =	vld.idx.msk [tilespmem:v19+s16+$0x0], $0xffff;
	[tilespmem:s8+$0x15000] =	vst v13;
	s8 =	sor.u32 $0x380, s24  }
0x195: {  	s10 =	sor.u32 $0x380, s28;
	v16 =	vor.u32 $0x80, v17;
	v19 =	vld.idx.msk [tilespmem:v14+s16+$0x0], $0xffff;
	[tilespmem:s19+$0x1B0] =	vst v11  }
0x196: {  	s15 =	sadd.s32 $0x200, s15;
	v20 =	vor.u32 $0x280, v2;
	v18 =	vld.idx.msk [tilespmem:v18+s16+$0x0], $0xffff;
	[tilespmem:s18+$0x15000] =	vst v12;
	s18 =	smov.u32 s10  }
0x197: {  	v21 =	vor.u32 $0x280, v1;
	s24 =	sor.u32 $0x280, s21;
	s19 =	sand.u32 $0x1C00, s15;
	s10 =	sand.u32 $0x40, s3;
	v11 =	vld.idx.msk [tilespmem:v6+s16+$0x0], $0xffff  }
0x198: {  	v22 =	vor.u32 $0x280, v0;
	s19 =	sor.u32 s10, s19;
	v12 =	vld.idx.msk [tilespmem:v5+s16+$0x0], $0xffff;
	[tilespmem:s24+$0x15000] =	vst v10  }
.Ltmp4:
0x199: {  	[tilespmem:s19+$0x15000] =	vst v15;
	v13 =	vld.idx.msk [tilespmem:v8+s16+$0x0], $0xffff;
	(pc) =	sbr.rel @p2 .LBB2_7-.Ltmp4, $4  }
0x19a: {  	v15 =	vld.idx.msk [tilespmem:v16+s16+$0x0], $0xffff;
	[tilespmem:s25+$0x15000] =	vst v9  }
0x19b: {  	v14 =	vor.u32 $0x380, v3;
	v3 =	vmov v17;
	v10 =	vld.idx.msk [tilespmem:v20+s16+$0x0], $0xffff;
	[tilespmem:s26+$0x15000] =	vst v19  }
0x19c: {  	v16 =	vor.u32 $0x100, v3;
	v9 =	vld.idx.msk [tilespmem:v21+s16+$0x0], $0xffff;
	[tilespmem:s29+$0x15000] =	vst v18  }
0x19d: {  	s6 =	sadd.s32 $0x40, s6;
	v17 =	vor.u32 $0x80, v4;
	v8 =	vld.idx.msk [tilespmem:v22+s16+$0x0], $0xffff  }
0x19e: {  	v18 =	vor.u32 $0x80, v6  }
0x19f: {  	v19 =	vor.u32 $0x80, v5  }
0x1a0: {  	s4 =	sadd.s32 $0x15000, s19  }
0x1a1: {  	[tilespmem:s4+$0x10] =	vst v7  }
0x1a2: {  	[tilespmem:s4+$0x20] =	vst v11;
	v7 =	vld.idx.msk [tilespmem:v17+s16+$0x0], $0xffff  }
0x1a3: {  	[tilespmem:s4+$0x30] =	vst v12;
	v12 =	vor.u32 $0x100, v4;
	v11 =	vld.idx.msk [tilespmem:v18+s16+$0x0], $0xffff  }
0x1a4: {  	v17 =	vld.idx.msk [tilespmem:v19+s16+$0x0], $0xffff;
	v18 =	vor.u32 $0x100, v6  }
0x1a5: {  	v19 =	vor.u32 $0x100, v5  }
0x1a6: {  	[tilespmem:s4+$0x80] =	vst v15  }
0x1a7: {  	v15 =	vld.idx.msk [tilespmem:v16+s16+$0x0], $0xffff;
	[tilespmem:s4+$0x90] =	vst v7  }
0x1a8: {  	v7 =	vor.u32 $0x180, v3;
	v12 =	vld.idx.msk [tilespmem:v12+s16+$0x0], $0xffff;
	[tilespmem:s4+$0xA0] =	vst v11  }
0x1a9: {  	v16 =	vor.u32 $0x180, v4;
	[tilespmem:s4+$0xB0] =	vst v17;
	v11 =	vld.idx.msk [tilespmem:v18+s16+$0x0], $0xffff  }
0x1aa: {  	s6 =	sor.u32 $0x300, s21;
	v17 =	vor.u32 $0x180, v6;
	v18 =	vld.idx.msk [tilespmem:v19+s16+$0x0], $0xffff  }
0x1ab: {  	[tilespmem:s6+$0x15000] =	vst v13;
	v13 =	vor.u32 $0x180, v5  }
0x1ac: {  	[tilespmem:s4+$0x100] =	vst v15  }
0x1ad: {  	v7 =	vld.idx.msk [tilespmem:v7+s16+$0x0], $0xffff;
	[tilespmem:s4+$0x110] =	vst v12  }
0x1ae: {  	v12 =	vor.u32 $0x200, v3;
	v15 =	vld.idx.msk [tilespmem:v16+s16+$0x0], $0xffff;
	[tilespmem:s4+$0x120] =	vst v11  }
0x1af: {  	v16 =	vor.u32 $0x200, v4;
	[tilespmem:s4+$0x130] =	vst v18;
	v11 =	vld.idx.msk [tilespmem:v17+s16+$0x0], $0xffff  }
0x1b0: {  	[tilespmem:s23+$0x15000] =	vst v10;
	v10 =	vld.idx.msk [tilespmem:v13+s16+$0x0], $0xffff;
	v13 =	vor.u32 $0x200, v6  }
0x1b1: {  	v14 =	vld.idx.msk [tilespmem:v14+s16+$0x0], $0xffff;
	[tilespmem:s22+$0x15000] =	vst v9;
	v9 =	vor.u32 $0x200, v5  }
0x1b2: {  	v17 =	vor.u32 $0x300, v2;
	[tilespmem:s4+$0x180] =	vst v7  }
0x1b3: {  	p1 =	por !p1, !p1;
	s6 =	simm.s32 $0x1;
	v7 =	vor.u32 $0x300, v1;
	v12 =	vld.idx.msk [tilespmem:v12+s16+$0x0], $0xffff;
	[tilespmem:s4+$0x190] =	vst v15  }
0x1b4: {  	s2 =	sor.u32 s2, s9;
	s6 =	simm.s32 @!p1 $0x0;
	v15 =	vor.u32 $0x280, v3;
	[tilespmem:s4+$0x1A0] =	vst v11;
	v11 =	vld.idx.msk [tilespmem:v16+s16+$0x0], $0xffff  }
0x1b5: {  	s2 =	sor.u32 $0x380, s2;
	s6 =	sshll.u32 s6, $0x6;
	[tilespmem:s4+$0x1B0] =	vst v10;
	v10 =	vor.u32 $0x280, v4;
	v13 =	vld.idx.msk [tilespmem:v13+s16+$0x0], $0xffff  }
0x1b6: {  	s23 =	sadd.s32 s6, s15;
	[tilespmem:s2+$0x15000] =	vst v14;
	v14 =	vor.u32 $0x280, v6;
	v9 =	vld.idx.msk [tilespmem:v9+s16+$0x0], $0xffff  }
0x1b7: {  	[tilespmem:s20+$0x15000] =	vst v8;
	v8 =	vor.u32 $0x280, v5;
	s6 =	sor.u32 $0x200, s23;
	s24 =	sadd.s32 $0x10, s23;
	v16 =	vld.idx.msk [tilespmem:v17+s16+$0x0], $0xffff  }
0x1b8: {  	s25 =	sadd.s32 $0x20, s23;
	s26 =	sor.u32 $0x200, s24;
	v7 =	vld.idx.msk [tilespmem:v7+s16+$0x0], $0xffff;
	v17 =	vor.u32 $0x300, v0;
	[tilespmem:s6+$0x15000] =	vst v12  }
0x1b9: {  	s28 =	sadd.s32 $0x30, s23;
	s10 =	sor.u32 $0x200, s25;
	v2 =	vor.u32 $0x380, v2;
	v12 =	vld.idx.msk [tilespmem:v15+s16+$0x0], $0xffff;
	[tilespmem:s26+$0x15000] =	vst v11  }
0x1ba: {  	s29 =	sor.u32 $0x200, s28;
	v11 =	vor.u32 $0x300, v3;
	v10 =	vld.idx.msk [tilespmem:v10+s16+$0x0], $0xffff;
	[tilespmem:s10+$0x15000] =	vst v13  }
0x1bb: {  	[tilespmem:s29+$0x15000] =	vst v9;
	v9 =	vor.u32 $0x300, v4;
	v13 =	vld.idx.msk [tilespmem:v14+s16+$0x0], $0xffff  }
0x1bc: {  	[tilespmem:s13+$0x15000] =	vst v16;
	v8 =	vld.idx.msk [tilespmem:v8+s16+$0x0], $0xffff;
	v14 =	vor.u32 $0x300, v6  }
0x1bd: {  	v15 =	vor.u32 $0x300, v5;
	[tilespmem:s7+$0x15000] =	vst v7;
	v7 =	vld.idx.msk [tilespmem:v17+s16+$0x0], $0xffff;
	s7 =	sor.u32 $0x280, s23  }
0x1be: {  	v1 =	vor.u32 $0x380, v1;
	v2 =	vld.idx.msk [tilespmem:v2+s16+$0x0], $0xffff;
	s10 =	sor.u32 $0x280, s24;
	[tilespmem:s7+$0x15000] =	vst v12  }
0x1bf: {  	v0 =	vor.u32 $0x380, v0;
	s13 =	sor.u32 $0x280, s25;
	v11 =	vld.idx.msk [tilespmem:v11+s16+$0x0], $0xffff;
	[tilespmem:s10+$0x15000] =	vst v10  }
0x1c0: {  	s20 =	sor.u32 $0x280, s28;
	v3 =	vor.u32 $0x380, v3;
	v9 =	vld.idx.msk [tilespmem:v9+s16+$0x0], $0xffff;
	[tilespmem:s13+$0x15000] =	vst v13  }
0x1c1: {  	v4 =	vor.u32 $0x380, v4;
	[tilespmem:s20+$0x15000] =	vst v8;
	v10 =	vld.idx.msk [tilespmem:v14+s16+$0x0], $0xffff  }
0x1c2: {  	v6 =	vor.u32 $0x380, v6;
	[tilespmem:s14+$0x15000] =	vst v7;
	v7 =	vld.idx.msk [tilespmem:v15+s16+$0x0], $0xffff  }
0x1c3: {  	s4 =	sor.u32 $0x300, s23;
	v1 =	vld.idx.msk [tilespmem:v1+s16+$0x0], $0xffff;
	[tilespmem:s30+$0x15000] =	vst v2;
	v2 =	vor.u32 $0x380, v5  }
0x1c4: {  	s21 =	sor.u32 $0x300, s24;
	v0 =	vld.idx.msk [tilespmem:v0+s16+$0x0], $0xffff;
	[tilespmem:s4+$0x15000] =	vst v11  }
0x1c5: {  	s22 =	sor.u32 $0x300, s25;
	v3 =	vld.idx.msk [tilespmem:v3+s16+$0x0], $0xffff;
	[tilespmem:s21+$0x15000] =	vst v9  }
0x1c6: {  	s23 =	sor.u32 $0x300, s28;
	[tilespmem:s22+$0x15000] =	vst v10;
	v4 =	vld.idx.msk [tilespmem:v4+s16+$0x0], $0xffff  }
0x1c7: {  	[tilespmem:s23+$0x15000] =	vst v7;
	v5 =	vld.idx.msk [tilespmem:v6+s16+$0x0], $0xffff  }
0x1c8: {  	s3 =	sor.u32 s15, s3;
	[tilespmem:s8+$0x15000] =	vst v1;
	v1 =	vld.idx.msk [tilespmem:v2+s16+$0x0], $0xffff  }
0x1c9: {  	s3 =	sor.u32 $0x380, s3;
	[tilespmem:s18+$0x15000] =	vst v0  }
0x1ca: {  	s2 =	sor.u32 $0x380, s24;
	[tilespmem:s3+$0x15000] =	vst v3  }
0x1cb: {  	s24 =	sor.u32 $0x380, s25;
	[tilespmem:s2+$0x15000] =	vst v4  }
0x1cc: {  	s25 =	sor.u32 $0x380, s28;
	[tilespmem:s24+$0x15000] =	vst v5  }
0x1cd: {  	s26 =	sadd.s32 s1, s11;
	s28 =	simm.s32 $0x15000;
	s2 =	simm.s32 @!p0 $0x6;
	[tilespmem:s25+$0x15000] =	vst v1  }
0x1ce: {  	[hbm4b:s26+s5] =	stream.linear.scatter [tilespmem:s28], [sflag:$0x5], $0x2000, $0x38;
	[tilespmem:$0x19000] =	vst v63  }
0x1cf: {  	_ =	swait.ge @!p0 [sflag:s2], $0x2000  }
0x1d0: {  	s9 =	simm.s32 $0x0;
	[sflag:s2] =	ssyncset.done @!p0 $0x0  }
0x1d1: {  	s29 =	sand.u32 $0x3C0, s9;
	[sflag:s2] =	ssyncadd.s32 @!p0 $0xFFFFE000  }
0x1d2: {  	v0 =	vld [tilespmem:s29+$0xC00];
	_ =	sdelay $0x4  }
0x1d3: {  	s3 =	simm.s32 $0xC30;
	v1 =	vshll.u32 v0, $0x3  }
0x1d4: {  	v2 =	vld [tilespmem:s3+$0xFFFFFFE0];
	v0 =	vand.u32 $0x7F, v0;
	v1 =	vand.u32 $0xFFFFFC00, v1  }
0x1d5: {  	v8 =	vor.u32 v0, v1  }
0x1d6: {  	v0 =	vld [tilespmem:s3+$0xFFFFFFF0]  }
0x1d7: {  	v3 =	vld [tilespmem:s3+$0x0];
	_ =	sdelay $0x1  }
0x1d8: {  	v1 =	vshll.u32 v2, $0x3  }
0x1d9: {  	v2 =	vand.u32 $0x7F, v2;
	v1 =	vand.u32 $0xFFFFFC00, v1;
	v4 =	vld.idx.msk [tilespmem:v8+s16+$0x0], $0xffff  }
0x1da: {  	v5 =	vor.u32 $0x80, v8;
	v2 =	vor.u32 v2, v1;
	v1 =	vshll.u32 v0, $0x3  }
0x1db: {  	v6 =	vshll.u32 v3, $0x3;
	v0 =	vand.u32 $0x7F, v0;
	v1 =	vand.u32 $0xFFFFFC00, v1  }
0x1dc: {  	s6 =	sand.u32 $0x1C00, s9;
	s4 =	sand.u32 $0x40, s9;
	v1 =	vor.u32 v0, v1;
	v0 =	vand.u32 $0x7F, v3;
	v3 =	vand.u32 $0xFFFFFC00, v6  }
0x1dd: {  	s2 =	sor.u32 s4, s6;
	v0 =	vor.u32 v0, v3  }
0x1de: {  	[tilespmem:s2+$0x17000] =	vst v4  }
0x1df: {  	v3 =	vld.idx.msk [tilespmem:v5+s16+$0x0], $0xffff  }
0x1e0: {  	v4 =	vor.u32 $0x100, v8;
	v5 =	vld.idx.msk [tilespmem:v2+s16+$0x0], $0xffff  }
0x1e1: {  	v7 =	vor.u32 $0x80, v2;
	v6 =	vld.idx.msk [tilespmem:v1+s16+$0x0], $0xffff  }
0x1e2: {  	v10 =	vor.u32 $0x80, v1;
	v9 =	vld.idx.msk [tilespmem:v0+s16+$0x0], $0xffff  }
0x1e3: {  	v11 =	vor.u32 $0x80, v0;
	s2 =	sadd.s32 $0x17000, s2  }
0x1e4: {  	[tilespmem:s2+$0x80] =	vst v3  }
0x1e5: {  	[tilespmem:s2+$0x10] =	vst v5;
	v3 =	vld.idx.msk [tilespmem:v4+s16+$0x0], $0xffff  }
0x1e6: {  	v5 =	vor.u32 $0x180, v8;
	v7 =	vld.idx.msk [tilespmem:v7+s16+$0x0], $0xffff;
	[tilespmem:s2+$0x20] =	vst v6  }
0x1e7: {  	v6 =	vld.idx.msk [tilespmem:v10+s16+$0x0], $0xffff;
	[tilespmem:s2+$0x30] =	vst v9;
	v9 =	vor.u32 $0x100, v2  }
0x1e8: {  	s7 =	simm.s32 $0xC70;
	v10 =	vld.idx.msk [tilespmem:v11+s16+$0x0], $0xffff  }
0x1e9: {  	v12 =	vld [tilespmem:s7+$0xFFFFFFF0];
	v11 =	vor.u32 $0x100, v1  }
0x1ea: {  	v4 =	vld [tilespmem:s7+$0xFFFFFFE0];
	[tilespmem:s2+$0x100] =	vst v3;
	v3 =	vor.u32 $0x100, v0  }
0x1eb: {  	s3 =	simm.s32 $0x40;
	[tilespmem:s2+$0x90] =	vst v7;
	v5 =	vld.idx.msk [tilespmem:v5+s16+$0x0], $0xffff  }
0x1ec: {  	s8 =	sand.u32 $0x3C0, s3;
	v7 =	vor.u32 $0x200, v8;
	v9 =	vld.idx.msk [tilespmem:v9+s16+$0x0], $0xffff;
	[tilespmem:s2+$0xA0] =	vst v6  }
0x1ed: {  	v13 =	vld [tilespmem:s8+$0xC00];
	[tilespmem:s2+$0xB0] =	vst v10;
	v10 =	vor.u32 $0x180, v2  }
0x1ee: {  	v6 =	vld.idx.msk [tilespmem:v11+s16+$0x0], $0xffff  }
0x1ef: {  	v11 =	vor.u32 $0x180, v1;
	v14 =	vld.idx.msk [tilespmem:v3+s16+$0x0], $0xffff;
	v3 =	vshll.u32 v4, $0x3  }
0x1f0: {  	v15 =	vld [tilespmem:s7+$0x0];
	v4 =	vand.u32 $0x7F, v4;
	[tilespmem:s2+$0x180] =	vst v5;
	v5 =	vor.u32 $0x180, v0;
	v3 =	vand.u32 $0xFFFFFC00, v3  }
0x1f1: {  	p0 =	por $0x0, $0x0;
	s4 =	simm.s32 $0x1;
	[tilespmem:s2+$0x110] =	vst v9;
	v16 =	vld.idx.msk [tilespmem:v7+s16+$0x0], $0xffff;
	v4 =	vor.u32 v4, v3  }
0x1f2: {  	s4 =	simm.s32 @!p0 $0x0;
	v9 =	vor.u32 $0x280, v8;
	v7 =	vshll.u32 v13, $0x3;
	v10 =	vld.idx.msk [tilespmem:v10+s16+$0x0], $0xffff  }
0x1f3: {  	s4 =	sshll.u32 s4, $0x6;
	v3 =	vand.u32 $0x7F, v13;
	[tilespmem:s2+$0x120] =	vst v6;
	v13 =	vor.u32 $0x200, v2;
	v7 =	vand.u32 $0xFFFFFC00, v7  }
0x1f4: {  	s21 =	sadd.s32 $0x0, s4;
	v11 =	vld.idx.msk [tilespmem:v11+s16+$0x0], $0xffff;
	v3 =	vor.u32 v3, v7;
	[tilespmem:s2+$0x130] =	vst v14  }
0x1f5: {  	s4 =	sor.u32 $0x200, s21;
	v6 =	vshll.u32 v12, $0x3;
	v14 =	vld.idx.msk [tilespmem:v5+s16+$0x0], $0xffff;
	v5 =	vand.u32 $0x7F, v12;
	v12 =	vor.u32 $0x200, v1  }
0x1f6: {  	v17 =	vshll.u32 v15, $0x3;
	v6 =	vand.u32 $0xFFFFFC00, v6;
	v7 =	vld.idx.msk [tilespmem:v4+s16+$0x0], $0xffff;
	[tilespmem:s4+$0x17000] =	vst v16;
	v16 =	vor.u32 $0x200, v0  }
0x1f7: {  	v6 =	vor.u32 v5, v6;
	v5 =	vand.u32 $0x7F, v15;
	v15 =	vand.u32 $0xFFFFFC00, v17;
	[tilespmem:s2+$0x190] =	vst v10;
	v9 =	vld.idx.msk [tilespmem:v9+s16+$0x0], $0xffff  }
0x1f8: {  	v5 =	vor.u32 v5, v15;
	v17 =	vld.idx.msk [tilespmem:v13+s16+$0x0], $0xffff  }
0x1f9: {  	[tilespmem:s2+$0x1A0] =	vst v11;
	v15 =	vor.u32 $0x300, v8;
	v10 =	vld.idx.msk [tilespmem:v3+s16+$0x0], $0xffff  }
0x1fa: {  	s15 =	simm.s32 $0x200;
	v18 =	vor.u32 $0x80, v3;
	v19 =	vld.idx.msk [tilespmem:v12+s16+$0x0], $0xffff;
	[tilespmem:s2+$0x1B0] =	vst v14  }
0x1fb: {  	s13 =	sand.u32 $0x1C00, s15;
	v14 =	vor.u32 $0x280, v2;
	v16 =	vld.idx.msk [tilespmem:v16+s16+$0x0], $0xffff  }
0x1fc: {  	s6 =	simm.s32 $0xCB0;
	s14 =	sor.u32 $0x280, s21;
	s10 =	sand.u32 $0x40, s3;
	v20 =	vor.u32 $0x280, v1;
	v11 =	vld.idx.msk [tilespmem:v6+s16+$0x0], $0xffff  }
0x1fd: {  	s18 =	sadd.s32 $0x10, s21;
	s25 =	sadd.s32 $0x20, s21;
	s19 =	sor.u32 s10, s13;
	v21 =	vor.u32 $0x280, v0;
	v12 =	vld.idx.msk [tilespmem:v5+s16+$0x0], $0xffff;
	[tilespmem:s14+$0x17000] =	vst v9  }
0x1fe: {  	s29 =	sadd.s32 $0x30, s21;
	s26 =	sor.u32 $0x200, s18;
	s28 =	sor.u32 $0x200, s25;
	[tilespmem:s19+$0x17000] =	vst v10;
	v13 =	vld.idx.msk [tilespmem:v15+s16+$0x0], $0xffff  }
0x1ff: {  	s23 =	sor.u32 $0x280, s18;
	s22 =	sor.u32 $0x280, s25;
	s24 =	sor.u32 $0x200, s29;
	[tilespmem:s26+$0x17000] =	vst v17;
	v15 =	vld.idx.msk [tilespmem:v18+s16+$0x0], $0xffff  }
0x200: {  	s20 =	sor.u32 $0x280, s29;
	s30 =	sor.u32 $0x380, s18;
	s13 =	sor.u32 $0x300, s18;
	v10 =	vld.idx.msk [tilespmem:v14+s16+$0x0], $0xffff;
	[tilespmem:s28+$0x17000] =	vst v19;
	v14 =	vor.u32 $0x380, v8  }
0x201: {  	s8 =	sor.u32 $0x380, s25;
	s18 =	sor.u32 $0x380, s29;
	s7 =	sor.u32 $0x300, s25;
	v9 =	vld.idx.msk [tilespmem:v20+s16+$0x0], $0xffff;
	[tilespmem:s24+$0x17000] =	vst v16;
	v16 =	vor.u32 $0x100, v3  }
0x202: {  	s4 =	simm.s32 $0x4;
	s2 =	simm.s32 $0x0;
	s14 =	sor.u32 $0x300, s29;
	v17 =	vor.u32 $0x80, v4;
	v8 =	vld.idx.msk [tilespmem:v21+s16+$0x0], $0xffff  }
.LBB2_9:
0x203: {  	v18 =	vld [tilespmem:s6+$0xFFFFFFE0];
	v19 =	vor.u32 $0x80, v6;
	s10 =	sor.u32 $0x300, s21  }
0x204: {  	s19 =	sadd.s32 $0x17000, s19;
	v21 =	vor.u32 $0x80, v5;
	v20 =	vld [tilespmem:s6+$0xFFFFFFF0];
	[tilespmem:s10+$0x17000] =	vst v13  }
0x205: {  	[tilespmem:s19+$0x80] =	vst v15;
	v13 =	vld.idx.msk [tilespmem:v14+s16+$0x0], $0xffff;
	v14 =	vor.u32 $0x300, v2  }
0x206: {  	v15 =	vld.idx.msk [tilespmem:v16+s16+$0x0], $0xffff;
	[tilespmem:s19+$0x10] =	vst v7;
	v7 =	vor.u32 $0x300, v1  }
0x207: {  	v16 =	vld.idx.msk [tilespmem:v17+s16+$0x0], $0xffff;
	[tilespmem:s19+$0x20] =	vst v11  }
0x208: {  	v11 =	vor.u32 $0x180, v3;
	v17 =	vld.idx.msk [tilespmem:v19+s16+$0x0], $0xffff;
	[tilespmem:s19+$0x30] =	vst v12  }
0x209: {  	s10 =	sor.u32 s2, s9;
	s9 =	smov.u32 s3;
	s2 =	smov.u32 s15;
	v12 =	vor.u32 $0x100, v4;
	v19 =	vld.idx.msk [tilespmem:v21+s16+$0x0], $0xffff;
	[tilespmem:s23+$0x17000] =	vst v10  }
0x20a: {  	s10 =	sor.u32 $0x380, s10;
	v10 =	vor.u32 $0x100, v6;
	v14 =	vld.idx.msk [tilespmem:v14+s16+$0x0], $0xffff;
	[tilespmem:s22+$0x17000] =	vst v9  }
0x20b: {  	[tilespmem:s10+$0x17000] =	vst v13;
	v7 =	vld.idx.msk [tilespmem:v7+s16+$0x0], $0xffff  }
0x20c: {  	v13 =	vor.u32 $0x100, v5;
	v9 =	vld [tilespmem:s6+$0x0];
	[tilespmem:s19+$0x100] =	vst v15  }
0x20d: {  	v15 =	vor.u32 $0x300, v0;
	v11 =	vld.idx.msk [tilespmem:v11+s16+$0x0], $0xffff;
	[tilespmem:s19+$0x90] =	vst v16  }
0x20e: {  	s3 =	sadd.s32 $0x40, s3;
	v16 =	vor.u32 $0x380, v2;
	v2 =	vmov v4;
	v12 =	vld.idx.msk [tilespmem:v12+s16+$0x0], $0xffff;
	[tilespmem:s19+$0xA0] =	vst v17  }
0x20f: {  	s4 =	sadd.s32 $0x4, s4;
	s10 =	sand.u32 $0x3C0, s3;
	v4 =	vor.u32 $0x200, v3;
	v10 =	vld.idx.msk [tilespmem:v10+s16+$0x0], $0xffff;
	[tilespmem:s19+$0xB0] =	vst v19  }
0x210: {  	p1 =	slt.u32 s4, $0x3C;
	v19 =	vor.u32 $0x180, v2;
	v17 =	vld [tilespmem:s10+$0xC00];
	[tilespmem:s20+$0x17000] =	vst v8  }
0x211: {  	v8 =	vor.u32 $0x180, v6;
	v13 =	vld.idx.msk [tilespmem:v13+s16+$0x0], $0xffff;
	[tilespmem:s13+$0x17000] =	vst v14  }
0x212: {  	[tilespmem:s7+$0x17000] =	vst v7;
	v7 =	vor.u32 $0x380, v1;
	v14 =	vld.idx.msk [tilespmem:v15+s16+$0x0], $0xffff;
	v1 =	vmov v6  }
0x213: {  	v6 =	vshll.u32 v18, $0x3;
	[tilespmem:s19+$0x180] =	vst v11;
	v11 =	vor.u32 $0x180, v5;
	v15 =	vld.idx.msk [tilespmem:v16+s16+$0x0], $0xffff  }
0x214: {  	v16 =	vand.u32 $0x7F, v18;
	v6 =	vand.u32 $0xFFFFFC00, v6;
	v18 =	vld.idx.msk [tilespmem:v4+s16+$0x0], $0xffff;
	[tilespmem:s19+$0x110] =	vst v12;
	v12 =	vor.u32 $0x380, v0;
	v0 =	vmovc v5  }
0x215: {  	p0 =	por !p0, !p0;
	s7 =	simm.s32 $0x1;
	v4 =	vor.u32 v16, v6;
	v5 =	vshll.u32 v17, $0x3;
	v16 =	vld.idx.msk [tilespmem:v19+s16+$0x0], $0xffff;
	[tilespmem:s19+$0x120] =	vst v10  }
0x216: {  	s7 =	simm.s32 @!p0 $0x0;
	v6 =	vand.u32 $0x7F, v17;
	v10 =	vor.u32 $0x280, v3;
	v5 =	vand.u32 $0xFFFFFC00, v5;
	v8 =	vld.idx.msk [tilespmem:v8+s16+$0x0], $0xffff  }
0x217: {  	s7 =	sshll.u32 s7, $0x6;
	v17 =	vor.u32 v6, v5;
	[tilespmem:s19+$0x130] =	vst v13;
	v13 =	vld.idx.msk [tilespmem:v7+s16+$0x0], $0xffff  }
0x218: {  	s21 =	sadd.s32 s7, s15;
	v19 =	vor.u32 $0x200, v2;
	v11 =	vld.idx.msk [tilespmem:v11+s16+$0x0], $0xffff;
	[tilespmem:s14+$0x17000] =	vst v14  }
0x219: {  	s7 =	sor.u32 $0x200, s21;
	s10 =	sadd.s32 $0x10, s21;
	s24 =	sadd.s32 $0x20, s21;
	v5 =	vand.u32 $0x7F, v20;
	v6 =	vshll.u32 v20, $0x3;
	v14 =	vor.u32 $0x200, v1;
	[tilespmem:s30+$0x17000] =	vst v15;
	v12 =	vld.idx.msk [tilespmem:v12+s16+$0x0], $0xffff  }
0x21a: {  	s28 =	sadd.s32 $0x30, s21;
	s25 =	sor.u32 $0x200, s10;
	s26 =	sor.u32 $0x200, s24;
	v6 =	vand.u32 $0xFFFFFC00, v6;
	v15 =	vshll.u32 v9, $0x3;
	v7 =	vld.idx.msk [tilespmem:v4+s16+$0x0], $0xffff;
	[tilespmem:s7+$0x17000] =	vst v18;
	v18 =	vor.u32 $0x200, v0  }
0x21b: {  	s23 =	sor.u32 $0x280, s10;
	s22 =	sor.u32 $0x280, s24;
	s29 =	sor.u32 $0x200, s28;
	v6 =	vor.u32 v5, v6;
	v5 =	vand.u32 $0x7F, v9;
	v9 =	vand.u32 $0xFFFFFC00, v15;
	v10 =	vld.idx.msk [tilespmem:v10+s16+$0x0], $0xffff;
	[tilespmem:s19+$0x190] =	vst v16  }
0x21c: {  	s13 =	sor.u32 $0x300, s10;
	s20 =	sor.u32 $0x280, s28;
	s7 =	sor.u32 $0x300, s24;
	v5 =	vor.u32 v5, v9;
	v15 =	vld.idx.msk [tilespmem:v17+s16+$0x0], $0xffff;
	[tilespmem:s19+$0x1A0] =	vst v8  }
0x21d: {  	s14 =	sor.u32 $0x300, s28;
	s30 =	sor.u32 $0x380, s10;
	v8 =	vor.u32 $0x300, v3;
	v9 =	vld.idx.msk [tilespmem:v19+s16+$0x0], $0xffff;
	[tilespmem:s8+$0x17000] =	vst v13;
	s8 =	sor.u32 $0x380, s24  }
0x21e: {  	s10 =	sor.u32 $0x380, s28;
	v16 =	vor.u32 $0x80, v17;
	v19 =	vld.idx.msk [tilespmem:v14+s16+$0x0], $0xffff;
	[tilespmem:s19+$0x1B0] =	vst v11  }
0x21f: {  	s15 =	sadd.s32 $0x200, s15;
	v20 =	vor.u32 $0x280, v2;
	v18 =	vld.idx.msk [tilespmem:v18+s16+$0x0], $0xffff;
	[tilespmem:s18+$0x17000] =	vst v12;
	s18 =	smov.u32 s10  }
0x220: {  	v21 =	vor.u32 $0x280, v1;
	s24 =	sor.u32 $0x280, s21;
	s19 =	sand.u32 $0x1C00, s15;
	s10 =	sand.u32 $0x40, s3;
	v11 =	vld.idx.msk [tilespmem:v6+s16+$0x0], $0xffff  }
0x221: {  	v22 =	vor.u32 $0x280, v0;
	s19 =	sor.u32 s10, s19;
	v12 =	vld.idx.msk [tilespmem:v5+s16+$0x0], $0xffff;
	[tilespmem:s24+$0x17000] =	vst v10  }
.Ltmp5:
0x222: {  	[tilespmem:s19+$0x17000] =	vst v15;
	v13 =	vld.idx.msk [tilespmem:v8+s16+$0x0], $0xffff;
	(pc) =	sbr.rel @p1 .LBB2_9-.Ltmp5, $4  }
0x223: {  	v15 =	vld.idx.msk [tilespmem:v16+s16+$0x0], $0xffff;
	[tilespmem:s25+$0x17000] =	vst v9  }
0x224: {  	v14 =	vor.u32 $0x380, v3;
	v3 =	vmov v17;
	v10 =	vld.idx.msk [tilespmem:v20+s16+$0x0], $0xffff;
	[tilespmem:s26+$0x17000] =	vst v19  }
0x225: {  	v16 =	vor.u32 $0x100, v3;
	v9 =	vld.idx.msk [tilespmem:v21+s16+$0x0], $0xffff;
	[tilespmem:s29+$0x17000] =	vst v18  }
0x226: {  	s6 =	sadd.s32 $0x40, s6;
	v17 =	vor.u32 $0x80, v4;
	v8 =	vld.idx.msk [tilespmem:v22+s16+$0x0], $0xffff  }
0x227: {  	v18 =	vor.u32 $0x80, v6  }
0x228: {  	v19 =	vor.u32 $0x80, v5  }
0x229: {  	s4 =	sadd.s32 $0x17000, s19  }
0x22a: {  	[tilespmem:s4+$0x10] =	vst v7  }
0x22b: {  	[tilespmem:s4+$0x20] =	vst v11;
	v7 =	vld.idx.msk [tilespmem:v17+s16+$0x0], $0xffff  }
0x22c: {  	[tilespmem:s4+$0x30] =	vst v12;
	v12 =	vor.u32 $0x100, v4;
	v11 =	vld.idx.msk [tilespmem:v18+s16+$0x0], $0xffff  }
0x22d: {  	v17 =	vld.idx.msk [tilespmem:v19+s16+$0x0], $0xffff;
	v18 =	vor.u32 $0x100, v6  }
0x22e: {  	v19 =	vor.u32 $0x100, v5  }
0x22f: {  	[tilespmem:s4+$0x80] =	vst v15  }
0x230: {  	v15 =	vld.idx.msk [tilespmem:v16+s16+$0x0], $0xffff;
	[tilespmem:s4+$0x90] =	vst v7  }
0x231: {  	v7 =	vor.u32 $0x180, v3;
	v12 =	vld.idx.msk [tilespmem:v12+s16+$0x0], $0xffff;
	[tilespmem:s4+$0xA0] =	vst v11  }
0x232: {  	v16 =	vor.u32 $0x180, v4;
	[tilespmem:s4+$0xB0] =	vst v17;
	v11 =	vld.idx.msk [tilespmem:v18+s16+$0x0], $0xffff  }
0x233: {  	s6 =	sor.u32 $0x300, s21;
	v17 =	vor.u32 $0x180, v6;
	v18 =	vld.idx.msk [tilespmem:v19+s16+$0x0], $0xffff  }
0x234: {  	[tilespmem:s6+$0x17000] =	vst v13;
	v13 =	vor.u32 $0x180, v5  }
0x235: {  	[tilespmem:s4+$0x100] =	vst v15  }
0x236: {  	v7 =	vld.idx.msk [tilespmem:v7+s16+$0x0], $0xffff;
	[tilespmem:s4+$0x110] =	vst v12  }
0x237: {  	v12 =	vor.u32 $0x200, v3;
	v15 =	vld.idx.msk [tilespmem:v16+s16+$0x0], $0xffff;
	[tilespmem:s4+$0x120] =	vst v11  }
0x238: {  	v16 =	vor.u32 $0x200, v4;
	[tilespmem:s4+$0x130] =	vst v18;
	v11 =	vld.idx.msk [tilespmem:v17+s16+$0x0], $0xffff  }
0x239: {  	[tilespmem:s23+$0x17000] =	vst v10;
	v10 =	vld.idx.msk [tilespmem:v13+s16+$0x0], $0xffff;
	v13 =	vor.u32 $0x200, v6  }
0x23a: {  	v14 =	vld.idx.msk [tilespmem:v14+s16+$0x0], $0xffff;
	[tilespmem:s22+$0x17000] =	vst v9;
	v9 =	vor.u32 $0x200, v5  }
0x23b: {  	v17 =	vor.u32 $0x300, v2;
	[tilespmem:s4+$0x180] =	vst v7  }
0x23c: {  	p0 =	por !p0, !p0;
	s6 =	simm.s32 $0x1;
	v7 =	vor.u32 $0x300, v1;
	v12 =	vld.idx.msk [tilespmem:v12+s16+$0x0], $0xffff;
	[tilespmem:s4+$0x190] =	vst v15  }
0x23d: {  	s2 =	sor.u32 s2, s9;
	s6 =	simm.s32 @!p0 $0x0;
	v15 =	vor.u32 $0x280, v3;
	[tilespmem:s4+$0x1A0] =	vst v11;
	v11 =	vld.idx.msk [tilespmem:v16+s16+$0x0], $0xffff  }
0x23e: {  	s2 =	sor.u32 $0x380, s2;
	s6 =	sshll.u32 s6, $0x6;
	[tilespmem:s4+$0x1B0] =	vst v10;
	v10 =	vor.u32 $0x280, v4;
	v13 =	vld.idx.msk [tilespmem:v13+s16+$0x0], $0xffff  }
0x23f: {  	s28 =	sadd.s32 s6, s15;
	[tilespmem:s2+$0x17000] =	vst v14;
	v14 =	vor.u32 $0x280, v6;
	v9 =	vld.idx.msk [tilespmem:v9+s16+$0x0], $0xffff  }
0x240: {  	[tilespmem:s20+$0x17000] =	vst v8;
	v8 =	vor.u32 $0x280, v5;
	s6 =	sor.u32 $0x200, s28;
	s2 =	sadd.s32 $0x10, s28;
	v16 =	vld.idx.msk [tilespmem:v17+s16+$0x0], $0xffff  }
0x241: {  	s9 =	sadd.s32 $0x20, s28;
	s29 =	sor.u32 $0x200, s2;
	v7 =	vld.idx.msk [tilespmem:v7+s16+$0x0], $0xffff;
	v17 =	vor.u32 $0x300, v0;
	[tilespmem:s6+$0x17000] =	vst v12  }
0x242: {  	s19 =	sadd.s32 $0x30, s28;
	s10 =	sor.u32 $0x200, s9;
	v2 =	vor.u32 $0x380, v2;
	[tilespmem:s29+$0x17000] =	vst v11;
	v11 =	vld.idx.msk [tilespmem:v15+s16+$0x0], $0xffff  }
0x243: {  	s20 =	sor.u32 $0x200, s19;
	v12 =	vor.u32 $0x300, v3;
	[tilespmem:s10+$0x17000] =	vst v13;
	v10 =	vld.idx.msk [tilespmem:v10+s16+$0x0], $0xffff  }
0x244: {  	[tilespmem:s20+$0x17000] =	vst v9;
	v9 =	vor.u32 $0x300, v4;
	v13 =	vld.idx.msk [tilespmem:v14+s16+$0x0], $0xffff  }
0x245: {  	[tilespmem:s13+$0x17000] =	vst v16;
	v8 =	vld.idx.msk [tilespmem:v8+s16+$0x0], $0xffff;
	v14 =	vor.u32 $0x300, v6  }
0x246: {  	s21 =	sor.u32 $0x280, s28;
	[tilespmem:s7+$0x17000] =	vst v7;
	v7 =	vld.idx.msk [tilespmem:v17+s16+$0x0], $0xffff;
	v15 =	vor.u32 $0x300, v5  }
0x247: {  	s22 =	sor.u32 $0x280, s2;
	v1 =	vor.u32 $0x380, v1;
	v2 =	vld.idx.msk [tilespmem:v2+s16+$0x0], $0xffff;
	[tilespmem:s21+$0x17000] =	vst v11  }
0x248: {  	s23 =	sor.u32 $0x280, s9;
	v0 =	vor.u32 $0x380, v0;
	v11 =	vld.idx.msk [tilespmem:v12+s16+$0x0], $0xffff;
	[tilespmem:s22+$0x17000] =	vst v10  }
0x249: {  	s24 =	sor.u32 $0x280, s19;
	v3 =	vor.u32 $0x380, v3;
	v9 =	vld.idx.msk [tilespmem:v9+s16+$0x0], $0xffff;
	[tilespmem:s23+$0x17000] =	vst v13  }
0x24a: {  	v4 =	vor.u32 $0x380, v4;
	[tilespmem:s24+$0x17000] =	vst v8;
	v10 =	vld.idx.msk [tilespmem:v14+s16+$0x0], $0xffff  }
0x24b: {  	v6 =	vor.u32 $0x380, v6;
	[tilespmem:s14+$0x17000] =	vst v7;
	v7 =	vld.idx.msk [tilespmem:v15+s16+$0x0], $0xffff  }
0x24c: {  	s4 =	sor.u32 $0x300, s28;
	v1 =	vld.idx.msk [tilespmem:v1+s16+$0x0], $0xffff;
	[tilespmem:s30+$0x17000] =	vst v2;
	v2 =	vor.u32 $0x380, v5  }
0x24d: {  	s25 =	sor.u32 $0x300, s2;
	v0 =	vld.idx.msk [tilespmem:v0+s16+$0x0], $0xffff;
	[tilespmem:s4+$0x17000] =	vst v11  }
0x24e: {  	s26 =	sor.u32 $0x300, s9;
	v3 =	vld.idx.msk [tilespmem:v3+s16+$0x0], $0xffff;
	[tilespmem:s25+$0x17000] =	vst v9  }
0x24f: {  	s28 =	sor.u32 $0x300, s19;
	[tilespmem:s26+$0x17000] =	vst v10;
	v4 =	vld.idx.msk [tilespmem:v4+s16+$0x0], $0xffff  }
0x250: {  	[tilespmem:s28+$0x17000] =	vst v7;
	v5 =	vld.idx.msk [tilespmem:v6+s16+$0x0], $0xffff  }
0x251: {  	s3 =	sor.u32 s15, s3;
	[tilespmem:s8+$0x17000] =	vst v1;
	v1 =	vld.idx.msk [tilespmem:v2+s16+$0x0], $0xffff  }
0x252: {  	s3 =	sor.u32 $0x380, s3;
	[tilespmem:s18+$0x17000] =	vst v0  }
0x253: {  	s2 =	sor.u32 $0x380, s2;
	[tilespmem:s3+$0x17000] =	vst v3  }
0x254: {  	s29 =	sor.u32 $0x380, s9;
	[tilespmem:s2+$0x17000] =	vst v4  }
0x255: {  	s4 =	sor.u32 $0x380, s19;
	[tilespmem:s29+$0x17000] =	vst v5  }
0x256: {  	s1 =	sadd.s32 s1, s12;
	s6 =	simm.s32 $0x17000;
	[tilespmem:s4+$0x17000] =	vst v1  }
0x257: {  	[hbm4b:s1+s5] =	stream.linear.scatter [tilespmem:s6], [sflag:$0x6], $0x2000, $0x38;
	[tilespmem:$0x19000] =	vst v63  }
0x258: {  	p0 =	seq.s32 s31, $0xF;
	s1 =	rddreg [dreg:$0x9]  }
0x259: {  	s1 =	sadd.s32 @!p0 s0, s1  }
0x25a: {  	s7 =	simm.s32 $0x2;
	s2 =	rddreg [dreg:$0x0];
	s1 =	sshll.u32 @!p0 s1, $0x9  }
0x25b: {  	s3 =	simm.s32 @!p0 $0x1000;
	s1 =	sadd.s32 @!p0 s2, s1;
	s2 =	simm.s32 @!p0 $0x0  }
0x25c: {  	[tilespmem:s3], [sflag:$0x1] =	stream.linear.gather @!p0 [hbm4b:s1+s2], $0x8000, $0x38;
	[tilespmem:$0x19000] =	vst v63  }
0x25d: {  	_ =	swait.ge [sflag:s7], $0x8000  }
0x25e: {  	[sflag:s7] =	ssyncset.done $0x0  }
0x25f: {  	s8 =	simm.s32 $0x3;
	s2 =	simm.s32 $0x0;
	[sflag:s7] =	ssyncadd.s32 $0xFFFF8000  }
0x260: {  	s9 =	sand.u32 $0x40, s2;
	_ =	swait.ge [sflag:s8], $0x2000  }
0x261: {  	s10 =	sand.u32 $0x380, s2;
	s13 =	sor.u32 $0x30, s9;
	[sflag:s8] =	ssyncset.done $0x0  }
0x262: {  	s14 =	sor.u32 s13, s10;
	[sflag:s8] =	ssyncadd.s32 $0xFFFFE000  }
0x263: {  	v0 =	vld [tilespmem:s14+$0x0]  }
0x264: {  	s15 =	sor.u32 $0x10, s9;
	v1 =	vld [tilespmem:s2+$0x0]  }
0x265: {  	s18 =	sor.u32 $0x20, s9;
	s19 =	sor.u32 s15, s10  }
0x266: {  	s3 =	sor.u32 s18, s10;
	v2 =	vld [tilespmem:s19+$0x0]  }
0x267: {  	v3 =	vld [tilespmem:s3+$0x0]  }
0x268: {  	v4 =	vshll.u32 v0, $0x3  }
0x269: {  	v5 =	vshll.u32 v1, $0x3;
	v0 =	vand.u32 $0x7F, v0;
	v4 =	vand.u32 $0xFFFFFC00, v4  }
0x26a: {  	v1 =	vand.u32 $0x7F, v1;
	v6 =	vand.u32 $0xFFFFFC00, v5;
	v5 =	vor.u32 v0, v4  }
0x26b: {  	v0 =	vor.u32 v1, v6;
	v1 =	vshll.u32 v2, $0x3  }
0x26c: {  	v4 =	vshll.u32 v3, $0x3;
	v2 =	vand.u32 $0x7F, v2;
	v1 =	vand.u32 $0xFFFFFC00, v1  }
0x26d: {  	v6 =	vand.u32 $0xFFFFFC00, v4;
	v4 =	vor.u32 v2, v1;
	v1 =	vand.u32 $0x7F, v3  }
0x26e: {  	v3 =	vor.u32 v1, v6  }
0x26f: {  	v1 =	vld.idx.msk [tilespmem:v5+s17+$0x0], $0xffff  }
0x270: {  	v6 =	vor.u32 $0x80, v5;
	v2 =	vld.idx.msk [tilespmem:v0+s17+$0x0], $0xffff  }
0x271: {  	s20 =	sand.u32 $0x1C00, s2;
	v7 =	vor.u32 $0x80, v0  }
0x272: {  	s3 =	sadd.s32 $0x11000, s20;
	v8 =	vld.idx.msk [tilespmem:v4+s17+$0x0], $0xffff  }
0x273: {  	s21 =	sor.u32 s13, s3;
	v9 =	vor.u32 $0x80, v4;
	v10 =	vld.idx.msk [tilespmem:v3+s17+$0x0], $0xffff  }
0x274: {  	s22 =	sor.u32 s9, s3;
	v11 =	vor.u32 $0x80, v3;
	[tilespmem:s21+$0x0] =	vst v1  }
0x275: {  	[tilespmem:s22+$0x0] =	vst v2;
	v1 =	vld.idx.msk [tilespmem:v6+s17+$0x0], $0xffff  }
0x276: {  	s28 =	sor.u32 s15, s3;
	v2 =	vld.idx.msk [tilespmem:v7+s17+$0x0], $0xffff;
	v6 =	vor.u32 $0x100, v5  }
0x277: {  	s8 =	sor.u32 s18, s3;
	v7 =	vor.u32 $0x100, v0;
	[tilespmem:s28+$0x0] =	vst v8  }
0x278: {  	v8 =	vld.idx.msk [tilespmem:v9+s17+$0x0], $0xffff;
	[tilespmem:s8+$0x0] =	vst v10  }
0x279: {  	v9 =	vor.u32 $0x100, v4;
	v10 =	vld.idx.msk [tilespmem:v11+s17+$0x0], $0xffff  }
0x27a: {  	v11 =	vor.u32 $0x100, v3;
	[tilespmem:s21+$0x80] =	vst v1  }
0x27b: {  	[tilespmem:s22+$0x80] =	vst v2;
	v1 =	vld.idx.msk [tilespmem:v6+s17+$0x0], $0xffff  }
0x27c: {  	v2 =	vld.idx.msk [tilespmem:v7+s17+$0x0], $0xffff;
	v6 =	vor.u32 $0x180, v5  }
0x27d: {  	v7 =	vor.u32 $0x180, v0;
	[tilespmem:s28+$0x80] =	vst v8  }
0x27e: {  	v8 =	vld.idx.msk [tilespmem:v9+s17+$0x0], $0xffff;
	[tilespmem:s8+$0x80] =	vst v10  }
0x27f: {  	s1 =	simm.s32 $0x40;
	v9 =	vor.u32 $0x180, v4;
	v10 =	vld.idx.msk [tilespmem:v11+s17+$0x0], $0xffff  }
0x280: {  	s3 =	sand.u32 $0x40, s1;
	v11 =	vld [tilespmem:s1+$0x0];
	[tilespmem:s21+$0x100] =	vst v1  }
0x281: {  	s29 =	sand.u32 $0x380, s1;
	s4 =	sor.u32 $0x30, s3;
	[tilespmem:s22+$0x100] =	vst v2;
	v1 =	vld.idx.msk [tilespmem:v6+s17+$0x0], $0xffff  }
0x282: {  	s23 =	sor.u32 s4, s29;
	v2 =	vor.u32 $0x180, v3;
	v6 =	vld.idx.msk [tilespmem:v7+s17+$0x0], $0xffff  }
0x283: {  	s24 =	sor.u32 $0x10, s3;
	v7 =	vor.u32 $0x200, v5;
	[tilespmem:s28+$0x100] =	vst v8;
	v8 =	vld [tilespmem:s23+$0x0]  }
0x284: {  	s25 =	sor.u32 $0x20, s3;
	s26 =	sor.u32 s24, s29;
	v9 =	vld.idx.msk [tilespmem:v9+s17+$0x0], $0xffff  }
0x285: {  	s14 =	sor.u32 s25, s29;
	v13 =	vld [tilespmem:s26+$0x0];
	v12 =	vor.u32 $0x200, v4;
	v14 =	vshll.u32 v11, $0x3  }
0x286: {  	v15 =	vld [tilespmem:s14+$0x0];
	[tilespmem:s8+$0x100] =	vst v10;
	v10 =	vor.u32 $0x200, v0;
	v11 =	vand.u32 $0x7F, v11;
	v14 =	vand.u32 $0xFFFFFC00, v14  }
0x287: {  	p1 =	por $0x0, $0x0;
	s9 =	simm.s32 $0x1;
	v16 =	vld.idx.msk [tilespmem:v2+s17+$0x0], $0xffff;
	[tilespmem:s21+$0x180] =	vst v1;
	v1 =	vor.u32 v11, v14  }
0x288: {  	s9 =	simm.s32 @!p1 $0x0;
	v11 =	vor.u32 $0x200, v3;
	v7 =	vld.idx.msk [tilespmem:v7+s17+$0x0], $0xffff;
	v2 =	vshll.u32 v8, $0x3  }
0x289: {  	s9 =	sshll.u32 s9, $0x6;
	v8 =	vand.u32 $0x7F, v8;
	[tilespmem:s28+$0x180] =	vst v9;
	v2 =	vand.u32 $0xFFFFFC00, v2;
	v9 =	vor.u32 $0x280, v5  }
0x28a: {  	s9 =	sadd.s32 $0x0, s9;
	v14 =	vor.u32 $0x280, v4;
	[tilespmem:s22+$0x180] =	vst v6;
	v6 =	vld.idx.msk [tilespmem:v12+s17+$0x0], $0xffff;
	v12 =	vshll.u32 v13, $0x3;
	v2 =	vor.u32 v8, v2  }
0x28b: {  	s7 =	sadd.s32 $0x30, s9;
	v8 =	vld.idx.msk [tilespmem:v10+s17+$0x0], $0xffff;
	v10 =	vshll.u32 v15, $0x3;
	v13 =	vand.u32 $0x7F, v13;
	v12 =	vand.u32 $0xFFFFFC00, v12  }
0x28c: {  	s28 =	sor.u32 $0x200, s7;
	v10 =	vand.u32 $0xFFFFFC00, v10;
	[tilespmem:s8+$0x180] =	vst v16;
	v17 =	vld.idx.msk [tilespmem:v1+s17+$0x0], $0xffff;
	v21 =	vor.u32 v13, v12;
	v12 =	vand.u32 $0x7F, v15  }
0x28d: {  	s29 =	sadd.s32 $0x10, s9;
	v11 =	vld.idx.msk [tilespmem:v11+s17+$0x0], $0xffff;
	v10 =	vor.u32 v12, v10;
	[tilespmem:s28+$0x11000] =	vst v7  }
0x28e: {  	s18 =	sor.u32 $0x200, s29;
	v7 =	vor.u32 $0x280, v0;
	v9 =	vld.idx.msk [tilespmem:v9+s17+$0x0], $0xffff  }
0x28f: {  	s19 =	sor.u32 $0x200, s9;
	s8 =	simm.s32 $0x200;
	v12 =	vor.u32 $0x280, v3;
	v13 =	vld.idx.msk [tilespmem:v2+s17+$0x0], $0xffff;
	[tilespmem:s18+$0x11000] =	vst v6  }
0x290: {  	s15 =	sadd.s32 $0x20, s9;
	s21 =	sand.u32 $0x1C00, s8;
	[tilespmem:s19+$0x11000] =	vst v8;
	v8 =	vor.u32 $0x80, v1;
	v6 =	vld.idx.msk [tilespmem:v14+s17+$0x0], $0xffff  }
0x291: {  	s20 =	sor.u32 $0x200, s15;
	s10 =	sadd.s32 $0x11000, s21;
	v14 =	vor.u32 $0x300, v5;
	v15 =	vld.idx.msk [tilespmem:v21+s17+$0x0], $0xffff  }
0x292: {  	v16 =	vor.u32 $0x80, v2;
	s18 =	sor.u32 s3, s10;
	[tilespmem:s20+$0x11000] =	vst v11;
	v18 =	vld.idx.msk [tilespmem:v10+s17+$0x0], $0xffff  }
0x293: {  	s22 =	sor.u32 $0x280, s7;
	v19 =	vor.u32 $0x80, v21;
	[tilespmem:s18+$0x0] =	vst v17;
	v7 =	vld.idx.msk [tilespmem:v7+s17+$0x0], $0xffff  }
0x294: {  	v11 =	vor.u32 $0x80, v10;
	s20 =	sor.u32 s4, s10;
	v12 =	vld.idx.msk [tilespmem:v12+s17+$0x0], $0xffff;
	[tilespmem:s22+$0x11000] =	vst v9  }
0x295: {  	s23 =	sor.u32 $0x280, s29;
	v9 =	vor.u32 $0x300, v4;
	[tilespmem:s20+$0x0] =	vst v13;
	v8 =	vld.idx.msk [tilespmem:v8+s17+$0x0], $0xffff  }
0x296: {  	s6 =	sor.u32 s24, s10;
	v13 =	vld.idx.msk [tilespmem:v14+s17+$0x0], $0xffff;
	v14 =	vor.u32 $0x300, v3;
	[tilespmem:s23+$0x11000] =	vst v6  }
0x297: {  	v5 =	vor.u32 $0x380, v5;
	s4 =	sor.u32 s25, s10;
	v16 =	vld.idx.msk [tilespmem:v16+s17+$0x0], $0xffff;
	[tilespmem:s6+$0x0] =	vst v15  }
0x298: {  	s24 =	sor.u32 $0x280, s15;
	v17 =	vor.u32 $0x100, v2;
	v15 =	vld.idx.msk [tilespmem:v19+s17+$0x0], $0xffff;
	[tilespmem:s4+$0x0] =	vst v18  }
0x299: {  	v19 =	vor.u32 $0x100, v1;
	[tilespmem:s24+$0x11000] =	vst v12;
	v20 =	vld.idx.msk [tilespmem:v11+s17+$0x0], $0xffff  }
0x29a: {  	s25 =	sor.u32 $0x300, s7;
	v6 =	vor.u32 $0x100, v21;
	v22 =	vld.idx.msk [tilespmem:v9+s17+$0x0], $0xffff;
	[tilespmem:s18+$0x80] =	vst v8  }
0x29b: {  	v23 =	vor.u32 $0x100, v10;
	v14 =	vld.idx.msk [tilespmem:v14+s17+$0x0], $0xffff;
	[tilespmem:s25+$0x11000] =	vst v13  }
0x29c: {  	[tilespmem:s20+$0x80] =	vst v16;
	v16 =	vor.u32 $0x300, v0;
	v24 =	vld.idx.msk [tilespmem:v5+s17+$0x0], $0xffff  }
0x29d: {  	v25 =	vor.u32 $0x380, v4;
	v18 =	vld.idx.msk [tilespmem:v17+s17+$0x0], $0xffff;
	[tilespmem:s6+$0x80] =	vst v15  }
0x29e: {  	s28 =	sor.u32 $0x300, s29;
	v4 =	vor.u32 $0x380, v21;
	v17 =	vld.idx.msk [tilespmem:v19+s17+$0x0], $0xffff;
	[tilespmem:s4+$0x80] =	vst v20  }
0x29f: {  	s2 =	sor.u32 s2, s2;
	s26 =	sor.u32 $0x280, s9;
	s13 =	sor.u32 $0x300, s9;
	v11 =	vor.u32 $0x200, v21;
	v8 =	vor.u32 $0x280, v21;
	v19 =	vld.idx.msk [tilespmem:v6+s17+$0x0], $0xffff;
	[tilespmem:s28+$0x11000] =	vst v22;
	v22 =	vor.u32 $0x180, v2  }
0x2a0: {  	s30 =	sor.u32 $0x300, s15;
	s14 =	sor.u32 $0x380, s29;
	s29 =	sor.u32 s8, s1;
	[tilespmem:s26+$0x11000] =	vst v7;
	v13 =	vor.u32 $0x180, v21;
	v6 =	vor.u32 $0x300, v21;
	v21 =	vor.u32 $0x180, v1;
	v20 =	vld.idx.msk [tilespmem:v23+s17+$0x0], $0xffff  }
0x2a1: {  	s15 =	sor.u32 $0x380, s15;
	s9 =	sor.u32 $0x380, s29;
	s7 =	sor.u32 $0x380, s7;
	v3 =	vor.u32 $0x380, v3;
	v12 =	vor.u32 $0x180, v10;
	v7 =	vor.u32 $0x280, v10;
	v15 =	vld.idx.msk [tilespmem:v16+s17+$0x0], $0xffff  }
0x2a2: {  	s3 =	sor.u32 $0x380, s2;
	s2 =	simm.s32 $0x4;
	v9 =	vor.u32 $0x200, v10;
	v5 =	vor.u32 $0x300, v10;
	v10 =	vor.u32 $0x380, v10;
	v16 =	vld.idx.msk [tilespmem:v25+s17+$0x0], $0xffff;
	[tilespmem:s7+$0x11000] =	vst v24;
	s7 =	simm.s32 $0x80  }
.LBB2_11:
0x2a3: {  	v23 =	vld [tilespmem:s7+$0x0];
	[tilespmem:s20+$0x100] =	vst v18;
	s1 =	sadd.s32 $0x40, s1  }
0x2a4: {  	s2 =	sadd.s32 $0x4, s2;
	s19 =	sand.u32 $0x40, s1;
	[tilespmem:s18+$0x100] =	vst v17;
	v17 =	vld.idx.msk [tilespmem:v22+s17+$0x0], $0xffff  }
0x2a5: {  	s10 =	sand.u32 $0x380, s1;
	p2 =	slt.u32 s2, $0x3C;
	s21 =	sor.u32 $0x30, s19;
	v18 =	vld.idx.msk [tilespmem:v21+s17+$0x0], $0xffff;
	[tilespmem:s6+$0x100] =	vst v19  }
0x2a6: {  	s23 =	sor.u32 $0x10, s19;
	s22 =	sor.u32 $0x20, s19;
	v19 =	vor.u32 $0x200, v2;
	s24 =	sor.u32 s21, s10;
	v13 =	vld.idx.msk [tilespmem:v13+s17+$0x0], $0xffff;
	[tilespmem:s4+$0x100] =	vst v20  }
0x2a7: {  	v21 =	vor.u32 $0x200, v1;
	s25 =	sor.u32 s23, s10;
	s10 =	sor.u32 s22, s10;
	v20 =	vld [tilespmem:s24+$0x0];
	[tilespmem:s30+$0x11000] =	vst v14  }
0x2a8: {  	v14 =	vld [tilespmem:s25+$0x0];
	[tilespmem:s13+$0x11000] =	vst v15  }
0x2a9: {  	v15 =	vshll.u32 v23, $0x3;
	v22 =	vld [tilespmem:s10+$0x0];
	[tilespmem:s14+$0x11000] =	vst v16  }
0x2aa: {  	v16 =	vand.u32 $0x7F, v23;
	v15 =	vand.u32 $0xFFFFFC00, v15;
	v12 =	vld.idx.msk [tilespmem:v12+s17+$0x0], $0xffff;
	[tilespmem:s20+$0x180] =	vst v17;
	v17 =	vor.u32 $0x380, v0;
	v0 =	vmovc v1  }
0x2ab: {  	p1 =	por !p1, !p1;
	s10 =	simm.s32 $0x1;
	v1 =	vor.u32 v16, v15;
	[tilespmem:s18+$0x180] =	vst v18;
	v15 =	vld.idx.msk [tilespmem:v19+s17+$0x0], $0xffff  }
0x2ac: {  	s10 =	simm.s32 @!p1 $0x0;
	v16 =	vshll.u32 v20, $0x3;
	v18 =	vld.idx.msk [tilespmem:v21+s17+$0x0], $0xffff;
	[tilespmem:s6+$0x180] =	vst v13  }
0x2ad: {  	v13 =	vand.u32 $0x7F, v20;
	s6 =	sshll.u32 s10, $0x6;
	v16 =	vand.u32 $0xFFFFFC00, v16;
	v19 =	vld.idx.msk [tilespmem:v11+s17+$0x0], $0xffff;
	v11 =	vor.u32 $0x280, v2  }
0x2ae: {  	v20 =	vshll.u32 v14, $0x3;
	s6 =	sadd.s32 s6, s8;
	v21 =	vshll.u32 v22, $0x3;
	v16 =	vor.u32 v13, v16;
	v23 =	vld.idx.msk [tilespmem:v3+s17+$0x0], $0xffff;
	v3 =	vmovc v10  }
0x2af: {  	v10 =	vand.u32 $0x7F, v14;
	v13 =	vand.u32 $0xFFFFFC00, v20;
	s10 =	sadd.s32 $0x10, s6;
	s18 =	sadd.s32 $0x20, s6;
	s24 =	sadd.s32 $0x30, s6;
	v14 =	vand.u32 $0xFFFFFC00, v21;
	v17 =	vld.idx.msk [tilespmem:v17+s17+$0x0], $0xffff  }
0x2b0: {  	v10 =	vor.u32 v10, v13;
	v13 =	vand.u32 $0x7F, v22;
	v21 =	vor.u32 $0x280, v0;
	s14 =	sor.u32 $0x200, s10;
	s13 =	sor.u32 $0x200, s24;
	v20 =	vld.idx.msk [tilespmem:v1+s17+$0x0], $0xffff;
	[tilespmem:s4+$0x180] =	vst v12;
	s4 =	sor.u32 $0x200, s18  }
0x2b1: {  	s20 =	sor.u32 $0x200, s6;
	s29 =	sor.u32 $0x280, s10;
	s28 =	sor.u32 $0x280, s18;
	v22 =	vor.u32 $0x80, v10;
	v24 =	vor.u32 $0x100, v10;
	v14 =	vor.u32 v13, v14;
	v25 =	vld.idx.msk [tilespmem:v9+s17+$0x0], $0xffff;
	[tilespmem:s13+$0x11000] =	vst v15  }
0x2b2: {  	s26 =	sor.u32 $0x280, s6;
	s25 =	sor.u32 $0x300, s10;
	s30 =	sor.u32 $0x300, s18;
	v13 =	vor.u32 $0x180, v10;
	v15 =	vor.u32 $0x80, v14;
	v26 =	vor.u32 $0x100, v14;
	[tilespmem:s20+$0x11000] =	vst v18;
	v18 =	vld.idx.msk [tilespmem:v11+s17+$0x0], $0xffff  }
0x2b3: {  	v12 =	vor.u32 $0x180, v14;
	v9 =	vor.u32 $0x200, v14;
	s13 =	sor.u32 $0x300, s6;
	s6 =	sor.u32 $0x380, s18;
	v11 =	vor.u32 $0x200, v10;
	v27 =	vld.idx.msk [tilespmem:v16+s17+$0x0], $0xffff;
	[tilespmem:s14+$0x11000] =	vst v19;
	s14 =	sor.u32 $0x380, s10  }
0x2b4: {  	v29 =	vor.u32 $0x300, v2;
	v19 =	vor.u32 $0x280, v14;
	v28 =	vld.idx.msk [tilespmem:v8+s17+$0x0], $0xffff;
	v8 =	vor.u32 $0x280, v10;
	[tilespmem:s15+$0x11000] =	vst v23;
	s15 =	smov.u32 s6  }
0x2b5: {  	s8 =	sadd.s32 $0x200, s8;
	v32 =	vor.u32 $0x80, v16;
	v30 =	vor.u32 $0x300, v10;
	v31 =	vor.u32 $0x300, v14;
	v23 =	vld.idx.msk [tilespmem:v10+s17+$0x0], $0xffff;
	[tilespmem:s3+$0x11000] =	vst v17;
	s3 =	smov.u32 s9  }
0x2b6: {  	v33 =	vor.u32 $0x380, v10;
	s6 =	sand.u32 $0x1C00, s8;
	v17 =	vor.u32 $0x80, v1;
	s9 =	sor.u32 s8, s1;
	v10 =	vor.u32 $0x380, v14;
	v34 =	vld.idx.msk [tilespmem:v14+s17+$0x0], $0xffff  }
0x2b7: {  	s10 =	sadd.s32 $0x11000, s6;
	s9 =	sor.u32 $0x380, s9;
	v35 =	vld.idx.msk [tilespmem:v21+s17+$0x0], $0xffff;
	[tilespmem:s4+$0x11000] =	vst v25;
	s4 =	sor.u32 $0x280, s24  }
0x2b8: {  	s18 =	sor.u32 s19, s10;
	s6 =	sor.u32 s23, s10;
	s20 =	sor.u32 s21, s10;
	v14 =	vld.idx.msk [tilespmem:v7+s17+$0x0], $0xffff;
	[tilespmem:s4+$0x11000] =	vst v18;
	v7 =	vmov v19  }
0x2b9: {  	s4 =	sor.u32 s22, s10;
	[tilespmem:s20+$0x0] =	vst v27;
	v18 =	vld.idx.msk [tilespmem:v29+s17+$0x0], $0xffff  }
0x2ba: {  	[tilespmem:s18+$0x0] =	vst v20;
	v19 =	vld.idx.msk [tilespmem:v32+s17+$0x0], $0xffff  }
0x2bb: {  	v20 =	vor.u32 $0x380, v2;
	v2 =	vmov v16;
	v17 =	vld.idx.msk [tilespmem:v17+s17+$0x0], $0xffff;
	[tilespmem:s6+$0x0] =	vst v23  }
0x2bc: {  	v21 =	vor.u32 $0x100, v2;
	v16 =	vld.idx.msk [tilespmem:v22+s17+$0x0], $0xffff;
	[tilespmem:s4+$0x0] =	vst v34  }
0x2bd: {  	v22 =	vor.u32 $0x100, v1;
	v15 =	vld.idx.msk [tilespmem:v15+s17+$0x0], $0xffff;
	[tilespmem:s29+$0x11000] =	vst v28  }
0x2be: {  	s10 =	sor.u32 $0x300, s24;
	v23 =	vld.idx.msk [tilespmem:v6+s17+$0x0], $0xffff;
	[tilespmem:s28+$0x11000] =	vst v14;
	v6 =	vmov v30  }
0x2bf: {  	v14 =	vld.idx.msk [tilespmem:v5+s17+$0x0], $0xffff;
	[tilespmem:s10+$0x11000] =	vst v18;
	v5 =	vmov v31  }
0x2c0: {  	v25 =	vor.u32 $0x300, v0;
	[tilespmem:s20+$0x80] =	vst v19;
	v27 =	vld.idx.msk [tilespmem:v20+s17+$0x0], $0xffff  }
0x2c1: {  	[tilespmem:s18+$0x80] =	vst v17;
	v18 =	vld.idx.msk [tilespmem:v21+s17+$0x0], $0xffff  }
.Ltmp6:
0x2c2: {  	v17 =	vld.idx.msk [tilespmem:v22+s17+$0x0], $0xffff;
	[tilespmem:s6+$0x80] =	vst v16;
	(pc) =	sbr.rel @p2 .LBB2_11-.Ltmp6, $4  }
0x2c3: {  	v22 =	vor.u32 $0x180, v2;
	v19 =	vld.idx.msk [tilespmem:v24+s17+$0x0], $0xffff;
	[tilespmem:s4+$0x80] =	vst v15  }
0x2c4: {  	v21 =	vor.u32 $0x180, v1;
	v20 =	vld.idx.msk [tilespmem:v26+s17+$0x0], $0xffff;
	[tilespmem:s26+$0x11000] =	vst v35  }
0x2c5: {  	s10 =	sor.u32 $0x380, s24;
	v15 =	vld.idx.msk [tilespmem:v25+s17+$0x0], $0xffff;
	[tilespmem:s25+$0x11000] =	vst v23  }
0x2c6: {  	s7 =	sadd.s32 $0x40, s7;
	v16 =	vld.idx.msk [tilespmem:v4+s17+$0x0], $0xffff;
	[tilespmem:s10+$0x11000] =	vst v27;
	v4 =	vmov v33  }
0x2c7: {  	_ =	sdelay $0x2  }
0x2c8: {  	[tilespmem:s20+$0x100] =	vst v18  }
0x2c9: {  	v18 =	vld.idx.msk [tilespmem:v22+s17+$0x0], $0xffff  }
0x2ca: {  	[tilespmem:s6+$0x100] =	vst v19;
	v19 =	vor.u32 $0x200, v2  }
0x2cb: {  	v13 =	vld.idx.msk [tilespmem:v13+s17+$0x0], $0xffff  }
0x2cc: {  	[tilespmem:s18+$0x100] =	vst v17  }
0x2cd: {  	v17 =	vld.idx.msk [tilespmem:v21+s17+$0x0], $0xffff;
	[tilespmem:s4+$0x100] =	vst v20  }
0x2ce: {  	v61 =	vor.u32 $0x200, v1;
	p1 =	por !p1, !p1;
	s1 =	simm.s32 $0x1;
	v12 =	vld.idx.msk [tilespmem:v12+s17+$0x0], $0xffff;
	[tilespmem:s20+$0x180] =	vst v18  }
0x2cf: {  	s1 =	simm.s32 @!p1 $0x0;
	v18 =	vld.idx.msk [tilespmem:v19+s17+$0x0], $0xffff  }
0x2d0: {  	s1 =	sshll.u32 s1, $0x6;
	[tilespmem:s6+$0x180] =	vst v13;
	v13 =	vor.u32 $0x280, v2  }
0x2d1: {  	s1 =	sadd.s32 s1, s8;
	v11 =	vld.idx.msk [tilespmem:v11+s17+$0x0], $0xffff  }
0x2d2: {  	s2 =	sadd.s32 $0x30, s1;
	[tilespmem:s18+$0x180] =	vst v17  }
0x2d3: {  	s18 =	sor.u32 $0x200, s2;
	[tilespmem:s4+$0x180] =	vst v12;
	v12 =	vld.idx.msk [tilespmem:v61+s17+$0x0], $0xffff  }
0x2d4: {  	s10 =	sadd.s32 $0x10, s1;
	v17 =	vor.u32 $0x280, v1;
	v9 =	vld.idx.msk [tilespmem:v9+s17+$0x0], $0xffff;
	[tilespmem:s18+$0x11000] =	vst v18  }
0x2d5: {  	s19 =	sor.u32 $0x200, s10;
	v13 =	vld.idx.msk [tilespmem:v13+s17+$0x0], $0xffff  }
0x2d6: {  	[tilespmem:s19+$0x11000] =	vst v11;
	v11 =	vor.u32 $0x300, v2  }
0x2d7: {  	[tilespmem:s30+$0x11000] =	vst v14;
	s7 =	sadd.s32 $0x20, s1;
	s21 =	sor.u32 $0x200, s1  }
0x2d8: {  	v0 =	vor.u32 $0x380, v0;
	s20 =	sor.u32 $0x200, s7;
	[tilespmem:s21+$0x11000] =	vst v12;
	v8 =	vld.idx.msk [tilespmem:v8+s17+$0x0], $0xffff  }
0x2d9: {  	s22 =	sor.u32 $0x280, s2;
	[tilespmem:s20+$0x11000] =	vst v9;
	v9 =	vld.idx.msk [tilespmem:v17+s17+$0x0], $0xffff  }
0x2da: {  	v12 =	vor.u32 $0x300, v1;
	v7 =	vld.idx.msk [tilespmem:v7+s17+$0x0], $0xffff;
	[tilespmem:s22+$0x11000] =	vst v13  }
0x2db: {  	[tilespmem:s13+$0x11000] =	vst v15;
	v11 =	vld.idx.msk [tilespmem:v11+s17+$0x0], $0xffff  }
0x2dc: {  	v3 =	vld.idx.msk [tilespmem:v3+s17+$0x0], $0xffff;
	[tilespmem:s14+$0x11000] =	vst v16;
	s23 =	sor.u32 $0x280, s10;
	v2 =	vor.u32 $0x380, v2  }
0x2dd: {  	s25 =	sor.u32 $0x280, s1;
	v0 =	vld.idx.msk [tilespmem:v0+s17+$0x0], $0xffff;
	[tilespmem:s23+$0x11000] =	vst v8  }
0x2de: {  	s24 =	sor.u32 $0x280, s7;
	[tilespmem:s25+$0x11000] =	vst v9;
	v6 =	vld.idx.msk [tilespmem:v6+s17+$0x0], $0xffff  }
0x2df: {  	s26 =	sor.u32 $0x300, s2;
	[tilespmem:s24+$0x11000] =	vst v7;
	v7 =	vld.idx.msk [tilespmem:v12+s17+$0x0], $0xffff  }
0x2e0: {  	v1 =	vor.u32 $0x380, v1;
	v5 =	vld.idx.msk [tilespmem:v5+s17+$0x0], $0xffff;
	[tilespmem:s26+$0x11000] =	vst v11  }
0x2e1: {  	[tilespmem:s15+$0x11000] =	vst v3;
	v2 =	vld.idx.msk [tilespmem:v2+s17+$0x0], $0xffff  }
0x2e2: {  	s28 =	sor.u32 $0x300, s10;
	[tilespmem:s3+$0x11000] =	vst v0  }
0x2e3: {  	s1 =	sor.u32 $0x300, s1;
	[tilespmem:s28+$0x11000] =	vst v6  }
0x2e4: {  	s29 =	sor.u32 $0x300, s7;
	[tilespmem:s1+$0x11000] =	vst v7;
	v4 =	vld.idx.msk [tilespmem:v4+s17+$0x0], $0xffff  }
0x2e5: {  	s3 =	sor.u32 $0x380, s2;
	[tilespmem:s29+$0x11000] =	vst v5;
	v1 =	vld.idx.msk [tilespmem:v1+s17+$0x0], $0xffff  }
0x2e6: {  	v5 =	vld.idx.msk [tilespmem:v10+s17+$0x0], $0xffff;
	[tilespmem:s3+$0x11000] =	vst v2  }
0x2e7: {  	s1 =	rddreg [dreg:$0x4]  }
0x2e8: {  	s6 =	sor.u32 $0x380, s10;
	s1 =	sor.u32 s0, s1  }
0x2e9: {  	s13 =	simm.s32 $0x4;
	[tilespmem:s6+$0x11000] =	vst v4;
	s1 =	sshll.u32 s1, $0x9  }
0x2ea: {  	s8 =	sor.u32 $0x380, s7;
	[tilespmem:s9+$0x11000] =	vst v1;
	s9 =	rddreg [dreg:$0x2];
	s1 =	sor.u32 $0x1000, s1  }
0x2eb: {  	s10 =	simm.s32 $0x11000;
	[tilespmem:s8+$0x11000] =	vst v5;
	s2 =	sadd.s32 s9, s1;
	s9 =	simm.s32 $0x0  }
0x2ec: {  	[hbm4b:s2+s9] =	stream.linear.scatter [tilespmem:s10], [sflag:$0x3], $0x2000, $0x38;
	[tilespmem:$0x19000] =	vst v63  }
0x2ed: {  	_ =	swait.ge [sflag:s13], $0x2000  }
0x2ee: {  	[sflag:s13] =	ssyncset.done $0x0  }
0x2ef: {  	s14 =	sand.u32 $0x3C0, s9;
	[sflag:s13] =	ssyncadd.s32 $0xFFFFE000  }
0x2f0: {  	v0 =	vld [tilespmem:s14+$0x400];
	_ =	sdelay $0x4  }
0x2f1: {  	s15 =	simm.s32 $0x430;
	v1 =	vshll.u32 v0, $0x3  }
0x2f2: {  	v2 =	vld [tilespmem:s15+$0xFFFFFFE0];
	v0 =	vand.u32 $0x7F, v0;
	v1 =	vand.u32 $0xFFFFFC00, v1  }
0x2f3: {  	v8 =	vor.u32 v0, v1  }
0x2f4: {  	v0 =	vld [tilespmem:s15+$0xFFFFFFF0]  }
0x2f5: {  	v3 =	vld [tilespmem:s15+$0x0];
	_ =	sdelay $0x1  }
0x2f6: {  	v1 =	vshll.u32 v2, $0x3  }
0x2f7: {  	v2 =	vand.u32 $0x7F, v2;
	v1 =	vand.u32 $0xFFFFFC00, v1;
	v4 =	vld.idx.msk [tilespmem:v8+s17+$0x0], $0xffff  }
0x2f8: {  	v5 =	vor.u32 $0x80, v8;
	v2 =	vor.u32 v2, v1;
	v1 =	vshll.u32 v0, $0x3  }
0x2f9: {  	v6 =	vshll.u32 v3, $0x3;
	v0 =	vand.u32 $0x7F, v0;
	v1 =	vand.u32 $0xFFFFFC00, v1  }
0x2fa: {  	s18 =	sand.u32 $0x40, s9;
	s19 =	sand.u32 $0x1C00, s9;
	v1 =	vor.u32 v0, v1;
	v0 =	vand.u32 $0x7F, v3;
	v3 =	vand.u32 $0xFFFFFC00, v6  }
0x2fb: {  	s2 =	sor.u32 s18, s19;
	v0 =	vor.u32 v0, v3  }
0x2fc: {  	[tilespmem:s2+$0x13000] =	vst v4  }
0x2fd: {  	v3 =	vld.idx.msk [tilespmem:v5+s17+$0x0], $0xffff  }
0x2fe: {  	v4 =	vor.u32 $0x100, v8;
	v5 =	vld.idx.msk [tilespmem:v2+s17+$0x0], $0xffff  }
0x2ff: {  	v7 =	vor.u32 $0x80, v2;
	v6 =	vld.idx.msk [tilespmem:v1+s17+$0x0], $0xffff  }
0x300: {  	v10 =	vor.u32 $0x80, v1;
	v9 =	vld.idx.msk [tilespmem:v0+s17+$0x0], $0xffff  }
0x301: {  	v11 =	vor.u32 $0x80, v0;
	s2 =	sadd.s32 $0x13000, s2  }
0x302: {  	[tilespmem:s2+$0x80] =	vst v3  }
0x303: {  	[tilespmem:s2+$0x10] =	vst v5;
	v3 =	vld.idx.msk [tilespmem:v4+s17+$0x0], $0xffff  }
0x304: {  	v5 =	vor.u32 $0x180, v8;
	v7 =	vld.idx.msk [tilespmem:v7+s17+$0x0], $0xffff;
	[tilespmem:s2+$0x20] =	vst v6  }
0x305: {  	v6 =	vld.idx.msk [tilespmem:v10+s17+$0x0], $0xffff;
	[tilespmem:s2+$0x30] =	vst v9;
	v9 =	vor.u32 $0x100, v2  }
0x306: {  	s20 =	simm.s32 $0x470;
	v10 =	vld.idx.msk [tilespmem:v11+s17+$0x0], $0xffff  }
0x307: {  	v12 =	vld [tilespmem:s20+$0xFFFFFFF0];
	v11 =	vor.u32 $0x100, v1  }
0x308: {  	v4 =	vld [tilespmem:s20+$0xFFFFFFE0];
	[tilespmem:s2+$0x100] =	vst v3;
	v3 =	vor.u32 $0x100, v0  }
0x309: {  	s3 =	simm.s32 $0x40;
	[tilespmem:s2+$0x90] =	vst v7;
	v5 =	vld.idx.msk [tilespmem:v5+s17+$0x0], $0xffff  }
0x30a: {  	s21 =	sand.u32 $0x3C0, s3;
	v7 =	vor.u32 $0x200, v8;
	v9 =	vld.idx.msk [tilespmem:v9+s17+$0x0], $0xffff;
	[tilespmem:s2+$0xA0] =	vst v6  }
0x30b: {  	v13 =	vld [tilespmem:s21+$0x400];
	[tilespmem:s2+$0xB0] =	vst v10;
	v10 =	vor.u32 $0x180, v2  }
0x30c: {  	v6 =	vld.idx.msk [tilespmem:v11+s17+$0x0], $0xffff  }
0x30d: {  	v11 =	vor.u32 $0x180, v1;
	v14 =	vld.idx.msk [tilespmem:v3+s17+$0x0], $0xffff;
	v3 =	vshll.u32 v4, $0x3  }
0x30e: {  	v15 =	vld [tilespmem:s20+$0x0];
	v4 =	vand.u32 $0x7F, v4;
	[tilespmem:s2+$0x180] =	vst v5;
	v5 =	vor.u32 $0x180, v0;
	v3 =	vand.u32 $0xFFFFFC00, v3  }
0x30f: {  	p1 =	por $0x0, $0x0;
	s4 =	simm.s32 $0x1;
	[tilespmem:s2+$0x110] =	vst v9;
	v16 =	vld.idx.msk [tilespmem:v7+s17+$0x0], $0xffff;
	v4 =	vor.u32 v4, v3  }
0x310: {  	s4 =	simm.s32 @!p1 $0x0;
	v9 =	vor.u32 $0x280, v8;
	v7 =	vshll.u32 v13, $0x3;
	v10 =	vld.idx.msk [tilespmem:v10+s17+$0x0], $0xffff  }
0x311: {  	s4 =	sshll.u32 s4, $0x6;
	v3 =	vand.u32 $0x7F, v13;
	[tilespmem:s2+$0x120] =	vst v6;
	v13 =	vor.u32 $0x200, v2;
	v7 =	vand.u32 $0xFFFFFC00, v7  }
0x312: {  	s21 =	sadd.s32 $0x0, s4;
	v11 =	vld.idx.msk [tilespmem:v11+s17+$0x0], $0xffff;
	v3 =	vor.u32 v3, v7;
	[tilespmem:s2+$0x130] =	vst v14  }
0x313: {  	s4 =	sor.u32 $0x200, s21;
	v6 =	vshll.u32 v12, $0x3;
	v14 =	vld.idx.msk [tilespmem:v5+s17+$0x0], $0xffff;
	v5 =	vand.u32 $0x7F, v12;
	v12 =	vor.u32 $0x200, v1  }
0x314: {  	v17 =	vshll.u32 v15, $0x3;
	v6 =	vand.u32 $0xFFFFFC00, v6;
	v7 =	vld.idx.msk [tilespmem:v4+s17+$0x0], $0xffff;
	[tilespmem:s4+$0x13000] =	vst v16;
	v16 =	vor.u32 $0x200, v0  }
0x315: {  	v6 =	vor.u32 v5, v6;
	v5 =	vand.u32 $0x7F, v15;
	v15 =	vand.u32 $0xFFFFFC00, v17;
	[tilespmem:s2+$0x190] =	vst v10;
	v9 =	vld.idx.msk [tilespmem:v9+s17+$0x0], $0xffff  }
0x316: {  	v5 =	vor.u32 v5, v15;
	v17 =	vld.idx.msk [tilespmem:v13+s17+$0x0], $0xffff  }
0x317: {  	[tilespmem:s2+$0x1A0] =	vst v11;
	v15 =	vor.u32 $0x300, v8;
	v10 =	vld.idx.msk [tilespmem:v3+s17+$0x0], $0xffff  }
0x318: {  	v18 =	vor.u32 $0x80, v3;
	v19 =	vld.idx.msk [tilespmem:v12+s17+$0x0], $0xffff;
	[tilespmem:s2+$0x1B0] =	vst v14  }
0x319: {  	s22 =	sand.u32 $0x40, s3;
	s15 =	simm.s32 $0x200;
	v14 =	vor.u32 $0x280, v2;
	v16 =	vld.idx.msk [tilespmem:v16+s17+$0x0], $0xffff  }
0x31a: {  	s6 =	simm.s32 $0x4B0;
	s24 =	sor.u32 $0x280, s21;
	s23 =	sand.u32 $0x1C00, s15;
	v62 =	vor.u32 $0x280, v1;
	v11 =	vld.idx.msk [tilespmem:v6+s17+$0x0], $0xffff  }
0x31b: {  	s25 =	sadd.s32 $0x10, s21;
	s10 =	sadd.s32 $0x20, s21;
	s19 =	sor.u32 s22, s23;
	v63 =	vor.u32 $0x280, v0;
	v12 =	vld.idx.msk [tilespmem:v5+s17+$0x0], $0xffff;
	[tilespmem:s24+$0x13000] =	vst v9  }
0x31c: {  	s29 =	sadd.s32 $0x30, s21;
	s26 =	sor.u32 $0x200, s25;
	s28 =	sor.u32 $0x200, s10;
	[tilespmem:s19+$0x13000] =	vst v10;
	v13 =	vld.idx.msk [tilespmem:v15+s17+$0x0], $0xffff  }
0x31d: {  	s13 =	sor.u32 $0x300, s25;
	s7 =	sor.u32 $0x300, s10;
	s30 =	sor.u32 $0x380, s25;
	[tilespmem:s26+$0x13000] =	vst v17;
	v15 =	vld.idx.msk [tilespmem:v18+s17+$0x0], $0xffff  }
0x31e: {  	s8 =	sor.u32 $0x380, s10;
	s14 =	sor.u32 $0x300, s29;
	s24 =	sor.u32 $0x200, s29;
	v10 =	vld.idx.msk [tilespmem:v14+s17+$0x0], $0xffff;
	[tilespmem:s28+$0x13000] =	vst v19;
	v14 =	vor.u32 $0x380, v8  }
0x31f: {  	s18 =	sor.u32 $0x380, s29;
	s23 =	sor.u32 $0x280, s25;
	s22 =	sor.u32 $0x280, s10;
	v9 =	vld.idx.msk [tilespmem:v62+s17+$0x0], $0xffff;
	[tilespmem:s24+$0x13000] =	vst v16;
	v16 =	vor.u32 $0x100, v3  }
0x320: {  	s20 =	sor.u32 $0x280, s29;
	s4 =	simm.s32 $0x4;
	s2 =	simm.s32 $0x0;
	v17 =	vor.u32 $0x80, v4;
	v8 =	vld.idx.msk [tilespmem:v63+s17+$0x0], $0xffff  }
.LBB2_13:
0x321: {  	v18 =	vld [tilespmem:s6+$0xFFFFFFE0];
	v19 =	vor.u32 $0x80, v6;
	s10 =	sor.u32 $0x300, s21  }
0x322: {  	s19 =	sadd.s32 $0x13000, s19;
	v21 =	vor.u32 $0x80, v5;
	v20 =	vld [tilespmem:s6+$0xFFFFFFF0];
	[tilespmem:s10+$0x13000] =	vst v13  }
0x323: {  	[tilespmem:s19+$0x80] =	vst v15;
	v13 =	vld.idx.msk [tilespmem:v14+s17+$0x0], $0xffff;
	v14 =	vor.u32 $0x300, v2  }
0x324: {  	v15 =	vld.idx.msk [tilespmem:v16+s17+$0x0], $0xffff;
	[tilespmem:s19+$0x10] =	vst v7;
	v7 =	vor.u32 $0x300, v1  }
0x325: {  	v16 =	vld.idx.msk [tilespmem:v17+s17+$0x0], $0xffff;
	[tilespmem:s19+$0x20] =	vst v11  }
0x326: {  	v11 =	vor.u32 $0x180, v3;
	v17 =	vld.idx.msk [tilespmem:v19+s17+$0x0], $0xffff;
	[tilespmem:s19+$0x30] =	vst v12  }
0x327: {  	s10 =	sor.u32 s2, s9;
	s9 =	smov.u32 s3;
	s2 =	smov.u32 s15;
	v12 =	vor.u32 $0x100, v4;
	v19 =	vld.idx.msk [tilespmem:v21+s17+$0x0], $0xffff;
	[tilespmem:s23+$0x13000] =	vst v10  }
0x328: {  	s10 =	sor.u32 $0x380, s10;
	v10 =	vor.u32 $0x100, v6;
	v14 =	vld.idx.msk [tilespmem:v14+s17+$0x0], $0xffff;
	[tilespmem:s22+$0x13000] =	vst v9  }
0x329: {  	[tilespmem:s10+$0x13000] =	vst v13;
	v7 =	vld.idx.msk [tilespmem:v7+s17+$0x0], $0xffff  }
0x32a: {  	v13 =	vor.u32 $0x100, v5;
	v9 =	vld [tilespmem:s6+$0x0];
	[tilespmem:s19+$0x100] =	vst v15  }
0x32b: {  	v15 =	vor.u32 $0x300, v0;
	v11 =	vld.idx.msk [tilespmem:v11+s17+$0x0], $0xffff;
	[tilespmem:s19+$0x90] =	vst v16  }
0x32c: {  	s3 =	sadd.s32 $0x40, s3;
	v16 =	vor.u32 $0x380, v2;
	v2 =	vmov v4;
	v12 =	vld.idx.msk [tilespmem:v12+s17+$0x0], $0xffff;
	[tilespmem:s19+$0xA0] =	vst v17  }
0x32d: {  	s4 =	sadd.s32 $0x4, s4;
	s10 =	sand.u32 $0x3C0, s3;
	v4 =	vor.u32 $0x200, v3;
	v10 =	vld.idx.msk [tilespmem:v10+s17+$0x0], $0xffff;
	[tilespmem:s19+$0xB0] =	vst v19  }
0x32e: {  	p2 =	slt.u32 s4, $0x3C;
	v19 =	vor.u32 $0x180, v2;
	v17 =	vld [tilespmem:s10+$0x400];
	[tilespmem:s20+$0x13000] =	vst v8  }
0x32f: {  	v8 =	vor.u32 $0x180, v6;
	v13 =	vld.idx.msk [tilespmem:v13+s17+$0x0], $0xffff;
	[tilespmem:s13+$0x13000] =	vst v14  }
0x330: {  	[tilespmem:s7+$0x13000] =	vst v7;
	v7 =	vor.u32 $0x380, v1;
	v14 =	vld.idx.msk [tilespmem:v15+s17+$0x0], $0xffff;
	v1 =	vmov v6  }
0x331: {  	v6 =	vshll.u32 v18, $0x3;
	[tilespmem:s19+$0x180] =	vst v11;
	v11 =	vor.u32 $0x180, v5;
	v15 =	vld.idx.msk [tilespmem:v16+s17+$0x0], $0xffff  }
0x332: {  	v16 =	vand.u32 $0x7F, v18;
	v6 =	vand.u32 $0xFFFFFC00, v6;
	v18 =	vld.idx.msk [tilespmem:v4+s17+$0x0], $0xffff;
	[tilespmem:s19+$0x110] =	vst v12;
	v12 =	vor.u32 $0x380, v0;
	v0 =	vmovc v5  }
0x333: {  	p1 =	por !p1, !p1;
	s7 =	simm.s32 $0x1;
	v4 =	vor.u32 v16, v6;
	v5 =	vshll.u32 v17, $0x3;
	v16 =	vld.idx.msk [tilespmem:v19+s17+$0x0], $0xffff;
	[tilespmem:s19+$0x120] =	vst v10  }
0x334: {  	s7 =	simm.s32 @!p1 $0x0;
	v6 =	vand.u32 $0x7F, v17;
	v10 =	vor.u32 $0x280, v3;
	v5 =	vand.u32 $0xFFFFFC00, v5;
	v8 =	vld.idx.msk [tilespmem:v8+s17+$0x0], $0xffff  }
0x335: {  	s7 =	sshll.u32 s7, $0x6;
	v17 =	vor.u32 v6, v5;
	[tilespmem:s19+$0x130] =	vst v13;
	v13 =	vld.idx.msk [tilespmem:v7+s17+$0x0], $0xffff  }
0x336: {  	s21 =	sadd.s32 s7, s15;
	v19 =	vor.u32 $0x200, v2;
	v11 =	vld.idx.msk [tilespmem:v11+s17+$0x0], $0xffff;
	[tilespmem:s14+$0x13000] =	vst v14  }
0x337: {  	s7 =	sor.u32 $0x200, s21;
	s10 =	sadd.s32 $0x10, s21;
	s24 =	sadd.s32 $0x20, s21;
	v5 =	vand.u32 $0x7F, v20;
	v6 =	vshll.u32 v20, $0x3;
	v14 =	vor.u32 $0x200, v1;
	[tilespmem:s30+$0x13000] =	vst v15;
	v12 =	vld.idx.msk [tilespmem:v12+s17+$0x0], $0xffff  }
0x338: {  	s28 =	sadd.s32 $0x30, s21;
	s25 =	sor.u32 $0x200, s10;
	s26 =	sor.u32 $0x200, s24;
	v6 =	vand.u32 $0xFFFFFC00, v6;
	v15 =	vshll.u32 v9, $0x3;
	v7 =	vld.idx.msk [tilespmem:v4+s17+$0x0], $0xffff;
	[tilespmem:s7+$0x13000] =	vst v18;
	v18 =	vor.u32 $0x200, v0  }
0x339: {  	s23 =	sor.u32 $0x280, s10;
	s22 =	sor.u32 $0x280, s24;
	s29 =	sor.u32 $0x200, s28;
	v6 =	vor.u32 v5, v6;
	v5 =	vand.u32 $0x7F, v9;
	v9 =	vand.u32 $0xFFFFFC00, v15;
	v10 =	vld.idx.msk [tilespmem:v10+s17+$0x0], $0xffff;
	[tilespmem:s19+$0x190] =	vst v16  }
0x33a: {  	s13 =	sor.u32 $0x300, s10;
	s20 =	sor.u32 $0x280, s28;
	s7 =	sor.u32 $0x300, s24;
	v5 =	vor.u32 v5, v9;
	v15 =	vld.idx.msk [tilespmem:v17+s17+$0x0], $0xffff;
	[tilespmem:s19+$0x1A0] =	vst v8  }
0x33b: {  	s14 =	sor.u32 $0x300, s28;
	s30 =	sor.u32 $0x380, s10;
	v8 =	vor.u32 $0x300, v3;
	v9 =	vld.idx.msk [tilespmem:v19+s17+$0x0], $0xffff;
	[tilespmem:s8+$0x13000] =	vst v13;
	s8 =	sor.u32 $0x380, s24  }
0x33c: {  	s10 =	sor.u32 $0x380, s28;
	v16 =	vor.u32 $0x80, v17;
	v19 =	vld.idx.msk [tilespmem:v14+s17+$0x0], $0xffff;
	[tilespmem:s19+$0x1B0] =	vst v11  }
0x33d: {  	s15 =	sadd.s32 $0x200, s15;
	v20 =	vor.u32 $0x280, v2;
	v18 =	vld.idx.msk [tilespmem:v18+s17+$0x0], $0xffff;
	[tilespmem:s18+$0x13000] =	vst v12;
	s18 =	smov.u32 s10  }
0x33e: {  	v21 =	vor.u32 $0x280, v1;
	s24 =	sor.u32 $0x280, s21;
	s19 =	sand.u32 $0x1C00, s15;
	s10 =	sand.u32 $0x40, s3;
	v11 =	vld.idx.msk [tilespmem:v6+s17+$0x0], $0xffff  }
0x33f: {  	v22 =	vor.u32 $0x280, v0;
	s19 =	sor.u32 s10, s19;
	v12 =	vld.idx.msk [tilespmem:v5+s17+$0x0], $0xffff;
	[tilespmem:s24+$0x13000] =	vst v10  }
.Ltmp7:
0x340: {  	[tilespmem:s19+$0x13000] =	vst v15;
	v13 =	vld.idx.msk [tilespmem:v8+s17+$0x0], $0xffff;
	(pc) =	sbr.rel @p2 .LBB2_13-.Ltmp7, $4  }
0x341: {  	v15 =	vld.idx.msk [tilespmem:v16+s17+$0x0], $0xffff;
	[tilespmem:s25+$0x13000] =	vst v9  }
0x342: {  	v14 =	vor.u32 $0x380, v3;
	v3 =	vmov v17;
	v10 =	vld.idx.msk [tilespmem:v20+s17+$0x0], $0xffff;
	[tilespmem:s26+$0x13000] =	vst v19  }
0x343: {  	v16 =	vor.u32 $0x100, v3;
	v9 =	vld.idx.msk [tilespmem:v21+s17+$0x0], $0xffff;
	[tilespmem:s29+$0x13000] =	vst v18  }
0x344: {  	s6 =	sadd.s32 $0x40, s6;
	v17 =	vor.u32 $0x80, v4;
	v8 =	vld.idx.msk [tilespmem:v22+s17+$0x0], $0xffff  }
0x345: {  	v18 =	vor.u32 $0x80, v6  }
0x346: {  	v19 =	vor.u32 $0x80, v5  }
0x347: {  	s4 =	sadd.s32 $0x13000, s19  }
0x348: {  	[tilespmem:s4+$0x10] =	vst v7  }
0x349: {  	[tilespmem:s4+$0x20] =	vst v11;
	v7 =	vld.idx.msk [tilespmem:v17+s17+$0x0], $0xffff  }
0x34a: {  	[tilespmem:s4+$0x30] =	vst v12;
	v12 =	vor.u32 $0x100, v4;
	v11 =	vld.idx.msk [tilespmem:v18+s17+$0x0], $0xffff  }
0x34b: {  	v17 =	vld.idx.msk [tilespmem:v19+s17+$0x0], $0xffff;
	v18 =	vor.u32 $0x100, v6  }
0x34c: {  	v19 =	vor.u32 $0x100, v5  }
0x34d: {  	[tilespmem:s4+$0x80] =	vst v15  }
0x34e: {  	v15 =	vld.idx.msk [tilespmem:v16+s17+$0x0], $0xffff;
	[tilespmem:s4+$0x90] =	vst v7  }
0x34f: {  	v7 =	vor.u32 $0x180, v3;
	v12 =	vld.idx.msk [tilespmem:v12+s17+$0x0], $0xffff;
	[tilespmem:s4+$0xA0] =	vst v11  }
0x350: {  	v16 =	vor.u32 $0x180, v4;
	[tilespmem:s4+$0xB0] =	vst v17;
	v11 =	vld.idx.msk [tilespmem:v18+s17+$0x0], $0xffff  }
0x351: {  	s6 =	sor.u32 $0x300, s21;
	v17 =	vor.u32 $0x180, v6;
	v18 =	vld.idx.msk [tilespmem:v19+s17+$0x0], $0xffff  }
0x352: {  	[tilespmem:s6+$0x13000] =	vst v13;
	v13 =	vor.u32 $0x180, v5  }
0x353: {  	[tilespmem:s4+$0x100] =	vst v15  }
0x354: {  	v7 =	vld.idx.msk [tilespmem:v7+s17+$0x0], $0xffff;
	[tilespmem:s4+$0x110] =	vst v12  }
0x355: {  	v12 =	vor.u32 $0x200, v3;
	v15 =	vld.idx.msk [tilespmem:v16+s17+$0x0], $0xffff;
	[tilespmem:s4+$0x120] =	vst v11  }
0x356: {  	v16 =	vor.u32 $0x200, v4;
	[tilespmem:s4+$0x130] =	vst v18;
	v11 =	vld.idx.msk [tilespmem:v17+s17+$0x0], $0xffff  }
0x357: {  	[tilespmem:s23+$0x13000] =	vst v10;
	v10 =	vld.idx.msk [tilespmem:v13+s17+$0x0], $0xffff;
	v13 =	vor.u32 $0x200, v6  }
0x358: {  	v14 =	vld.idx.msk [tilespmem:v14+s17+$0x0], $0xffff;
	[tilespmem:s22+$0x13000] =	vst v9;
	v9 =	vor.u32 $0x200, v5  }
0x359: {  	v17 =	vor.u32 $0x300, v2;
	[tilespmem:s4+$0x180] =	vst v7  }
0x35a: {  	p1 =	por !p1, !p1;
	s6 =	simm.s32 $0x1;
	v7 =	vor.u32 $0x300, v1;
	v12 =	vld.idx.msk [tilespmem:v12+s17+$0x0], $0xffff;
	[tilespmem:s4+$0x190] =	vst v15  }
0x35b: {  	s2 =	sor.u32 s2, s9;
	s6 =	simm.s32 @!p1 $0x0;
	v15 =	vor.u32 $0x280, v3;
	[tilespmem:s4+$0x1A0] =	vst v11;
	v11 =	vld.idx.msk [tilespmem:v16+s17+$0x0], $0xffff  }
0x35c: {  	s2 =	sor.u32 $0x380, s2;
	s6 =	sshll.u32 s6, $0x6;
	[tilespmem:s4+$0x1B0] =	vst v10;
	v10 =	vor.u32 $0x280, v4;
	v13 =	vld.idx.msk [tilespmem:v13+s17+$0x0], $0xffff  }
0x35d: {  	s23 =	sadd.s32 s6, s15;
	[tilespmem:s2+$0x13000] =	vst v14;
	v14 =	vor.u32 $0x280, v6;
	v9 =	vld.idx.msk [tilespmem:v9+s17+$0x0], $0xffff  }
0x35e: {  	[tilespmem:s20+$0x13000] =	vst v8;
	v8 =	vor.u32 $0x280, v5;
	s6 =	sor.u32 $0x200, s23;
	s24 =	sadd.s32 $0x10, s23;
	v16 =	vld.idx.msk [tilespmem:v17+s17+$0x0], $0xffff  }
0x35f: {  	s25 =	sadd.s32 $0x20, s23;
	s26 =	sor.u32 $0x200, s24;
	v7 =	vld.idx.msk [tilespmem:v7+s17+$0x0], $0xffff;
	v17 =	vor.u32 $0x300, v0;
	[tilespmem:s6+$0x13000] =	vst v12  }
0x360: {  	s28 =	sadd.s32 $0x30, s23;
	s10 =	sor.u32 $0x200, s25;
	v2 =	vor.u32 $0x380, v2;
	v12 =	vld.idx.msk [tilespmem:v15+s17+$0x0], $0xffff;
	[tilespmem:s26+$0x13000] =	vst v11  }
0x361: {  	s29 =	sor.u32 $0x200, s28;
	v11 =	vor.u32 $0x300, v3;
	v10 =	vld.idx.msk [tilespmem:v10+s17+$0x0], $0xffff;
	[tilespmem:s10+$0x13000] =	vst v13  }
0x362: {  	[tilespmem:s29+$0x13000] =	vst v9;
	v9 =	vor.u32 $0x300, v4;
	v13 =	vld.idx.msk [tilespmem:v14+s17+$0x0], $0xffff  }
0x363: {  	[tilespmem:s13+$0x13000] =	vst v16;
	v8 =	vld.idx.msk [tilespmem:v8+s17+$0x0], $0xffff;
	v14 =	vor.u32 $0x300, v6  }
0x364: {  	v15 =	vor.u32 $0x300, v5;
	[tilespmem:s7+$0x13000] =	vst v7;
	v7 =	vld.idx.msk [tilespmem:v17+s17+$0x0], $0xffff;
	s7 =	sor.u32 $0x280, s23  }
0x365: {  	v1 =	vor.u32 $0x380, v1;
	v2 =	vld.idx.msk [tilespmem:v2+s17+$0x0], $0xffff;
	s10 =	sor.u32 $0x280, s24;
	[tilespmem:s7+$0x13000] =	vst v12  }
0x366: {  	v0 =	vor.u32 $0x380, v0;
	s13 =	sor.u32 $0x280, s25;
	v11 =	vld.idx.msk [tilespmem:v11+s17+$0x0], $0xffff;
	[tilespmem:s10+$0x13000] =	vst v10  }
0x367: {  	s20 =	sor.u32 $0x280, s28;
	v3 =	vor.u32 $0x380, v3;
	v9 =	vld.idx.msk [tilespmem:v9+s17+$0x0], $0xffff;
	[tilespmem:s13+$0x13000] =	vst v13  }
0x368: {  	v4 =	vor.u32 $0x380, v4;
	[tilespmem:s20+$0x13000] =	vst v8;
	v10 =	vld.idx.msk [tilespmem:v14+s17+$0x0], $0xffff  }
0x369: {  	v6 =	vor.u32 $0x380, v6;
	[tilespmem:s14+$0x13000] =	vst v7;
	v7 =	vld.idx.msk [tilespmem:v15+s17+$0x0], $0xffff  }
0x36a: {  	s4 =	sor.u32 $0x300, s23;
	v1 =	vld.idx.msk [tilespmem:v1+s17+$0x0], $0xffff;
	[tilespmem:s30+$0x13000] =	vst v2;
	v2 =	vor.u32 $0x380, v5  }
0x36b: {  	s21 =	sor.u32 $0x300, s24;
	v0 =	vld.idx.msk [tilespmem:v0+s17+$0x0], $0xffff;
	[tilespmem:s4+$0x13000] =	vst v11  }
0x36c: {  	s22 =	sor.u32 $0x300, s25;
	v3 =	vld.idx.msk [tilespmem:v3+s17+$0x0], $0xffff;
	[tilespmem:s21+$0x13000] =	vst v9  }
0x36d: {  	s23 =	sor.u32 $0x300, s28;
	[tilespmem:s22+$0x13000] =	vst v10;
	v4 =	vld.idx.msk [tilespmem:v4+s17+$0x0], $0xffff  }
0x36e: {  	[tilespmem:s23+$0x13000] =	vst v7;
	v5 =	vld.idx.msk [tilespmem:v6+s17+$0x0], $0xffff  }
0x36f: {  	s3 =	sor.u32 s15, s3;
	[tilespmem:s8+$0x13000] =	vst v1;
	v1 =	vld.idx.msk [tilespmem:v2+s17+$0x0], $0xffff  }
0x370: {  	s3 =	sor.u32 $0x380, s3;
	[tilespmem:s18+$0x13000] =	vst v0  }
0x371: {  	s2 =	sor.u32 $0x380, s24;
	[tilespmem:s3+$0x13000] =	vst v3  }
0x372: {  	s24 =	sor.u32 $0x380, s25;
	[tilespmem:s2+$0x13000] =	vst v4  }
0x373: {  	s25 =	sor.u32 $0x380, s28;
	[tilespmem:s24+$0x13000] =	vst v5  }
0x374: {  	[tilespmem:s25+$0x13000] =	vst v1  }
0x375: {  	s9 =	simm.s32 $0x0;
	s2 =	rddreg [dreg:$0x8]  }
0x376: {  	s26 =	simm.s32 $0x13000;
	s28 =	simm.s32 $0x5;
	s2 =	sadd.s32 s1, s2  }
0x377: {  	[hbm4b:s2+s9] =	stream.linear.scatter [tilespmem:s26], [sflag:$0x4], $0x2000, $0x38;
	[tilespmem:$0x19000] =	vst v63  }
0x378: {  	_ =	swait.ge [sflag:s28], $0x2000  }
0x379: {  	[sflag:s28] =	ssyncset.done $0x0  }
0x37a: {  	s29 =	sand.u32 $0x3C0, s9;
	[sflag:s28] =	ssyncadd.s32 $0xFFFFE000  }
0x37b: {  	v0 =	vld [tilespmem:s29+$0x800];
	_ =	sdelay $0x4  }
0x37c: {  	s3 =	simm.s32 $0x830;
	v1 =	vshll.u32 v0, $0x3  }
0x37d: {  	v2 =	vld [tilespmem:s3+$0xFFFFFFE0];
	v0 =	vand.u32 $0x7F, v0;
	v1 =	vand.u32 $0xFFFFFC00, v1  }
0x37e: {  	v8 =	vor.u32 v0, v1  }
0x37f: {  	v0 =	vld [tilespmem:s3+$0xFFFFFFF0]  }
0x380: {  	v3 =	vld [tilespmem:s3+$0x0];
	_ =	sdelay $0x1  }
0x381: {  	v1 =	vshll.u32 v2, $0x3  }
0x382: {  	v2 =	vand.u32 $0x7F, v2;
	v1 =	vand.u32 $0xFFFFFC00, v1;
	v4 =	vld.idx.msk [tilespmem:v8+s17+$0x0], $0xffff  }
0x383: {  	v5 =	vor.u32 $0x80, v8;
	v2 =	vor.u32 v2, v1;
	v1 =	vshll.u32 v0, $0x3  }
0x384: {  	v6 =	vshll.u32 v3, $0x3;
	v0 =	vand.u32 $0x7F, v0;
	v1 =	vand.u32 $0xFFFFFC00, v1  }
0x385: {  	s6 =	sand.u32 $0x1C00, s9;
	s4 =	sand.u32 $0x40, s9;
	v1 =	vor.u32 v0, v1;
	v0 =	vand.u32 $0x7F, v3;
	v3 =	vand.u32 $0xFFFFFC00, v6  }
0x386: {  	s2 =	sor.u32 s4, s6;
	v0 =	vor.u32 v0, v3  }
0x387: {  	[tilespmem:s2+$0x15000] =	vst v4  }
0x388: {  	v3 =	vld.idx.msk [tilespmem:v5+s17+$0x0], $0xffff  }
0x389: {  	v4 =	vor.u32 $0x100, v8;
	v5 =	vld.idx.msk [tilespmem:v2+s17+$0x0], $0xffff  }
0x38a: {  	v7 =	vor.u32 $0x80, v2;
	v6 =	vld.idx.msk [tilespmem:v1+s17+$0x0], $0xffff  }
0x38b: {  	v10 =	vor.u32 $0x80, v1;
	v9 =	vld.idx.msk [tilespmem:v0+s17+$0x0], $0xffff  }
0x38c: {  	v11 =	vor.u32 $0x80, v0;
	s2 =	sadd.s32 $0x15000, s2  }
0x38d: {  	[tilespmem:s2+$0x80] =	vst v3  }
0x38e: {  	[tilespmem:s2+$0x10] =	vst v5;
	v3 =	vld.idx.msk [tilespmem:v4+s17+$0x0], $0xffff  }
0x38f: {  	v5 =	vor.u32 $0x180, v8;
	v7 =	vld.idx.msk [tilespmem:v7+s17+$0x0], $0xffff;
	[tilespmem:s2+$0x20] =	vst v6  }
0x390: {  	v6 =	vld.idx.msk [tilespmem:v10+s17+$0x0], $0xffff;
	[tilespmem:s2+$0x30] =	vst v9;
	v9 =	vor.u32 $0x100, v2  }
0x391: {  	s7 =	simm.s32 $0x870;
	v10 =	vld.idx.msk [tilespmem:v11+s17+$0x0], $0xffff  }
0x392: {  	v12 =	vld [tilespmem:s7+$0xFFFFFFF0];
	v11 =	vor.u32 $0x100, v1  }
0x393: {  	v4 =	vld [tilespmem:s7+$0xFFFFFFE0];
	[tilespmem:s2+$0x100] =	vst v3;
	v3 =	vor.u32 $0x100, v0  }
0x394: {  	s3 =	simm.s32 $0x40;
	[tilespmem:s2+$0x90] =	vst v7;
	v5 =	vld.idx.msk [tilespmem:v5+s17+$0x0], $0xffff  }
0x395: {  	s8 =	sand.u32 $0x3C0, s3;
	v7 =	vor.u32 $0x200, v8;
	v9 =	vld.idx.msk [tilespmem:v9+s17+$0x0], $0xffff;
	[tilespmem:s2+$0xA0] =	vst v6  }
0x396: {  	v13 =	vld [tilespmem:s8+$0x800];
	[tilespmem:s2+$0xB0] =	vst v10;
	v10 =	vor.u32 $0x180, v2  }
0x397: {  	v6 =	vld.idx.msk [tilespmem:v11+s17+$0x0], $0xffff  }
0x398: {  	v11 =	vor.u32 $0x180, v1;
	v14 =	vld.idx.msk [tilespmem:v3+s17+$0x0], $0xffff;
	v3 =	vshll.u32 v4, $0x3  }
0x399: {  	v15 =	vld [tilespmem:s7+$0x0];
	v4 =	vand.u32 $0x7F, v4;
	[tilespmem:s2+$0x180] =	vst v5;
	v5 =	vor.u32 $0x180, v0;
	v3 =	vand.u32 $0xFFFFFC00, v3  }
0x39a: {  	p1 =	por $0x0, $0x0;
	s4 =	simm.s32 $0x1;
	[tilespmem:s2+$0x110] =	vst v9;
	v16 =	vld.idx.msk [tilespmem:v7+s17+$0x0], $0xffff;
	v4 =	vor.u32 v4, v3  }
0x39b: {  	s4 =	simm.s32 @!p1 $0x0;
	v9 =	vor.u32 $0x280, v8;
	v7 =	vshll.u32 v13, $0x3;
	v10 =	vld.idx.msk [tilespmem:v10+s17+$0x0], $0xffff  }
0x39c: {  	s4 =	sshll.u32 s4, $0x6;
	v3 =	vand.u32 $0x7F, v13;
	[tilespmem:s2+$0x120] =	vst v6;
	v13 =	vor.u32 $0x200, v2;
	v7 =	vand.u32 $0xFFFFFC00, v7  }
0x39d: {  	s21 =	sadd.s32 $0x0, s4;
	v11 =	vld.idx.msk [tilespmem:v11+s17+$0x0], $0xffff;
	v3 =	vor.u32 v3, v7;
	[tilespmem:s2+$0x130] =	vst v14  }
0x39e: {  	s4 =	sor.u32 $0x200, s21;
	v6 =	vshll.u32 v12, $0x3;
	v14 =	vld.idx.msk [tilespmem:v5+s17+$0x0], $0xffff;
	v5 =	vand.u32 $0x7F, v12;
	v12 =	vor.u32 $0x200, v1  }
0x39f: {  	v17 =	vshll.u32 v15, $0x3;
	v6 =	vand.u32 $0xFFFFFC00, v6;
	v7 =	vld.idx.msk [tilespmem:v4+s17+$0x0], $0xffff;
	[tilespmem:s4+$0x15000] =	vst v16;
	v16 =	vor.u32 $0x200, v0  }
0x3a0: {  	v6 =	vor.u32 v5, v6;
	v5 =	vand.u32 $0x7F, v15;
	v15 =	vand.u32 $0xFFFFFC00, v17;
	[tilespmem:s2+$0x190] =	vst v10;
	v9 =	vld.idx.msk [tilespmem:v9+s17+$0x0], $0xffff  }
0x3a1: {  	v5 =	vor.u32 v5, v15;
	v17 =	vld.idx.msk [tilespmem:v13+s17+$0x0], $0xffff  }
0x3a2: {  	[tilespmem:s2+$0x1A0] =	vst v11;
	v15 =	vor.u32 $0x300, v8;
	v10 =	vld.idx.msk [tilespmem:v3+s17+$0x0], $0xffff  }
0x3a3: {  	s15 =	simm.s32 $0x200;
	v18 =	vor.u32 $0x80, v3;
	v19 =	vld.idx.msk [tilespmem:v12+s17+$0x0], $0xffff;
	[tilespmem:s2+$0x1B0] =	vst v14  }
0x3a4: {  	s13 =	sand.u32 $0x1C00, s15;
	v14 =	vor.u32 $0x280, v2;
	v16 =	vld.idx.msk [tilespmem:v16+s17+$0x0], $0xffff  }
0x3a5: {  	s6 =	simm.s32 $0x8B0;
	s14 =	sor.u32 $0x280, s21;
	s10 =	sand.u32 $0x40, s3;
	v20 =	vor.u32 $0x280, v1;
	v11 =	vld.idx.msk [tilespmem:v6+s17+$0x0], $0xffff  }
0x3a6: {  	s18 =	sadd.s32 $0x10, s21;
	s25 =	sadd.s32 $0x20, s21;
	s19 =	sor.u32 s10, s13;
	v21 =	vor.u32 $0x280, v0;
	v12 =	vld.idx.msk [tilespmem:v5+s17+$0x0], $0xffff;
	[tilespmem:s14+$0x15000] =	vst v9  }
0x3a7: {  	s29 =	sadd.s32 $0x30, s21;
	s26 =	sor.u32 $0x200, s18;
	s28 =	sor.u32 $0x200, s25;
	[tilespmem:s19+$0x15000] =	vst v10;
	v13 =	vld.idx.msk [tilespmem:v15+s17+$0x0], $0xffff  }
0x3a8: {  	s23 =	sor.u32 $0x280, s18;
	s22 =	sor.u32 $0x280, s25;
	s24 =	sor.u32 $0x200, s29;
	[tilespmem:s26+$0x15000] =	vst v17;
	v15 =	vld.idx.msk [tilespmem:v18+s17+$0x0], $0xffff  }
0x3a9: {  	s20 =	sor.u32 $0x280, s29;
	s30 =	sor.u32 $0x380, s18;
	s13 =	sor.u32 $0x300, s18;
	v10 =	vld.idx.msk [tilespmem:v14+s17+$0x0], $0xffff;
	[tilespmem:s28+$0x15000] =	vst v19;
	v14 =	vor.u32 $0x380, v8  }
0x3aa: {  	s8 =	sor.u32 $0x380, s25;
	s18 =	sor.u32 $0x380, s29;
	s7 =	sor.u32 $0x300, s25;
	v9 =	vld.idx.msk [tilespmem:v20+s17+$0x0], $0xffff;
	[tilespmem:s24+$0x15000] =	vst v16;
	v16 =	vor.u32 $0x100, v3  }
0x3ab: {  	s4 =	simm.s32 $0x4;
	s2 =	simm.s32 $0x0;
	s14 =	sor.u32 $0x300, s29;
	v17 =	vor.u32 $0x80, v4;
	v8 =	vld.idx.msk [tilespmem:v21+s17+$0x0], $0xffff  }
.LBB2_15:
0x3ac: {  	v18 =	vld [tilespmem:s6+$0xFFFFFFE0];
	v19 =	vor.u32 $0x80, v6;
	s10 =	sor.u32 $0x300, s21  }
0x3ad: {  	s19 =	sadd.s32 $0x15000, s19;
	v21 =	vor.u32 $0x80, v5;
	v20 =	vld [tilespmem:s6+$0xFFFFFFF0];
	[tilespmem:s10+$0x15000] =	vst v13  }
0x3ae: {  	[tilespmem:s19+$0x80] =	vst v15;
	v13 =	vld.idx.msk [tilespmem:v14+s17+$0x0], $0xffff;
	v14 =	vor.u32 $0x300, v2  }
0x3af: {  	v15 =	vld.idx.msk [tilespmem:v16+s17+$0x0], $0xffff;
	[tilespmem:s19+$0x10] =	vst v7;
	v7 =	vor.u32 $0x300, v1  }
0x3b0: {  	v16 =	vld.idx.msk [tilespmem:v17+s17+$0x0], $0xffff;
	[tilespmem:s19+$0x20] =	vst v11  }
0x3b1: {  	v11 =	vor.u32 $0x180, v3;
	v17 =	vld.idx.msk [tilespmem:v19+s17+$0x0], $0xffff;
	[tilespmem:s19+$0x30] =	vst v12  }
0x3b2: {  	s10 =	sor.u32 s2, s9;
	s9 =	smov.u32 s3;
	s2 =	smov.u32 s15;
	v12 =	vor.u32 $0x100, v4;
	v19 =	vld.idx.msk [tilespmem:v21+s17+$0x0], $0xffff;
	[tilespmem:s23+$0x15000] =	vst v10  }
0x3b3: {  	s10 =	sor.u32 $0x380, s10;
	v10 =	vor.u32 $0x100, v6;
	v14 =	vld.idx.msk [tilespmem:v14+s17+$0x0], $0xffff;
	[tilespmem:s22+$0x15000] =	vst v9  }
0x3b4: {  	[tilespmem:s10+$0x15000] =	vst v13;
	v7 =	vld.idx.msk [tilespmem:v7+s17+$0x0], $0xffff  }
0x3b5: {  	v13 =	vor.u32 $0x100, v5;
	v9 =	vld [tilespmem:s6+$0x0];
	[tilespmem:s19+$0x100] =	vst v15  }
0x3b6: {  	v15 =	vor.u32 $0x300, v0;
	v11 =	vld.idx.msk [tilespmem:v11+s17+$0x0], $0xffff;
	[tilespmem:s19+$0x90] =	vst v16  }
0x3b7: {  	s3 =	sadd.s32 $0x40, s3;
	v16 =	vor.u32 $0x380, v2;
	v2 =	vmov v4;
	v12 =	vld.idx.msk [tilespmem:v12+s17+$0x0], $0xffff;
	[tilespmem:s19+$0xA0] =	vst v17  }
0x3b8: {  	s4 =	sadd.s32 $0x4, s4;
	s10 =	sand.u32 $0x3C0, s3;
	v4 =	vor.u32 $0x200, v3;
	v10 =	vld.idx.msk [tilespmem:v10+s17+$0x0], $0xffff;
	[tilespmem:s19+$0xB0] =	vst v19  }
0x3b9: {  	p2 =	slt.u32 s4, $0x3C;
	v19 =	vor.u32 $0x180, v2;
	v17 =	vld [tilespmem:s10+$0x800];
	[tilespmem:s20+$0x15000] =	vst v8  }
0x3ba: {  	v8 =	vor.u32 $0x180, v6;
	v13 =	vld.idx.msk [tilespmem:v13+s17+$0x0], $0xffff;
	[tilespmem:s13+$0x15000] =	vst v14  }
0x3bb: {  	[tilespmem:s7+$0x15000] =	vst v7;
	v7 =	vor.u32 $0x380, v1;
	v14 =	vld.idx.msk [tilespmem:v15+s17+$0x0], $0xffff;
	v1 =	vmov v6  }
0x3bc: {  	v6 =	vshll.u32 v18, $0x3;
	[tilespmem:s19+$0x180] =	vst v11;
	v11 =	vor.u32 $0x180, v5;
	v15 =	vld.idx.msk [tilespmem:v16+s17+$0x0], $0xffff  }
0x3bd: {  	v16 =	vand.u32 $0x7F, v18;
	v6 =	vand.u32 $0xFFFFFC00, v6;
	v18 =	vld.idx.msk [tilespmem:v4+s17+$0x0], $0xffff;
	[tilespmem:s19+$0x110] =	vst v12;
	v12 =	vor.u32 $0x380, v0;
	v0 =	vmovc v5  }
0x3be: {  	p1 =	por !p1, !p1;
	s7 =	simm.s32 $0x1;
	v4 =	vor.u32 v16, v6;
	v5 =	vshll.u32 v17, $0x3;
	v16 =	vld.idx.msk [tilespmem:v19+s17+$0x0], $0xffff;
	[tilespmem:s19+$0x120] =	vst v10  }
0x3bf: {  	s7 =	simm.s32 @!p1 $0x0;
	v6 =	vand.u32 $0x7F, v17;
	v10 =	vor.u32 $0x280, v3;
	v5 =	vand.u32 $0xFFFFFC00, v5;
	v8 =	vld.idx.msk [tilespmem:v8+s17+$0x0], $0xffff  }
0x3c0: {  	s7 =	sshll.u32 s7, $0x6;
	v17 =	vor.u32 v6, v5;
	[tilespmem:s19+$0x130] =	vst v13;
	v13 =	vld.idx.msk [tilespmem:v7+s17+$0x0], $0xffff  }
0x3c1: {  	s21 =	sadd.s32 s7, s15;
	v19 =	vor.u32 $0x200, v2;
	v11 =	vld.idx.msk [tilespmem:v11+s17+$0x0], $0xffff;
	[tilespmem:s14+$0x15000] =	vst v14  }
0x3c2: {  	s7 =	sor.u32 $0x200, s21;
	s10 =	sadd.s32 $0x10, s21;
	s24 =	sadd.s32 $0x20, s21;
	v5 =	vand.u32 $0x7F, v20;
	v6 =	vshll.u32 v20, $0x3;
	v14 =	vor.u32 $0x200, v1;
	[tilespmem:s30+$0x15000] =	vst v15;
	v12 =	vld.idx.msk [tilespmem:v12+s17+$0x0], $0xffff  }
0x3c3: {  	s28 =	sadd.s32 $0x30, s21;
	s25 =	sor.u32 $0x200, s10;
	s26 =	sor.u32 $0x200, s24;
	v6 =	vand.u32 $0xFFFFFC00, v6;
	v15 =	vshll.u32 v9, $0x3;
	v7 =	vld.idx.msk [tilespmem:v4+s17+$0x0], $0xffff;
	[tilespmem:s7+$0x15000] =	vst v18;
	v18 =	vor.u32 $0x200, v0  }
0x3c4: {  	s23 =	sor.u32 $0x280, s10;
	s22 =	sor.u32 $0x280, s24;
	s29 =	sor.u32 $0x200, s28;
	v6 =	vor.u32 v5, v6;
	v5 =	vand.u32 $0x7F, v9;
	v9 =	vand.u32 $0xFFFFFC00, v15;
	v10 =	vld.idx.msk [tilespmem:v10+s17+$0x0], $0xffff;
	[tilespmem:s19+$0x190] =	vst v16  }
0x3c5: {  	s13 =	sor.u32 $0x300, s10;
	s20 =	sor.u32 $0x280, s28;
	s7 =	sor.u32 $0x300, s24;
	v5 =	vor.u32 v5, v9;
	v15 =	vld.idx.msk [tilespmem:v17+s17+$0x0], $0xffff;
	[tilespmem:s19+$0x1A0] =	vst v8  }
0x3c6: {  	s14 =	sor.u32 $0x300, s28;
	s30 =	sor.u32 $0x380, s10;
	v8 =	vor.u32 $0x300, v3;
	v9 =	vld.idx.msk [tilespmem:v19+s17+$0x0], $0xffff;
	[tilespmem:s8+$0x15000] =	vst v13;
	s8 =	sor.u32 $0x380, s24  }
0x3c7: {  	s10 =	sor.u32 $0x380, s28;
	v16 =	vor.u32 $0x80, v17;
	v19 =	vld.idx.msk [tilespmem:v14+s17+$0x0], $0xffff;
	[tilespmem:s19+$0x1B0] =	vst v11  }
0x3c8: {  	s15 =	sadd.s32 $0x200, s15;
	v20 =	vor.u32 $0x280, v2;
	v18 =	vld.idx.msk [tilespmem:v18+s17+$0x0], $0xffff;
	[tilespmem:s18+$0x15000] =	vst v12;
	s18 =	smov.u32 s10  }
0x3c9: {  	v21 =	vor.u32 $0x280, v1;
	s24 =	sor.u32 $0x280, s21;
	s19 =	sand.u32 $0x1C00, s15;
	s10 =	sand.u32 $0x40, s3;
	v11 =	vld.idx.msk [tilespmem:v6+s17+$0x0], $0xffff  }
0x3ca: {  	v22 =	vor.u32 $0x280, v0;
	s19 =	sor.u32 s10, s19;
	v12 =	vld.idx.msk [tilespmem:v5+s17+$0x0], $0xffff;
	[tilespmem:s24+$0x15000] =	vst v10  }
.Ltmp8:
0x3cb: {  	[tilespmem:s19+$0x15000] =	vst v15;
	v13 =	vld.idx.msk [tilespmem:v8+s17+$0x0], $0xffff;
	(pc) =	sbr.rel @p2 .LBB2_15-.Ltmp8, $4  }
0x3cc: {  	v15 =	vld.idx.msk [tilespmem:v16+s17+$0x0], $0xffff;
	[tilespmem:s25+$0x15000] =	vst v9  }
0x3cd: {  	v14 =	vor.u32 $0x380, v3;
	v3 =	vmov v17;
	v10 =	vld.idx.msk [tilespmem:v20+s17+$0x0], $0xffff;
	[tilespmem:s26+$0x15000] =	vst v19  }
0x3ce: {  	v16 =	vor.u32 $0x100, v3;
	v9 =	vld.idx.msk [tilespmem:v21+s17+$0x0], $0xffff;
	[tilespmem:s29+$0x15000] =	vst v18  }
0x3cf: {  	s6 =	sadd.s32 $0x40, s6;
	v17 =	vor.u32 $0x80, v4;
	v8 =	vld.idx.msk [tilespmem:v22+s17+$0x0], $0xffff  }
0x3d0: {  	v18 =	vor.u32 $0x80, v6  }
0x3d1: {  	v19 =	vor.u32 $0x80, v5  }
0x3d2: {  	s4 =	sadd.s32 $0x15000, s19  }
0x3d3: {  	[tilespmem:s4+$0x10] =	vst v7  }
0x3d4: {  	[tilespmem:s4+$0x20] =	vst v11;
	v7 =	vld.idx.msk [tilespmem:v17+s17+$0x0], $0xffff  }
0x3d5: {  	[tilespmem:s4+$0x30] =	vst v12;
	v12 =	vor.u32 $0x100, v4;
	v11 =	vld.idx.msk [tilespmem:v18+s17+$0x0], $0xffff  }
0x3d6: {  	v17 =	vld.idx.msk [tilespmem:v19+s17+$0x0], $0xffff;
	v18 =	vor.u32 $0x100, v6  }
0x3d7: {  	v19 =	vor.u32 $0x100, v5  }
0x3d8: {  	[tilespmem:s4+$0x80] =	vst v15  }
0x3d9: {  	v15 =	vld.idx.msk [tilespmem:v16+s17+$0x0], $0xffff;
	[tilespmem:s4+$0x90] =	vst v7  }
0x3da: {  	v7 =	vor.u32 $0x180, v3;
	v12 =	vld.idx.msk [tilespmem:v12+s17+$0x0], $0xffff;
	[tilespmem:s4+$0xA0] =	vst v11  }
0x3db: {  	v16 =	vor.u32 $0x180, v4;
	[tilespmem:s4+$0xB0] =	vst v17;
	v11 =	vld.idx.msk [tilespmem:v18+s17+$0x0], $0xffff  }
0x3dc: {  	s6 =	sor.u32 $0x300, s21;
	v17 =	vor.u32 $0x180, v6;
	v18 =	vld.idx.msk [tilespmem:v19+s17+$0x0], $0xffff  }
0x3dd: {  	[tilespmem:s6+$0x15000] =	vst v13;
	v13 =	vor.u32 $0x180, v5  }
0x3de: {  	[tilespmem:s4+$0x100] =	vst v15  }
0x3df: {  	v7 =	vld.idx.msk [tilespmem:v7+s17+$0x0], $0xffff;
	[tilespmem:s4+$0x110] =	vst v12  }
0x3e0: {  	v12 =	vor.u32 $0x200, v3;
	v15 =	vld.idx.msk [tilespmem:v16+s17+$0x0], $0xffff;
	[tilespmem:s4+$0x120] =	vst v11  }
0x3e1: {  	v16 =	vor.u32 $0x200, v4;
	[tilespmem:s4+$0x130] =	vst v18;
	v11 =	vld.idx.msk [tilespmem:v17+s17+$0x0], $0xffff  }
0x3e2: {  	[tilespmem:s23+$0x15000] =	vst v10;
	v10 =	vld.idx.msk [tilespmem:v13+s17+$0x0], $0xffff;
	v13 =	vor.u32 $0x200, v6  }
0x3e3: {  	v14 =	vld.idx.msk [tilespmem:v14+s17+$0x0], $0xffff;
	[tilespmem:s22+$0x15000] =	vst v9;
	v9 =	vor.u32 $0x200, v5  }
0x3e4: {  	v17 =	vor.u32 $0x300, v2;
	[tilespmem:s4+$0x180] =	vst v7  }
0x3e5: {  	p1 =	por !p1, !p1;
	s6 =	simm.s32 $0x1;
	v7 =	vor.u32 $0x300, v1;
	v12 =	vld.idx.msk [tilespmem:v12+s17+$0x0], $0xffff;
	[tilespmem:s4+$0x190] =	vst v15  }
0x3e6: {  	s2 =	sor.u32 s2, s9;
	s6 =	simm.s32 @!p1 $0x0;
	v15 =	vor.u32 $0x280, v3;
	[tilespmem:s4+$0x1A0] =	vst v11;
	v11 =	vld.idx.msk [tilespmem:v16+s17+$0x0], $0xffff  }
0x3e7: {  	s2 =	sor.u32 $0x380, s2;
	s6 =	sshll.u32 s6, $0x6;
	[tilespmem:s4+$0x1B0] =	vst v10;
	v10 =	vor.u32 $0x280, v4;
	v13 =	vld.idx.msk [tilespmem:v13+s17+$0x0], $0xffff  }
0x3e8: {  	s9 =	sadd.s32 s6, s15;
	[tilespmem:s2+$0x15000] =	vst v14;
	v14 =	vor.u32 $0x280, v6;
	v9 =	vld.idx.msk [tilespmem:v9+s17+$0x0], $0xffff  }
0x3e9: {  	[tilespmem:s20+$0x15000] =	vst v8;
	v8 =	vor.u32 $0x280, v5;
	s6 =	sor.u32 $0x200, s9;
	s19 =	sadd.s32 $0x10, s9;
	v16 =	vld.idx.msk [tilespmem:v17+s17+$0x0], $0xffff  }
0x3ea: {  	s23 =	sadd.s32 $0x20, s9;
	s24 =	sor.u32 $0x200, s19;
	v7 =	vld.idx.msk [tilespmem:v7+s17+$0x0], $0xffff;
	v17 =	vor.u32 $0x300, v0;
	[tilespmem:s6+$0x15000] =	vst v12  }
0x3eb: {  	s25 =	sadd.s32 $0x30, s9;
	s10 =	sor.u32 $0x200, s23;
	v2 =	vor.u32 $0x380, v2;
	v12 =	vld.idx.msk [tilespmem:v15+s17+$0x0], $0xffff;
	[tilespmem:s24+$0x15000] =	vst v11  }
0x3ec: {  	s26 =	sor.u32 $0x200, s25;
	v11 =	vor.u32 $0x300, v3;
	v10 =	vld.idx.msk [tilespmem:v10+s17+$0x0], $0xffff;
	[tilespmem:s10+$0x15000] =	vst v13  }
0x3ed: {  	[tilespmem:s26+$0x15000] =	vst v9;
	v9 =	vor.u32 $0x300, v4;
	v13 =	vld.idx.msk [tilespmem:v14+s17+$0x0], $0xffff  }
0x3ee: {  	[tilespmem:s13+$0x15000] =	vst v16;
	v8 =	vld.idx.msk [tilespmem:v8+s17+$0x0], $0xffff;
	v14 =	vor.u32 $0x300, v6  }
0x3ef: {  	s28 =	sor.u32 $0x280, s9;
	v15 =	vor.u32 $0x300, v5;
	[tilespmem:s7+$0x15000] =	vst v7;
	v7 =	vld.idx.msk [tilespmem:v17+s17+$0x0], $0xffff  }
0x3f0: {  	s29 =	sor.u32 $0x280, s19;
	v1 =	vor.u32 $0x380, v1;
	v2 =	vld.idx.msk [tilespmem:v2+s17+$0x0], $0xffff;
	[tilespmem:s28+$0x15000] =	vst v12  }
0x3f1: {  	v0 =	vor.u32 $0x380, v0;
	s10 =	sor.u32 $0x280, s23;
	v11 =	vld.idx.msk [tilespmem:v11+s17+$0x0], $0xffff;
	[tilespmem:s29+$0x15000] =	vst v10  }
0x3f2: {  	s13 =	sor.u32 $0x280, s25;
	v3 =	vor.u32 $0x380, v3;
	v9 =	vld.idx.msk [tilespmem:v9+s17+$0x0], $0xffff;
	[tilespmem:s10+$0x15000] =	vst v13  }
0x3f3: {  	v4 =	vor.u32 $0x380, v4;
	[tilespmem:s13+$0x15000] =	vst v8;
	v10 =	vld.idx.msk [tilespmem:v14+s17+$0x0], $0xffff  }
0x3f4: {  	v6 =	vor.u32 $0x380, v6;
	[tilespmem:s14+$0x15000] =	vst v7;
	v7 =	vld.idx.msk [tilespmem:v15+s17+$0x0], $0xffff  }
0x3f5: {  	s4 =	sor.u32 $0x300, s9;
	v1 =	vld.idx.msk [tilespmem:v1+s17+$0x0], $0xffff;
	[tilespmem:s30+$0x15000] =	vst v2;
	v2 =	vor.u32 $0x380, v5  }
0x3f6: {  	s20 =	sor.u32 $0x300, s19;
	v0 =	vld.idx.msk [tilespmem:v0+s17+$0x0], $0xffff;
	[tilespmem:s4+$0x15000] =	vst v11  }
0x3f7: {  	s21 =	sor.u32 $0x300, s23;
	v3 =	vld.idx.msk [tilespmem:v3+s17+$0x0], $0xffff;
	[tilespmem:s20+$0x15000] =	vst v9  }
0x3f8: {  	s22 =	sor.u32 $0x300, s25;
	[tilespmem:s21+$0x15000] =	vst v10;
	v4 =	vld.idx.msk [tilespmem:v4+s17+$0x0], $0xffff  }
0x3f9: {  	[tilespmem:s22+$0x15000] =	vst v7;
	v5 =	vld.idx.msk [tilespmem:v6+s17+$0x0], $0xffff  }
0x3fa: {  	s3 =	sor.u32 s15, s3;
	[tilespmem:s8+$0x15000] =	vst v1;
	v1 =	vld.idx.msk [tilespmem:v2+s17+$0x0], $0xffff  }
0x3fb: {  	s3 =	sor.u32 $0x380, s3;
	[tilespmem:s18+$0x15000] =	vst v0  }
0x3fc: {  	s2 =	sor.u32 $0x380, s19;
	[tilespmem:s3+$0x15000] =	vst v3  }
0x3fd: {  	s23 =	sor.u32 $0x380, s23;
	[tilespmem:s2+$0x15000] =	vst v4  }
0x3fe: {  	s9 =	simm.s32 $0x0;
	s24 =	sor.u32 $0x380, s25;
	[tilespmem:s23+$0x15000] =	vst v5  }
0x3ff: {  	s25 =	sadd.s32 s1, s11;
	s26 =	simm.s32 $0x15000;
	s28 =	simm.s32 $0x6;
	[tilespmem:s24+$0x15000] =	vst v1  }
0x400: {  	[hbm4b:s25+s9] =	stream.linear.scatter [tilespmem:s26], [sflag:$0x5], $0x2000, $0x38;
	[tilespmem:$0x19000] =	vst v63  }
0x401: {  	_ =	swait.ge [sflag:s28], $0x2000  }
0x402: {  	[sflag:s28] =	ssyncset.done $0x0  }
0x403: {  	s29 =	sand.u32 $0x3C0, s9;
	[sflag:s28] =	ssyncadd.s32 $0xFFFFE000  }
0x404: {  	v0 =	vld [tilespmem:s29+$0xC00];
	_ =	sdelay $0x4  }
0x405: {  	s3 =	simm.s32 $0xC30;
	v1 =	vshll.u32 v0, $0x3  }
0x406: {  	v2 =	vld [tilespmem:s3+$0xFFFFFFE0];
	v0 =	vand.u32 $0x7F, v0;
	v1 =	vand.u32 $0xFFFFFC00, v1  }
0x407: {  	v8 =	vor.u32 v0, v1  }
0x408: {  	v0 =	vld [tilespmem:s3+$0xFFFFFFF0]  }
0x409: {  	v3 =	vld [tilespmem:s3+$0x0];
	_ =	sdelay $0x1  }
0x40a: {  	v1 =	vshll.u32 v2, $0x3  }
0x40b: {  	v2 =	vand.u32 $0x7F, v2;
	v1 =	vand.u32 $0xFFFFFC00, v1;
	v4 =	vld.idx.msk [tilespmem:v8+s17+$0x0], $0xffff  }
0x40c: {  	v5 =	vor.u32 $0x80, v8;
	v2 =	vor.u32 v2, v1;
	v1 =	vshll.u32 v0, $0x3  }
0x40d: {  	v6 =	vshll.u32 v3, $0x3;
	v0 =	vand.u32 $0x7F, v0;
	v1 =	vand.u32 $0xFFFFFC00, v1  }
0x40e: {  	s6 =	sand.u32 $0x1C00, s9;
	s4 =	sand.u32 $0x40, s9;
	v1 =	vor.u32 v0, v1;
	v0 =	vand.u32 $0x7F, v3;
	v3 =	vand.u32 $0xFFFFFC00, v6  }
0x40f: {  	s2 =	sor.u32 s4, s6;
	v0 =	vor.u32 v0, v3  }
0x410: {  	[tilespmem:s2+$0x17000] =	vst v4  }
0x411: {  	v3 =	vld.idx.msk [tilespmem:v5+s17+$0x0], $0xffff  }
0x412: {  	v4 =	vor.u32 $0x100, v8;
	v5 =	vld.idx.msk [tilespmem:v2+s17+$0x0], $0xffff  }
0x413: {  	v7 =	vor.u32 $0x80, v2;
	v6 =	vld.idx.msk [tilespmem:v1+s17+$0x0], $0xffff  }
0x414: {  	v10 =	vor.u32 $0x80, v1;
	v9 =	vld.idx.msk [tilespmem:v0+s17+$0x0], $0xffff  }
0x415: {  	v11 =	vor.u32 $0x80, v0;
	s2 =	sadd.s32 $0x17000, s2  }
0x416: {  	[tilespmem:s2+$0x80] =	vst v3  }
0x417: {  	[tilespmem:s2+$0x10] =	vst v5;
	v3 =	vld.idx.msk [tilespmem:v4+s17+$0x0], $0xffff  }
0x418: {  	v5 =	vor.u32 $0x180, v8;
	v7 =	vld.idx.msk [tilespmem:v7+s17+$0x0], $0xffff;
	[tilespmem:s2+$0x20] =	vst v6  }
0x419: {  	v6 =	vld.idx.msk [tilespmem:v10+s17+$0x0], $0xffff;
	[tilespmem:s2+$0x30] =	vst v9;
	v9 =	vor.u32 $0x100, v2  }
0x41a: {  	s7 =	simm.s32 $0xC70;
	v10 =	vld.idx.msk [tilespmem:v11+s17+$0x0], $0xffff  }
0x41b: {  	v12 =	vld [tilespmem:s7+$0xFFFFFFF0];
	v11 =	vor.u32 $0x100, v1  }
0x41c: {  	v4 =	vld [tilespmem:s7+$0xFFFFFFE0];
	[tilespmem:s2+$0x100] =	vst v3;
	v3 =	vor.u32 $0x100, v0  }
0x41d: {  	s3 =	simm.s32 $0x40;
	[tilespmem:s2+$0x90] =	vst v7;
	v5 =	vld.idx.msk [tilespmem:v5+s17+$0x0], $0xffff  }
0x41e: {  	s8 =	sand.u32 $0x3C0, s3;
	v7 =	vor.u32 $0x200, v8;
	v9 =	vld.idx.msk [tilespmem:v9+s17+$0x0], $0xffff;
	[tilespmem:s2+$0xA0] =	vst v6  }
0x41f: {  	v13 =	vld [tilespmem:s8+$0xC00];
	[tilespmem:s2+$0xB0] =	vst v10;
	v10 =	vor.u32 $0x180, v2  }
0x420: {  	v6 =	vld.idx.msk [tilespmem:v11+s17+$0x0], $0xffff  }
0x421: {  	v11 =	vor.u32 $0x180, v1;
	v14 =	vld.idx.msk [tilespmem:v3+s17+$0x0], $0xffff;
	v3 =	vshll.u32 v4, $0x3  }
0x422: {  	v15 =	vld [tilespmem:s7+$0x0];
	v4 =	vand.u32 $0x7F, v4;
	[tilespmem:s2+$0x180] =	vst v5;
	v5 =	vor.u32 $0x180, v0;
	v3 =	vand.u32 $0xFFFFFC00, v3  }
0x423: {  	p1 =	por $0x0, $0x0;
	s4 =	simm.s32 $0x1;
	[tilespmem:s2+$0x110] =	vst v9;
	v16 =	vld.idx.msk [tilespmem:v7+s17+$0x0], $0xffff;
	v4 =	vor.u32 v4, v3  }
0x424: {  	s4 =	simm.s32 @!p1 $0x0;
	v9 =	vor.u32 $0x280, v8;
	v7 =	vshll.u32 v13, $0x3;
	v10 =	vld.idx.msk [tilespmem:v10+s17+$0x0], $0xffff  }
0x425: {  	s4 =	sshll.u32 s4, $0x6;
	v3 =	vand.u32 $0x7F, v13;
	[tilespmem:s2+$0x120] =	vst v6;
	v13 =	vor.u32 $0x200, v2;
	v7 =	vand.u32 $0xFFFFFC00, v7  }
0x426: {  	s21 =	sadd.s32 $0x0, s4;
	v11 =	vld.idx.msk [tilespmem:v11+s17+$0x0], $0xffff;
	v3 =	vor.u32 v3, v7;
	[tilespmem:s2+$0x130] =	vst v14  }
0x427: {  	s4 =	sor.u32 $0x200, s21;
	v6 =	vshll.u32 v12, $0x3;
	v14 =	vld.idx.msk [tilespmem:v5+s17+$0x0], $0xffff;
	v5 =	vand.u32 $0x7F, v12;
	v12 =	vor.u32 $0x200, v1  }
0x428: {  	v17 =	vshll.u32 v15, $0x3;
	v6 =	vand.u32 $0xFFFFFC00, v6;
	v7 =	vld.idx.msk [tilespmem:v4+s17+$0x0], $0xffff;
	[tilespmem:s4+$0x17000] =	vst v16;
	v16 =	vor.u32 $0x200, v0  }
0x429: {  	v6 =	vor.u32 v5, v6;
	v5 =	vand.u32 $0x7F, v15;
	v15 =	vand.u32 $0xFFFFFC00, v17;
	[tilespmem:s2+$0x190] =	vst v10;
	v9 =	vld.idx.msk [tilespmem:v9+s17+$0x0], $0xffff  }
0x42a: {  	v5 =	vor.u32 v5, v15;
	v17 =	vld.idx.msk [tilespmem:v13+s17+$0x0], $0xffff  }
0x42b: {  	[tilespmem:s2+$0x1A0] =	vst v11;
	v15 =	vor.u32 $0x300, v8;
	v10 =	vld.idx.msk [tilespmem:v3+s17+$0x0], $0xffff  }
0x42c: {  	s15 =	simm.s32 $0x200;
	v18 =	vor.u32 $0x80, v3;
	v19 =	vld.idx.msk [tilespmem:v12+s17+$0x0], $0xffff;
	[tilespmem:s2+$0x1B0] =	vst v14  }
0x42d: {  	s13 =	sand.u32 $0x1C00, s15;
	v14 =	vor.u32 $0x280, v2;
	v16 =	vld.idx.msk [tilespmem:v16+s17+$0x0], $0xffff  }
0x42e: {  	s6 =	simm.s32 $0xCB0;
	s14 =	sor.u32 $0x280, s21;
	s10 =	sand.u32 $0x40, s3;
	v20 =	vor.u32 $0x280, v1;
	v11 =	vld.idx.msk [tilespmem:v6+s17+$0x0], $0xffff  }
0x42f: {  	s18 =	sadd.s32 $0x10, s21;
	s25 =	sadd.s32 $0x20, s21;
	s19 =	sor.u32 s10, s13;
	v21 =	vor.u32 $0x280, v0;
	v12 =	vld.idx.msk [tilespmem:v5+s17+$0x0], $0xffff;
	[tilespmem:s14+$0x17000] =	vst v9  }
0x430: {  	s26 =	sor.u32 $0x200, s18;
	s28 =	sor.u32 $0x200, s25;
	s23 =	sor.u32 $0x280, s18;
	[tilespmem:s19+$0x17000] =	vst v10;
	v13 =	vld.idx.msk [tilespmem:v15+s17+$0x0], $0xffff  }
0x431: {  	s22 =	sor.u32 $0x280, s25;
	s30 =	sor.u32 $0x380, s18;
	s29 =	sadd.s32 $0x30, s21;
	[tilespmem:s26+$0x17000] =	vst v17;
	v15 =	vld.idx.msk [tilespmem:v18+s17+$0x0], $0xffff  }
0x432: {  	s24 =	sor.u32 $0x200, s29;
	s20 =	sor.u32 $0x280, s29;
	s13 =	sor.u32 $0x300, s18;
	v10 =	vld.idx.msk [tilespmem:v14+s17+$0x0], $0xffff;
	[tilespmem:s28+$0x17000] =	vst v19;
	v14 =	vor.u32 $0x380, v8  }
0x433: {  	s8 =	sor.u32 $0x380, s25;
	s18 =	sor.u32 $0x380, s29;
	s7 =	sor.u32 $0x300, s25;
	v9 =	vld.idx.msk [tilespmem:v20+s17+$0x0], $0xffff;
	[tilespmem:s24+$0x17000] =	vst v16;
	v16 =	vor.u32 $0x100, v3  }
0x434: {  	s4 =	simm.s32 $0x4;
	s2 =	simm.s32 $0x0;
	s14 =	sor.u32 $0x300, s29;
	v17 =	vor.u32 $0x80, v4;
	v8 =	vld.idx.msk [tilespmem:v21+s17+$0x0], $0xffff  }
.LBB2_17:
0x435: {  	v18 =	vld [tilespmem:s6+$0xFFFFFFE0];
	v19 =	vor.u32 $0x80, v6;
	s10 =	sor.u32 $0x300, s21  }
0x436: {  	s19 =	sadd.s32 $0x17000, s19;
	v21 =	vor.u32 $0x80, v5;
	v20 =	vld [tilespmem:s6+$0xFFFFFFF0];
	[tilespmem:s10+$0x17000] =	vst v13  }
0x437: {  	[tilespmem:s19+$0x80] =	vst v15;
	v13 =	vld.idx.msk [tilespmem:v14+s17+$0x0], $0xffff;
	v14 =	vor.u32 $0x300, v2  }
0x438: {  	v15 =	vld.idx.msk [tilespmem:v16+s17+$0x0], $0xffff;
	[tilespmem:s19+$0x10] =	vst v7;
	v7 =	vor.u32 $0x300, v1  }
0x439: {  	v16 =	vld.idx.msk [tilespmem:v17+s17+$0x0], $0xffff;
	[tilespmem:s19+$0x20] =	vst v11  }
0x43a: {  	v11 =	vor.u32 $0x180, v3;
	v17 =	vld.idx.msk [tilespmem:v19+s17+$0x0], $0xffff;
	[tilespmem:s19+$0x30] =	vst v12  }
0x43b: {  	s10 =	sor.u32 s2, s9;
	s9 =	smov.u32 s3;
	s2 =	smov.u32 s15;
	v12 =	vor.u32 $0x100, v4;
	v19 =	vld.idx.msk [tilespmem:v21+s17+$0x0], $0xffff;
	[tilespmem:s23+$0x17000] =	vst v10  }
0x43c: {  	s10 =	sor.u32 $0x380, s10;
	v10 =	vor.u32 $0x100, v6;
	v14 =	vld.idx.msk [tilespmem:v14+s17+$0x0], $0xffff;
	[tilespmem:s22+$0x17000] =	vst v9  }
0x43d: {  	[tilespmem:s10+$0x17000] =	vst v13;
	v7 =	vld.idx.msk [tilespmem:v7+s17+$0x0], $0xffff  }
0x43e: {  	v13 =	vor.u32 $0x100, v5;
	v9 =	vld [tilespmem:s6+$0x0];
	[tilespmem:s19+$0x100] =	vst v15  }
0x43f: {  	v15 =	vor.u32 $0x300, v0;
	v11 =	vld.idx.msk [tilespmem:v11+s17+$0x0], $0xffff;
	[tilespmem:s19+$0x90] =	vst v16  }
0x440: {  	s3 =	sadd.s32 $0x40, s3;
	v16 =	vor.u32 $0x380, v2;
	v2 =	vmov v4;
	v12 =	vld.idx.msk [tilespmem:v12+s17+$0x0], $0xffff;
	[tilespmem:s19+$0xA0] =	vst v17  }
0x441: {  	s4 =	sadd.s32 $0x4, s4;
	s10 =	sand.u32 $0x3C0, s3;
	v4 =	vor.u32 $0x200, v3;
	v10 =	vld.idx.msk [tilespmem:v10+s17+$0x0], $0xffff;
	[tilespmem:s19+$0xB0] =	vst v19  }
0x442: {  	p2 =	slt.u32 s4, $0x3C;
	v19 =	vor.u32 $0x180, v2;
	v17 =	vld [tilespmem:s10+$0xC00];
	[tilespmem:s20+$0x17000] =	vst v8  }
0x443: {  	v8 =	vor.u32 $0x180, v6;
	v13 =	vld.idx.msk [tilespmem:v13+s17+$0x0], $0xffff;
	[tilespmem:s13+$0x17000] =	vst v14  }
0x444: {  	[tilespmem:s7+$0x17000] =	vst v7;
	v7 =	vor.u32 $0x380, v1;
	v14 =	vld.idx.msk [tilespmem:v15+s17+$0x0], $0xffff;
	v1 =	vmov v6  }
0x445: {  	v6 =	vshll.u32 v18, $0x3;
	[tilespmem:s19+$0x180] =	vst v11;
	v11 =	vor.u32 $0x180, v5;
	v15 =	vld.idx.msk [tilespmem:v16+s17+$0x0], $0xffff  }
0x446: {  	v16 =	vand.u32 $0x7F, v18;
	v6 =	vand.u32 $0xFFFFFC00, v6;
	v18 =	vld.idx.msk [tilespmem:v4+s17+$0x0], $0xffff;
	[tilespmem:s19+$0x110] =	vst v12;
	v12 =	vor.u32 $0x380, v0;
	v0 =	vmovc v5  }
0x447: {  	p1 =	por !p1, !p1;
	s7 =	simm.s32 $0x1;
	v4 =	vor.u32 v16, v6;
	v5 =	vshll.u32 v17, $0x3;
	v16 =	vld.idx.msk [tilespmem:v19+s17+$0x0], $0xffff;
	[tilespmem:s19+$0x120] =	vst v10  }
0x448: {  	s7 =	simm.s32 @!p1 $0x0;
	v6 =	vand.u32 $0x7F, v17;
	v10 =	vor.u32 $0x280, v3;
	v5 =	vand.u32 $0xFFFFFC00, v5;
	v8 =	vld.idx.msk [tilespmem:v8+s17+$0x0], $0xffff  }
0x449: {  	s7 =	sshll.u32 s7, $0x6;
	v17 =	vor.u32 v6, v5;
	[tilespmem:s19+$0x130] =	vst v13;
	v13 =	vld.idx.msk [tilespmem:v7+s17+$0x0], $0xffff  }
0x44a: {  	s21 =	sadd.s32 s7, s15;
	v19 =	vor.u32 $0x200, v2;
	v11 =	vld.idx.msk [tilespmem:v11+s17+$0x0], $0xffff;
	[tilespmem:s14+$0x17000] =	vst v14  }
0x44b: {  	s7 =	sor.u32 $0x200, s21;
	s10 =	sadd.s32 $0x10, s21;
	s24 =	sadd.s32 $0x20, s21;
	v5 =	vand.u32 $0x7F, v20;
	v6 =	vshll.u32 v20, $0x3;
	v14 =	vor.u32 $0x200, v1;
	[tilespmem:s30+$0x17000] =	vst v15;
	v12 =	vld.idx.msk [tilespmem:v12+s17+$0x0], $0xffff  }
0x44c: {  	s28 =	sadd.s32 $0x30, s21;
	s25 =	sor.u32 $0x200, s10;
	s26 =	sor.u32 $0x200, s24;
	v6 =	vand.u32 $0xFFFFFC00, v6;
	v15 =	vshll.u32 v9, $0x3;
	v7 =	vld.idx.msk [tilespmem:v4+s17+$0x0], $0xffff;
	[tilespmem:s7+$0x17000] =	vst v18;
	v18 =	vor.u32 $0x200, v0  }
0x44d: {  	s23 =	sor.u32 $0x280, s10;
	s22 =	sor.u32 $0x280, s24;
	s29 =	sor.u32 $0x200, s28;
	v6 =	vor.u32 v5, v6;
	v5 =	vand.u32 $0x7F, v9;
	v9 =	vand.u32 $0xFFFFFC00, v15;
	v10 =	vld.idx.msk [tilespmem:v10+s17+$0x0], $0xffff;
	[tilespmem:s19+$0x190] =	vst v16  }
0x44e: {  	s13 =	sor.u32 $0x300, s10;
	s20 =	sor.u32 $0x280, s28;
	s7 =	sor.u32 $0x300, s24;
	v5 =	vor.u32 v5, v9;
	v15 =	vld.idx.msk [tilespmem:v17+s17+$0x0], $0xffff;
	[tilespmem:s19+$0x1A0] =	vst v8  }
0x44f: {  	s14 =	sor.u32 $0x300, s28;
	s30 =	sor.u32 $0x380, s10;
	v8 =	vor.u32 $0x300, v3;
	v9 =	vld.idx.msk [tilespmem:v19+s17+$0x0], $0xffff;
	[tilespmem:s8+$0x17000] =	vst v13;
	s8 =	sor.u32 $0x380, s24  }
0x450: {  	s10 =	sor.u32 $0x380, s28;
	v16 =	vor.u32 $0x80, v17;
	v19 =	vld.idx.msk [tilespmem:v14+s17+$0x0], $0xffff;
	[tilespmem:s19+$0x1B0] =	vst v11  }
0x451: {  	s15 =	sadd.s32 $0x200, s15;
	v20 =	vor.u32 $0x280, v2;
	v18 =	vld.idx.msk [tilespmem:v18+s17+$0x0], $0xffff;
	[tilespmem:s18+$0x17000] =	vst v12;
	s18 =	smov.u32 s10  }
0x452: {  	v21 =	vor.u32 $0x280, v1;
	s24 =	sor.u32 $0x280, s21;
	s19 =	sand.u32 $0x1C00, s15;
	s10 =	sand.u32 $0x40, s3;
	v11 =	vld.idx.msk [tilespmem:v6+s17+$0x0], $0xffff  }
0x453: {  	v22 =	vor.u32 $0x280, v0;
	s19 =	sor.u32 s10, s19;
	v12 =	vld.idx.msk [tilespmem:v5+s17+$0x0], $0xffff;
	[tilespmem:s24+$0x17000] =	vst v10  }
.Ltmp9:
0x454: {  	[tilespmem:s19+$0x17000] =	vst v15;
	v13 =	vld.idx.msk [tilespmem:v8+s17+$0x0], $0xffff;
	(pc) =	sbr.rel @p2 .LBB2_17-.Ltmp9, $4  }
0x455: {  	v15 =	vld.idx.msk [tilespmem:v16+s17+$0x0], $0xffff;
	[tilespmem:s25+$0x17000] =	vst v9  }
0x456: {  	v14 =	vor.u32 $0x380, v3;
	v3 =	vmov v17;
	v10 =	vld.idx.msk [tilespmem:v20+s17+$0x0], $0xffff;
	[tilespmem:s26+$0x17000] =	vst v19  }
0x457: {  	v16 =	vor.u32 $0x100, v3;
	v9 =	vld.idx.msk [tilespmem:v21+s17+$0x0], $0xffff;
	[tilespmem:s29+$0x17000] =	vst v18  }
0x458: {  	s6 =	sadd.s32 $0x40, s6;
	v17 =	vor.u32 $0x80, v4;
	v8 =	vld.idx.msk [tilespmem:v22+s17+$0x0], $0xffff  }
0x459: {  	v18 =	vor.u32 $0x80, v6  }
0x45a: {  	v19 =	vor.u32 $0x80, v5  }
0x45b: {  	s4 =	sadd.s32 $0x17000, s19  }
0x45c: {  	[tilespmem:s4+$0x10] =	vst v7  }
0x45d: {  	[tilespmem:s4+$0x20] =	vst v11;
	v7 =	vld.idx.msk [tilespmem:v17+s17+$0x0], $0xffff  }
0x45e: {  	v24 =	vor.u32 $0x100, v4;
	[tilespmem:s4+$0x30] =	vst v12;
	v11 =	vld.idx.msk [tilespmem:v18+s17+$0x0], $0xffff  }
0x45f: {  	v26 =	vor.u32 $0x100, v6;
	v25 =	vld.idx.msk [tilespmem:v19+s17+$0x0], $0xffff  }
0x460: {  	v27 =	vor.u32 $0x100, v5  }
0x461: {  	[tilespmem:s4+$0x80] =	vst v15  }
0x462: {  	v15 =	vld.idx.msk [tilespmem:v16+s17+$0x0], $0xffff;
	[tilespmem:s4+$0x90] =	vst v7  }
0x463: {  	v28 =	vor.u32 $0x180, v3;
	v12 =	vld.idx.msk [tilespmem:v24+s17+$0x0], $0xffff;
	[tilespmem:s4+$0xA0] =	vst v11  }
0x464: {  	v29 =	vor.u32 $0x180, v4;
	[tilespmem:s4+$0xB0] =	vst v25;
	v11 =	vld.idx.msk [tilespmem:v26+s17+$0x0], $0xffff  }
0x465: {  	s6 =	sor.u32 $0x300, s21;
	v30 =	vor.u32 $0x180, v6;
	v31 =	vld.idx.msk [tilespmem:v27+s17+$0x0], $0xffff  }
0x466: {  	v32 =	vor.u32 $0x180, v5;
	[tilespmem:s6+$0x17000] =	vst v13  }
0x467: {  	[tilespmem:s4+$0x100] =	vst v15  }
0x468: {  	v7 =	vld.idx.msk [tilespmem:v28+s17+$0x0], $0xffff;
	[tilespmem:s4+$0x110] =	vst v12  }
0x469: {  	v33 =	vor.u32 $0x200, v3;
	v34 =	vld.idx.msk [tilespmem:v29+s17+$0x0], $0xffff;
	[tilespmem:s4+$0x120] =	vst v11  }
0x46a: {  	v35 =	vor.u32 $0x200, v4;
	[tilespmem:s4+$0x130] =	vst v31;
	v11 =	vld.idx.msk [tilespmem:v30+s17+$0x0], $0xffff  }
0x46b: {  	v37 =	vor.u32 $0x200, v6;
	[tilespmem:s23+$0x17000] =	vst v10;
	v36 =	vld.idx.msk [tilespmem:v32+s17+$0x0], $0xffff  }
0x46c: {  	v38 =	vor.u32 $0x200, v5;
	[tilespmem:s22+$0x17000] =	vst v9  }
0x46d: {  	v39 =	vor.u32 $0x300, v2;
	v14 =	vld.idx.msk [tilespmem:v14+s17+$0x0], $0xffff;
	[tilespmem:s4+$0x180] =	vst v7  }
0x46e: {  	p1 =	por !p1, !p1;
	v47 =	vor.u32 $0x300, v0;
	s6 =	simm.s32 $0x1;
	v12 =	vld.idx.msk [tilespmem:v33+s17+$0x0], $0xffff;
	[tilespmem:s4+$0x190] =	vst v34  }
0x46f: {  	v41 =	vor.u32 $0x280, v3;
	s6 =	simm.s32 @!p1 $0x0;
	v42 =	vld.idx.msk [tilespmem:v35+s17+$0x0], $0xffff;
	[tilespmem:s4+$0x1A0] =	vst v11  }
0x470: {  	s2 =	sor.u32 s2, s9;
	v43 =	vor.u32 $0x280, v4;
	s6 =	sshll.u32 s6, $0x6;
	[tilespmem:s4+$0x1B0] =	vst v36;
	v13 =	vld.idx.msk [tilespmem:v37+s17+$0x0], $0xffff  }
0x471: {  	v44 =	vor.u32 $0x280, v6;
	s2 =	sor.u32 $0x380, s2;
	s26 =	sadd.s32 s6, s15;
	[tilespmem:s20+$0x17000] =	vst v8;
	v9 =	vld.idx.msk [tilespmem:v38+s17+$0x0], $0xffff  }
0x472: {  	v46 =	vor.u32 $0x280, v5;
	v45 =	vld.idx.msk [tilespmem:v39+s17+$0x0], $0xffff;
	s6 =	sor.u32 $0x200, s26;
	[tilespmem:s2+$0x17000] =	vst v14;
	s2 =	sadd.s32 $0x10, s26  }
0x473: {  	v48 =	vor.u32 $0x380, v2;
	s9 =	sadd.s32 $0x20, s26;
	v52 =	vld.idx.msk [tilespmem:v47+s17+$0x0], $0xffff;
	s28 =	sor.u32 $0x200, s2;
	[tilespmem:s6+$0x17000] =	vst v12  }
0x474: {  	v40 =	vor.u32 $0x300, v1;
	s19 =	sadd.s32 $0x30, s26;
	s10 =	sor.u32 $0x200, s9;
	v12 =	vld.idx.msk [tilespmem:v41+s17+$0x0], $0xffff;
	[tilespmem:s28+$0x17000] =	vst v42  }
0x475: {  	v49 =	vor.u32 $0x300, v3;
	s29 =	sor.u32 $0x200, s19;
	v10 =	vld.idx.msk [tilespmem:v43+s17+$0x0], $0xffff;
	[tilespmem:s10+$0x17000] =	vst v13  }
0x476: {  	v50 =	vor.u32 $0x300, v4;
	[tilespmem:s29+$0x17000] =	vst v9;
	v13 =	vld.idx.msk [tilespmem:v44+s17+$0x0], $0xffff  }
0x477: {  	v51 =	vor.u32 $0x300, v6;
	[tilespmem:s13+$0x17000] =	vst v45;
	v8 =	vld.idx.msk [tilespmem:v46+s17+$0x0], $0xffff  }
0x478: {  	v53 =	vor.u32 $0x300, v5;
	s20 =	sor.u32 $0x280, s26;
	[tilespmem:s14+$0x17000] =	vst v52;
	v2 =	vld.idx.msk [tilespmem:v48+s17+$0x0], $0xffff  }
0x479: {  	v55 =	vor.u32 $0x380, v0;
	s21 =	sor.u32 $0x280, s2;
	v7 =	vld.idx.msk [tilespmem:v40+s17+$0x0], $0xffff;
	[tilespmem:s20+$0x17000] =	vst v12  }
0x47a: {  	v54 =	vor.u32 $0x380, v1;
	s22 =	sor.u32 $0x280, s9;
	v11 =	vld.idx.msk [tilespmem:v49+s17+$0x0], $0xffff;
	[tilespmem:s21+$0x17000] =	vst v10  }
0x47b: {  	v56 =	vor.u32 $0x380, v3;
	s23 =	sor.u32 $0x280, s19;
	v9 =	vld.idx.msk [tilespmem:v50+s17+$0x0], $0xffff;
	[tilespmem:s22+$0x17000] =	vst v13  }
0x47c: {  	v58 =	vor.u32 $0x380, v4;
	[tilespmem:s23+$0x17000] =	vst v8;
	v57 =	vld.idx.msk [tilespmem:v51+s17+$0x0], $0xffff  }
0x47d: {  	v59 =	vor.u32 $0x380, v6;
	[tilespmem:s30+$0x17000] =	vst v2;
	v60 =	vld.idx.msk [tilespmem:v53+s17+$0x0], $0xffff  }
0x47e: {  	v61 =	vor.u32 $0x380, v5;
	v0 =	vld.idx.msk [tilespmem:v55+s17+$0x0], $0xffff;
	[tilespmem:s7+$0x17000] =	vst v7;
	s4 =	sor.u32 $0x300, s26  }
0x47f: {  	s24 =	sor.u32 $0x300, s2;
	v1 =	vld.idx.msk [tilespmem:v54+s17+$0x0], $0xffff;
	[tilespmem:s4+$0x17000] =	vst v11  }
0x480: {  	s25 =	sor.u32 $0x300, s9;
	v3 =	vld.idx.msk [tilespmem:v56+s17+$0x0], $0xffff;
	[tilespmem:s24+$0x17000] =	vst v9  }
0x481: {  	s26 =	sor.u32 $0x300, s19;
	v4 =	vld.idx.msk [tilespmem:v58+s17+$0x0], $0xffff;
	[tilespmem:s25+$0x17000] =	vst v57  }
0x482: {  	[tilespmem:s26+$0x17000] =	vst v60;
	v62 =	vld.idx.msk [tilespmem:v59+s17+$0x0], $0xffff  }
0x483: {  	s3 =	sor.u32 s15, s3;
	[tilespmem:s18+$0x17000] =	vst v0;
	v63 =	vld.idx.msk [tilespmem:v61+s17+$0x0], $0xffff  }
0x484: {  	s3 =	sor.u32 $0x380, s3;
	[tilespmem:s8+$0x17000] =	vst v1  }
.Ltmp10:
0x485: {  	s2 =	sor.u32 $0x380, s2;
	[tilespmem:s3+$0x17000] =	vst v3;
	(pc) =	sbr.rel @p0 .LBB2_20-.Ltmp10, $4  }
0x486: {  	s28 =	sor.u32 $0x380, s9;
	[tilespmem:s2+$0x17000] =	vst v4  }
0x487: {  	s29 =	sor.u32 $0x380, s19;
	[tilespmem:s28+$0x17000] =	vst v62  }
0x488: {  	s1 =	sadd.s32 s1, s12;
	s30 =	simm.s32 $0x17000;
	[tilespmem:s29+$0x17000] =	vst v63  }
0x489: {  	[hbm4b:s1+s5] =	stream.linear.scatter [tilespmem:s30], [sflag:$0x6], $0x2000, $0x38;
	[tilespmem:$0x19000] =	vst v63  }
.Ltmp11:
0x48a: {  	s1 =	rddreg [dreg:$0xa];
	(pc) =	sbr.rel .LBB2_2-.Ltmp11, $4  }
0x48b: {  	s0 =	sadd.s32 s0, s1  }
0x48c: {  	s30 =	rddreg [dreg:$0x0];
	s0 =	sshll.u32 s0, $0x9  }
0x48d: {  	s31 =	sadd.s32 $0x1, s31;
	s0 =	sadd.s32 s30, s0  }
0x48e: {  	[tilespmem:s17], [sflag:$0x2] =	stream.linear.gather [hbm4b:s0+s5], $0x8000, $0x38;
	[tilespmem:$0x19000] =	vst v63  }
.LBB2_21:
0x48f: {  	_ =	sfence.sel $0x180000  }
0x490: {  	[bflag:$0x0] =	sbarrier.arrive $0xFFFF  }
0x491: {  	_ =	strace $0x90000047  }
0x492: {  	s0 =	stileid.u32;
	[bflag:$0x2] =	sbarrier.arrive $0xFFFF  }
0x493: {  	p0 =	sne.s32 s0, $0x0;
	s0 =	rddreg [dreg:$0x3]  }
0x494: {  	s0 =	sadd.s32 @!p0 $0x100000, s0  }
0x495: {  	[sflag:s0] =	ssyncadd.tile.s32 @!p0 $0x1;
	_ =	shalt  }
.Lfunc_end2:
_tile_overlayer_lowered:
.L_overlay_start_2:
0x496: {  	(tag) =	ssettag $0x2  }
0x497: {  	s0 =	rddreg [dreg:$0x0];
	s2 =	stileid.u32  }
0x498: {  	s1 =	rddreg [dreg:$0x1];
	p0 =	sne.s32 s2, $0x0  }
0x499: {  	s3 =	rddreg [dreg:$0x2];
	[bflag:$0x3] =	sbarrier.arrive $0xFFFF;
	s2 =	simm.s32 @!p0 $0x1C07  }
0x49a: {  	[timem:s3], [sflag:s2] =	dma.local @!p0 [hbm:s0], s1  }
0x49b: {  	s0 =	simm.s32 @!p0 $0x7  }
0x49c: {  	_ =	swait.ge @!p0 [sflag:s0], s1  }
0x49d: {  	s1 =	ssub.s32 @!p0 $0x0, s1;
	[sflag:s0] =	ssyncset.done @!p0 $0x0  }
0x49e: {  	[sflag:s0] =	ssyncadd.s32 @!p0 s1  }
0x49f: {  	[bflag:$0x3] =	sbarrier.arrive $0xFFFF  }
0x4a0: {  	_ =	shalt  }

</sc_bundles>
